<compile_context>
chip_gen: v7x
topology: tpu7x:2x2x1
jax: 0.10.2.dev20260603
libtpu: 0.0.44.dev20260713+nightly
codegen_flags: <defaults>
</compile_context>

<pallas_src>
import functools

import jax
import jax.numpy as jnp
from jax import lax
from jax.experimental import pallas as pl
from jax.experimental.pallas import tpu as pltpu
from jax.experimental.pallas import tpu_sc as plsc

N_NODES_K = 50000
D = 256
N_SEG = 512

N_TILES = 16
LANE = 128
CHUNKS = 25
PER_TILE = CHUNKS * LANE
N_PAD = N_TILES * PER_TILE
ACC = N_SEG + 16

TC_BLK = 10240
TC_OUT_SUB = TC_BLK // 128


def _matvec_body(x_ref, w_ref, y_ref):
    v = jnp.dot(x_ref[...], w_ref[...], preferred_element_type=jnp.float32)
    y_ref[...] = v.reshape(TC_OUT_SUB, 128)


def _matvec(x, W):
    return pl.pallas_call(
        _matvec_body,
        grid=(N_PAD // TC_BLK,),
        in_specs=[
            pl.BlockSpec((TC_BLK, D), lambda i: (i, 0)),
            pl.BlockSpec((D, 1), lambda i: (0, 0)),
        ],
        out_specs=pl.BlockSpec((TC_OUT_SUB, 128), lambda i: (i, 0)),
        out_shape=jax.ShapeDtypeStruct((N_PAD // 128, 128), jnp.float32),
        compiler_params=pltpu.CompilerParams(
            dimension_semantics=("parallel",)
        ),
    )(x, W)


_MESH = plsc.VectorSubcoreMesh(
    core_axis_name="c", subcore_axis_name="s", num_cores=1
)


@functools.partial(
    pl.kernel,
    out_type=jax.ShapeDtypeStruct((N_SEG,), jnp.float32),
    mesh=_MESH,
    scratch_types=[
        pltpu.VMEM((CHUNKS, LANE), jnp.int32),
        pltpu.VMEM((CHUNKS, LANE), jnp.float32),
        pltpu.VMEM((CHUNKS, LANE), jnp.float32),
        pltpu.VMEM((2 * ACC,), jnp.float32),
        pltpu.VMEM_SHARED((ACC,), jnp.float32),
        pltpu.VMEM_SHARED((ACC,), jnp.float32),
        pltpu.VMEM((32,), jnp.float32),
        pltpu.VMEM((32,), jnp.float32),
        pltpu.VMEM((32,), jnp.float32),
        pltpu.VMEM((16,), jnp.float32),
        pltpu.SemaphoreType.DMA,
        pltpu.SemaphoreType.DMA,
    ],
)
def _sc_segment(y_hbm, ids_hbm, b_hbm, out_hbm,
                idx_v, y_v, ones_v, zeros_v, sums_sh, counts_sh,
                s_v, c_v, o_v, b_v, sem_a, sem_b):
    sid = lax.axis_index("s")

    d_ids = pltpu.async_copy(ids_hbm.at[sid], idx_v, sem_a)
    d_y = pltpu.async_copy(y_hbm.at[sid], y_v, sem_b)
    d_b = pltpu.async_copy(b_hbm, b_v, sem_a)

    for j in range(CHUNKS):
        for i in range(LANE // 16):
            ones_v[j, pl.ds(i * 16, 16)] = jnp.ones((16,), jnp.float32)
    for i in range(2 * ACC // 16):
        zeros_v[pl.ds(i * 16, 16)] = jnp.zeros((16,), jnp.float32)

    @pl.when(sid == 0)
    def _():
        pltpu.sync_copy(zeros_v.at[pl.ds(0, ACC)], sums_sh)

    @pl.when(sid == 1)
    def _():
        pltpu.sync_copy(zeros_v.at[pl.ds(ACC, ACC)], counts_sh)

    d_ids.wait()
    d_y.wait()
    d_b.wait()
    plsc.subcore_barrier()

    def fire(j, carry):
        pltpu.async_copy(y_v.at[j], sums_sh.at[idx_v.at[j]], sem_a, add=True)
        pltpu.async_copy(ones_v.at[j], counts_sh.at[idx_v.at[j]], sem_b,
                         add=True)
        return carry

    lax.fori_loop(0, CHUNKS, fire, 0)

    def drain(j, carry):
        pltpu.make_async_copy(y_v.at[j], sums_sh.at[idx_v.at[j]],
                              sem_a).wait()
        pltpu.make_async_copy(ones_v.at[j], counts_sh.at[idx_v.at[j]],
                              sem_b).wait()
        return carry

    lax.fori_loop(0, CHUNKS, drain, 0)

    plsc.subcore_barrier()

    base = sid * 32
    pltpu.sync_copy(sums_sh.at[pl.ds(base, 32)], s_v)
    pltpu.sync_copy(counts_sh.at[pl.ds(base, 32)], c_v)
    bvec = b_v[...]
    for i in range(2):
        s = s_v[pl.ds(i * 16, 16)]
        c = c_v[pl.ds(i * 16, 16)]
        z = s / jnp.maximum(c, 1.0) + bvec
        o_v[pl.ds(i * 16, 16)] = 1.0 / (1.0 + jnp.exp(-z))
    pltpu.sync_copy(o_v, out_hbm.at[pl.ds(base, 32)])


def kernel(x, batch, W, b):
    y2 = _matvec(x, W)

    n_extra = N_PAD - N_NODES_K
    ids = batch.astype(jnp.int32)
    pad_ids = N_SEG + (jnp.arange(n_extra, dtype=jnp.int32) % 16)
    ids_pad = jnp.concatenate([ids, pad_ids])

    ids3 = ids_pad.reshape(N_TILES, CHUNKS, LANE)
    y3 = y2.reshape(N_TILES, CHUNKS, LANE)
    b16 = jnp.broadcast_to(b.astype(jnp.float32), (16,))

    out = _sc_segment(y3, ids3, b16)
    return out.reshape(N_SEG, 1)

# --- scband reference (transcript-rebuilt; emitter-appended) ---
"""Pipeline reference for scband-graph-classifier-12000138625366 (READ-ONLY COPY).

The authoritative reference and input builder live on the scoring server;
editing this copy changes nothing except your own understanding.
"""

import jax, jax.numpy as jnp
import numpy as np

N_NODES = 50000
D_FEAT = 256
N_GRAPHS = 512
OUT_CH = 1


def setup_inputs(seed: int = 0) -> dict:
    key = jax.random.key(seed)
    k1, k2, k3 = jax.random.split(key, 3)
    x = jax.random.normal(k1, (N_NODES, D_FEAT), dtype=jnp.float32)
    batch = jnp.sort(jax.random.randint(k2, (N_NODES,), 0, N_GRAPHS, dtype=jnp.int64))
    # torch.nn.Linear default init: U(-1/sqrt(in), 1/sqrt(in))
    bound = 1.0 / np.sqrt(D_FEAT)
    k3a, k3b = jax.random.split(k3)
    W = jax.random.uniform(k3a, (D_FEAT, OUT_CH), dtype=jnp.float32, minval=-bound, maxval=bound)
    b = jax.random.uniform(k3b, (OUT_CH,), dtype=jnp.float32, minval=-bound, maxval=bound)
    return {"x": x, "batch": batch, "W": W, "b": b}


def reference(x, batch, W, b):
    # global_mean_pool: segment mean over graphs
    sums = jax.ops.segment_sum(x, batch, num_segments=N_GRAPHS)
    counts = jax.ops.segment_sum(jnp.ones((x.shape[0], 1), dtype=x.dtype), batch, num_segments=N_GRAPHS)
    pooled = sums / jnp.clip(counts, 1.0, None)
    # linear head + sigmoid
    logits = pooled @ W + b
    return jax.nn.sigmoid(logits)

if __name__ == "__main__":
    import jax
    _d = setup_inputs()
    print(jax.jit(kernel)(*tuple(_d.values())))

</pallas_src>

<mosaic_0001>
#map = affine_map<(d0, d1) -> (0, 0, 0)>
#map1 = affine_map<(d0, d1) -> (0)>
module attributes {stable_mosaic.version = 14 : i64} {
  func.func @_sc_segment(%arg0: i32, %arg1: i32, %arg2: memref<16x25x128xf32, #tpu.memory_space<hbm>>, %arg3: memref<16x25x128xi32, #tpu.memory_space<hbm>>, %arg4: memref<16xf32, #tpu.memory_space<hbm>>, %arg5: memref<512xf32, #tpu.memory_space<hbm>>, %arg6: memref<25x128xi32, #tpu.memory_space<vmem>>, %arg7: memref<25x128xf32, #tpu.memory_space<vmem>>, %arg8: memref<25x128xf32, #tpu.memory_space<vmem>>, %arg9: memref<1056xf32, #tpu.memory_space<vmem>>, %arg10: memref<528xf32, #tpu.memory_space<vmem_shared>>, %arg11: memref<528xf32, #tpu.memory_space<vmem_shared>>, %arg12: memref<32xf32, #tpu.memory_space<vmem>>, %arg13: memref<32xf32, #tpu.memory_space<vmem>>, %arg14: memref<32xf32, #tpu.memory_space<vmem>>, %arg15: memref<16xf32, #tpu.memory_space<vmem>>, %arg16: memref<!tpu.dma_semaphore, #tpu.memory_space<semaphore_mem>>, %arg17: memref<!tpu.dma_semaphore, #tpu.memory_space<semaphore_mem>>) attributes {dimension_semantics = [#tpu.dimension_semantics<core_parallel>, #tpu.dimension_semantics<subcore_parallel>], iteration_bounds = array<i64: 1, 16>, scalar_prefetch = 0 : i64, scratch_operands = 12 : i64, tpu.core_type = #tpu.core_type<sc_vector_subcore>, window_params = [{transform_indices = #map}, {transform_indices = #map}, {transform_indices = #map1}, {transform_indices = #map1}]} {
    %dma_start3A = arith.constant 0 : i32
    %dma_start3A_0 = arith.constant 0 : i32
    %dma_start3A_1 = tpu.memref_slice %arg3[%arg1, %dma_start3A, %dma_start3A_0] : memref<16x25x128xi32, #tpu.memory_space<hbm>> -> memref<1x25x128xi32, #tpu.memory_space<hbm>>
    %dma_start3A_2 = tpu.memref_squeeze %dma_start3A_1 : memref<1x25x128xi32, #tpu.memory_space<hbm>> -> memref<25x128xi32, #tpu.memory_space<hbm>>
    %dma_start3A_3 = arith.constant 0 : i32
    %dma_start3A_4 = arith.constant 0 : i32
    %dma_start3A_5 = tpu.memref_slice %arg3[%arg1, %dma_start3A_3, %dma_start3A_4] : memref<16x25x128xi32, #tpu.memory_space<hbm>> -> memref<1x25x128xi32, #tpu.memory_space<hbm>>
    %dma_start3A_6 = tpu.memref_squeeze %dma_start3A_5 : memref<1x25x128xi32, #tpu.memory_space<hbm>> -> memref<25x128xi32, #tpu.memory_space<hbm>>
    tpu.enqueue_dma source(%dma_start3A_6 : memref<25x128xi32, #tpu.memory_space<hbm>>) target(%arg6 : memref<25x128xi32, #tpu.memory_space<vmem>>) target_semaphore(%arg16 : memref<!tpu.dma_semaphore, #tpu.memory_space<semaphore_mem>>)
    %dma_start3A_7 = arith.constant 0 : i32
    %dma_start3A_8 = arith.constant 0 : i32
    %dma_start3A_9 = tpu.memref_slice %arg2[%arg1, %dma_start3A_7, %dma_start3A_8] : memref<16x25x128xf32, #tpu.memory_space<hbm>> -> memref<1x25x128xf32, #tpu.memory_space<hbm>>
    %dma_start3A_10 = tpu.memref_squeeze %dma_start3A_9 : memref<1x25x128xf32, #tpu.memory_space<hbm>> -> memref<25x128xf32, #tpu.memory_space<hbm>>
    %dma_start3A_11 = arith.constant 0 : i32
    %dma_start3A_12 = arith.constant 0 : i32
    %dma_start3A_13 = tpu.memref_slice %arg2[%arg1, %dma_start3A_11, %dma_start3A_12] : memref<16x25x128xf32, #tpu.memory_space<hbm>> -> memref<1x25x128xf32, #tpu.memory_space<hbm>>
    %dma_start3A_14 = tpu.memref_squeeze %dma_start3A_13 : memref<1x25x128xf32, #tpu.memory_space<hbm>> -> memref<25x128xf32, #tpu.memory_space<hbm>>
    tpu.enqueue_dma source(%dma_start3A_14 : memref<25x128xf32, #tpu.memory_space<hbm>>) target(%arg7 : memref<25x128xf32, #tpu.memory_space<vmem>>) target_semaphore(%arg17 : memref<!tpu.dma_semaphore, #tpu.memory_space<semaphore_mem>>)
    tpu.enqueue_dma source(%arg4 : memref<16xf32, #tpu.memory_space<hbm>>) target(%arg15 : memref<16xf32, #tpu.memory_space<vmem>>) target_semaphore(%arg16 : memref<!tpu.dma_semaphore, #tpu.memory_space<semaphore_mem>>)
    %broadcast_in_dim3A = arith.constant 1.000000e+00 : f32
    %broadcast_in_dim3A_15 = vector.broadcast %broadcast_in_dim3A : f32 to vector<16xf32>
    %swap3A = arith.constant 0 : i32
    %swap3A_16 = arith.index_cast %swap3A : i32 to index
    %swap3A_17 = arith.constant 0 : index
    %swap3A_18 = tpu.vector_load %arg8[%swap3A_16, %swap3A_17] {strides = array<i32>} : memref<25x128xf32, #tpu.memory_space<vmem>>, vector<1x16xf32>,
    %swap3A_19 = vector.shape_cast %swap3A_18 : vector<1x16xf32> to vector<16xf32>
    %swap3A_20 = vector.shape_cast %broadcast_in_dim3A_15 : vector<16xf32> to vector<1x16xf32>
    tpu.vector_store %arg8[%swap3A_16, %swap3A_17], %swap3A_20 {strides = array<i32>} : memref<25x128xf32, #tpu.memory_space<vmem>>, vector<1x16xf32>,
    %broadcast_in_dim3A_21 = arith.constant 1.000000e+00 : f32
    %broadcast_in_dim3A_22 = vector.broadcast %broadcast_in_dim3A_21 : f32 to vector<16xf32>
    %swap3A_23 = arith.constant 0 : i32
    %swap3A_24 = arith.index_cast %swap3A_23 : i32 to index
    %swap3A_25 = arith.constant 16 : index
    %swap3A_26 = tpu.vector_load %arg8[%swap3A_24, %swap3A_25] {strides = array<i32>} : memref<25x128xf32, #tpu.memory_space<vmem>>, vector<1x16xf32>,
    %swap3A_27 = vector.shape_cast %swap3A_26 : vector<1x16xf32> to vector<16xf32>
    %swap3A_28 = vector.shape_cast %broadcast_in_dim3A_22 : vector<16xf32> to vector<1x16xf32>
    tpu.vector_store %arg8[%swap3A_24, %swap3A_25], %swap3A_28 {strides = array<i32>} : memref<25x128xf32, #tpu.memory_space<vmem>>, vector<1x16xf32>,
    %broadcast_in_dim3A_29 = arith.constant 1.000000e+00 : f32
    %broadcast_in_dim3A_30 = vector.broadcast %broadcast_in_dim3A_29 : f32 to vector<16xf32>
    %swap3A_31 = arith.constant 0 : i32
    %swap3A_32 = arith.index_cast %swap3A_31 : i32 to index
    %swap3A_33 = arith.constant 32 : index
    %swap3A_34 = tpu.vector_load %arg8[%swap3A_32, %swap3A_33] {strides = array<i32>} : memref<25x128xf32, #tpu.memory_space<vmem>>, vector<1x16xf32>,
    %swap3A_35 = vector.shape_cast %swap3A_34 : vector<1x16xf32> to vector<16xf32>
    %swap3A_36 = vector.shape_cast %broadcast_in_dim3A_30 : vector<16xf32> to vector<1x16xf32>
    tpu.vector_store %arg8[%swap3A_32, %swap3A_33], %swap3A_36 {strides = array<i32>} : memref<25x128xf32, #tpu.memory_space<vmem>>, vector<1x16xf32>,
    %broadcast_in_dim3A_37 = arith.constant 1.000000e+00 : f32
    %broadcast_in_dim3A_38 = vector.broadcast %broadcast_in_dim3A_37 : f32 to vector<16xf32>
    %swap3A_39 = arith.constant 0 : i32
    %swap3A_40 = arith.index_cast %swap3A_39 : i32 to index
    %swap3A_41 = arith.constant 48 : index
    %swap3A_42 = tpu.vector_load %arg8[%swap3A_40, %swap3A_41] {strides = array<i32>} : memref<25x128xf32, #tpu.memory_space<vmem>>, vector<1x16xf32>,
    %swap3A_43 = vector.shape_cast %swap3A_42 : vector<1x16xf32> to vector<16xf32>
    %swap3A_44 = vector.shape_cast %broadcast_in_dim3A_38 : vector<16xf32> to vector<1x16xf32>
    tpu.vector_store %arg8[%swap3A_40, %swap3A_41], %swap3A_44 {strides = array<i32>} : memref<25x128xf32, #tpu.memory_space<vmem>>, vector<1x16xf32>,
    %broadcast_in_dim3A_45 = arith.constant 1.000000e+00 : f32
    %broadcast_in_dim3A_46 = vector.broadcast %broadcast_in_dim3A_45 : f32 to vector<16xf32>
    %swap3A_47 = arith.constant 0 : i32
    %swap3A_48 = arith.index_cast %swap3A_47 : i32 to index
    %swap3A_49 = arith.constant 64 : index
    %swap3A_50 = tpu.vector_load %arg8[%swap3A_48, %swap3A_49] {strides = array<i32>} : memref<25x128xf32, #tpu.memory_space<vmem>>, vector<1x16xf32>,
    %swap3A_51 = vector.shape_cast %swap3A_50 : vector<1x16xf32> to vector<16xf32>
    %swap3A_52 = vector.shape_cast %broadcast_in_dim3A_46 : vector<16xf32> to vector<1x16xf32>
    tpu.vector_store %arg8[%swap3A_48, %swap3A_49], %swap3A_52 {strides = array<i32>} : memref<25x128xf32, #tpu.memory_space<vmem>>, vector<1x16xf32>,
    %broadcast_in_dim3A_53 = arith.constant 1.000000e+00 : f32
    %broadcast_in_dim3A_54 = vector.broadcast %broadcast_in_dim3A_53 : f32 to vector<16xf32>
    %swap3A_55 = arith.constant 0 : i32
    %swap3A_56 = arith.index_cast %swap3A_55 : i32 to index
    %swap3A_57 = arith.constant 80 : index
    %swap3A_58 = tpu.vector_load %arg8[%swap3A_56, %swap3A_57] {strides = array<i32>} : memref<25x128xf32, #tpu.memory_space<vmem>>, vector<1x16xf32>,
    %swap3A_59 = vector.shape_cast %swap3A_58 : vector<1x16xf32> to vector<16xf32>
    %swap3A_60 = vector.shape_cast %broadcast_in_dim3A_54 : vector<16xf32> to vector<1x16xf32>
    tpu.vector_store %arg8[%swap3A_56, %swap3A_57], %swap3A_60 {strides = array<i32>} : memref<25x128xf32, #tpu.memory_space<vmem>>, vector<1x16xf32>,
    %broadcast_in_dim3A_61 = arith.constant 1.000000e+00 : f32
    %broadcast_in_dim3A_62 = vector.broadcast %broadcast_in_dim3A_61 : f32 to vector<16xf32>
    %swap3A_63 = arith.constant 0 : i32
    %swap3A_64 = arith.index_cast %swap3A_63 : i32 to index
    %swap3A_65 = arith.constant 96 : index
    %swap3A_66 = tpu.vector_load %arg8[%swap3A_64, %swap3A_65] {strides = array<i32>} : memref<25x128xf32, #tpu.memory_space<vmem>>, vector<1x16xf32>,
    %swap3A_67 = vector.shape_cast %swap3A_66 : vector<1x16xf32> to vector<16xf32>
    %swap3A_68 = vector.shape_cast %broadcast_in_dim3A_62 : vector<16xf32> to vector<1x16xf32>
    tpu.vector_store %arg8[%swap3A_64, %swap3A_65], %swap3A_68 {strides = array<i32>} : memref<25x128xf32, #tpu.memory_space<vmem>>, vector<1x16xf32>,
    %broadcast_in_dim3A_69 = arith.constant 1.000000e+00 : f32
    %broadcast_in_dim3A_70 = vector.broadcast %broadcast_in_dim3A_69 : f32 to vector<16xf32>
    %swap3A_71 = arith.constant 0 : i32
    %swap3A_72 = arith.index_cast %swap3A_71 : i32 to index
    %swap3A_73 = arith.constant 112 : index
    %swap3A_74 = tpu.vector_load %arg8[%swap3A_72, %swap3A_73] {strides = array<i32>} : memref<25x128xf32, #tpu.memory_space<vmem>>, vector<1x16xf32>,
    %swap3A_75 = vector.shape_cast %swap3A_74 : vector<1x16xf32> to vector<16xf32>
    %swap3A_76 = vector.shape_cast %broadcast_in_dim3A_70 : vector<16xf32> to vector<1x16xf32>
    tpu.vector_store %arg8[%swap3A_72, %swap3A_73], %swap3A_76 {strides = array<i32>} : memref<25x128xf32, #tpu.memory_space<vmem>>, vector<1x16xf32>,
    %broadcast_in_dim3A_77 = arith.constant 1.000000e+00 : f32
    %broadcast_in_dim3A_78 = vector.broadcast %broadcast_in_dim3A_77 : f32 to vector<16xf32>
    %swap3A_79 = arith.constant 1 : i32
    %swap3A_80 = arith.index_cast %swap3A_79 : i32 to index
    %swap3A_81 = arith.constant 0 : index
    %swap3A_82 = tpu.vector_load %arg8[%swap3A_80, %swap3A_81] {strides = array<i32>} : memref<25x128xf32, #tpu.memory_space<vmem>>, vector<1x16xf32>,
    %swap3A_83 = vector.shape_cast %swap3A_82 : vector<1x16xf32> to vector<16xf32>
    %swap3A_84 = vector.shape_cast %broadcast_in_dim3A_78 : vector<16xf32> to vector<1x16xf32>
    tpu.vector_store %arg8[%swap3A_80, %swap3A_81], %swap3A_84 {strides = array<i32>} : memref<25x128xf32, #tpu.memory_space<vmem>>, vector<1x16xf32>,
    %broadcast_in_dim3A_85 = arith.constant 1.000000e+00 : f32
    %broadcast_in_dim3A_86 = vector.broadcast %broadcast_in_dim3A_85 : f32 to vector<16xf32>
    %swap3A_87 = arith.constant 1 : i32
    %swap3A_88 = arith.index_cast %swap3A_87 : i32 to index
    %swap3A_89 = arith.constant 16 : index
    %swap3A_90 = tpu.vector_load %arg8[%swap3A_88, %swap3A_89] {strides = array<i32>} : memref<25x128xf32, #tpu.memory_space<vmem>>, vector<1x16xf32>,
    %swap3A_91 = vector.shape_cast %swap3A_90 : vector<1x16xf32> to vector<16xf32>
    %swap3A_92 = vector.shape_cast %broadcast_in_dim3A_86 : vector<16xf32> to vector<1x16xf32>
    tpu.vector_store %arg8[%swap3A_88, %swap3A_89], %swap3A_92 {strides = array<i32>} : memref<25x128xf32, #tpu.memory_space<vmem>>, vector<1x16xf32>,
    %broadcast_in_dim3A_93 = arith.constant 1.000000e+00 : f32
    %broadcast_in_dim3A_94 = vector.broadcast %broadcast_in_dim3A_93 : f32 to vector<16xf32>
    %swap3A_95 = arith.constant 1 : i32
    %swap3A_96 = arith.index_cast %swap3A_95 : i32 to index
    %swap3A_97 = arith.constant 32 : index
    %swap3A_98 = tpu.vector_load %arg8[%swap3A_96, %swap3A_97] {strides = array<i32>} : memref<25x128xf32, #tpu.memory_space<vmem>>, vector<1x16xf32>,
    %swap3A_99 = vector.shape_cast %swap3A_98 : vector<1x16xf32> to vector<16xf32>
    %swap3A_100 = vector.shape_cast %broadcast_in_dim3A_94 : vector<16xf32> to vector<1x16xf32>
    tpu.vector_store %arg8[%swap3A_96, %swap3A_97], %swap3A_100 {strides = array<i32>} : memref<25x128xf32, #tpu.memory_space<vmem>>, vector<1x16xf32>,
    %broadcast_in_dim3A_101 = arith.constant 1.000000e+00 : f32
    %broadcast_in_dim3A_102 = vector.broadcast %broadcast_in_dim3A_101 : f32 to vector<16xf32>
    %swap3A_103 = arith.constant 1 : i32
    %swap3A_104 = arith.index_cast %swap3A_103 : i32 to index
    %swap3A_105 = arith.constant 48 : index
    %swap3A_106 = tpu.vector_load %arg8[%swap3A_104, %swap3A_105] {strides = array<i32>} : memref<25x128xf32, #tpu.memory_space<vmem>>, vector<1x16xf32>,
    %swap3A_107 = vector.shape_cast %swap3A_106 : vector<1x16xf32> to vector<16xf32>
    %swap3A_108 = vector.shape_cast %broadcast_in_dim3A_102 : vector<16xf32> to vector<1x16xf32>
    tpu.vector_store %arg8[%swap3A_104, %swap3A_105], %swap3A_108 {strides = array<i32>} : memref<25x128xf32, #tpu.memory_space<vmem>>, vector<1x16xf32>,
    %broadcast_in_dim3A_109 = arith.constant 1.000000e+00 : f32
    %broadcast_in_dim3A_110 = vector.broadcast %broadcast_in_dim3A_109 : f32 to vector<16xf32>
    %swap3A_111 = arith.constant 1 : i32
    %swap3A_112 = arith.index_cast %swap3A_111 : i32 to index
    %swap3A_113 = arith.constant 64 : index
    %swap3A_114 = tpu.vector_load %arg8[%swap3A_112, %swap3A_113] {strides = array<i32>} : memref<25x128xf32, #tpu.memory_space<vmem>>, vector<1x16xf32>,
    %swap3A_115 = vector.shape_cast %swap3A_114 : vector<1x16xf32> to vector<16xf32>
    %swap3A_116 = vector.shape_cast %broadcast_in_dim3A_110 : vector<16xf32> to vector<1x16xf32>
    tpu.vector_store %arg8[%swap3A_112, %swap3A_113], %swap3A_116 {strides = array<i32>} : memref<25x128xf32, #tpu.memory_space<vmem>>, vector<1x16xf32>,
    %broadcast_in_dim3A_117 = arith.constant 1.000000e+00 : f32
    %broadcast_in_dim3A_118 = vector.broadcast %broadcast_in_dim3A_117 : f32 to vector<16xf32>
    %swap3A_119 = arith.constant 1 : i32
    %swap3A_120 = arith.index_cast %swap3A_119 : i32 to index
    %swap3A_121 = arith.constant 80 : index
    %swap3A_122 = tpu.vector_load %arg8[%swap3A_120, %swap3A_121] {strides = array<i32>} : memref<25x128xf32, #tpu.memory_space<vmem>>, vector<1x16xf32>,
    %swap3A_123 = vector.shape_cast %swap3A_122 : vector<1x16xf32> to vector<16xf32>
    %swap3A_124 = vector.shape_cast %broadcast_in_dim3A_118 : vector<16xf32> to vector<1x16xf32>
    tpu.vector_store %arg8[%swap3A_120, %swap3A_121], %swap3A_124 {strides = array<i32>} : memref<25x128xf32, #tpu.memory_space<vmem>>, vector<1x16xf32>,
    %broadcast_in_dim3A_125 = arith.constant 1.000000e+00 : f32
    %broadcast_in_dim3A_126 = vector.broadcast %broadcast_in_dim3A_125 : f32 to vector<16xf32>
    %swap3A_127 = arith.constant 1 : i32
    %swap3A_128 = arith.index_cast %swap3A_127 : i32 to index
    %swap3A_129 = arith.constant 96 : index
    %swap3A_130 = tpu.vector_load %arg8[%swap3A_128, %swap3A_129] {strides = array<i32>} : memref<25x128xf32, #tpu.memory_space<vmem>>, vector<1x16xf32>,
    %swap3A_131 = vector.shape_cast %swap3A_130 : vector<1x16xf32> to vector<16xf32>
    %swap3A_132 = vector.shape_cast %broadcast_in_dim3A_126 : vector<16xf32> to vector<1x16xf32>
    tpu.vector_store %arg8[%swap3A_128, %swap3A_129], %swap3A_132 {strides = array<i32>} : memref<25x128xf32, #tpu.memory_space<vmem>>, vector<1x16xf32>,
    %broadcast_in_dim3A_133 = arith.constant 1.000000e+00 : f32
    %broadcast_in_dim3A_134 = vector.broadcast %broadcast_in_dim3A_133 : f32 to vector<16xf32>
    %swap3A_135 = arith.constant 1 : i32
    %swap3A_136 = arith.index_cast %swap3A_135 : i32 to index
    %swap3A_137 = arith.constant 112 : index
    %swap3A_138 = tpu.vector_load %arg8[%swap3A_136, %swap3A_137] {strides = array<i32>} : memref<25x128xf32, #tpu.memory_space<vmem>>, vector<1x16xf32>,
    %swap3A_139 = vector.shape_cast %swap3A_138 : vector<1x16xf32> to vector<16xf32>
    %swap3A_140 = vector.shape_cast %broadcast_in_dim3A_134 : vector<16xf32> to vector<1x16xf32>
    tpu.vector_store %arg8[%swap3A_136, %swap3A_137], %swap3A_140 {strides = array<i32>} : memref<25x128xf32, #tpu.memory_space<vmem>>, vector<1x16xf32>,
    %broadcast_in_dim3A_141 = arith.constant 1.000000e+00 : f32
    %broadcast_in_dim3A_142 = vector.broadcast %broadcast_in_dim3A_141 : f32 to vector<16xf32>
    %swap3A_143 = arith.constant 2 : i32
    %swap3A_144 = arith.index_cast %swap3A_143 : i32 to index
    %swap3A_145 = arith.constant 0 : index
    %swap3A_146 = tpu.vector_load %arg8[%swap3A_144, %swap3A_145] {strides = array<i32>} : memref<25x128xf32, #tpu.memory_space<vmem>>, vector<1x16xf32>,
    %swap3A_147 = vector.shape_cast %swap3A_146 : vector<1x16xf32> to vector<16xf32>
    %swap3A_148 = vector.shape_cast %broadcast_in_dim3A_142 : vector<16xf32> to vector<1x16xf32>
    tpu.vector_store %arg8[%swap3A_144, %swap3A_145], %swap3A_148 {strides = array<i32>} : memref<25x128xf32, #tpu.memory_space<vmem>>, vector<1x16xf32>,
    %broadcast_in_dim3A_149 = arith.constant 1.000000e+00 : f32
    %broadcast_in_dim3A_150 = vector.broadcast %broadcast_in_dim3A_149 : f32 to vector<16xf32>
    %swap3A_151 = arith.constant 2 : i32
    %swap3A_152 = arith.index_cast %swap3A_151 : i32 to index
    %swap3A_153 = arith.constant 16 : index
    %swap3A_154 = tpu.vector_load %arg8[%swap3A_152, %swap3A_153] {strides = array<i32>} : memref<25x128xf32, #tpu.memory_space<vmem>>, vector<1x16xf32>,
    %swap3A_155 = vector.shape_cast %swap3A_154 : vector<1x16xf32> to vector<16xf32>
    %swap3A_156 = vector.shape_cast %broadcast_in_dim3A_150 : vector<16xf32> to vector<1x16xf32>
    tpu.vector_store %arg8[%swap3A_152, %swap3A_153], %swap3A_156 {strides = array<i32>} : memref<25x128xf32, #tpu.memory_space<vmem>>, vector<1x16xf32>,
    %broadcast_in_dim3A_157 = arith.constant 1.000000e+00 : f32
    %broadcast_in_dim3A_158 = vector.broadcast %broadcast_in_dim3A_157 : f32 to vector<16xf32>
    %swap3A_159 = arith.constant 2 : i32
    %swap3A_160 = arith.index_cast %swap3A_159 : i32 to index
    %swap3A_161 = arith.constant 32 : index
    %swap3A_162 = tpu.vector_load %arg8[%swap3A_160, %swap3A_161] {strides = array<i32>} : memref<25x128xf32, #tpu.memory_space<vmem>>, vector<1x16xf32>,
    %swap3A_163 = vector.shape_cast %swap3A_162 : vector<1x16xf32> to vector<16xf32>
    %swap3A_164 = vector.shape_cast %broadcast_in_dim3A_158 : vector<16xf32> to vector<1x16xf32>
    tpu.vector_store %arg8[%swap3A_160, %swap3A_161], %swap3A_164 {strides = array<i32>} : memref<25x128xf32, #tpu.memory_space<vmem>>, vector<1x16xf32>,
    %broadcast_in_dim3A_165 = arith.constant 1.000000e+00 : f32
    %broadcast_in_dim3A_166 = vector.broadcast %broadcast_in_dim3A_165 : f32 to vector<16xf32>
    %swap3A_167 = arith.constant 2 : i32
    %swap3A_168 = arith.index_cast %swap3A_167 : i32 to index
    %swap3A_169 = arith.constant 48 : index
    %swap3A_170 = tpu.vector_load %arg8[%swap3A_168, %swap3A_169] {strides = array<i32>} : memref<25x128xf32, #tpu.memory_space<vmem>>, vector<1x16xf32>,
    %swap3A_171 = vector.shape_cast %swap3A_170 : vector<1x16xf32> to vector<16xf32>
    %swap3A_172 = vector.shape_cast %broadcast_in_dim3A_166 : vector<16xf32> to vector<1x16xf32>
    tpu.vector_store %arg8[%swap3A_168, %swap3A_169], %swap3A_172 {strides = array<i32>} : memref<25x128xf32, #tpu.memory_space<vmem>>, vector<1x16xf32>,
    %broadcast_in_dim3A_173 = arith.constant 1.000000e+00 : f32
    %broadcast_in_dim3A_174 = vector.broadcast %broadcast_in_dim3A_173 : f32 to vector<16xf32>
    %swap3A_175 = arith.constant 2 : i32
    %swap3A_176 = arith.index_cast %swap3A_175 : i32 to index
    %swap3A_177 = arith.constant 64 : index
    %swap3A_178 = tpu.vector_load %arg8[%swap3A_176, %swap3A_177] {strides = array<i32>} : memref<25x128xf32, #tpu.memory_space<vmem>>, vector<1x16xf32>,
    %swap3A_179 = vector.shape_cast %swap3A_178 : vector<1x16xf32> to vector<16xf32>
    %swap3A_180 = vector.shape_cast %broadcast_in_dim3A_174 : vector<16xf32> to vector<1x16xf32>
    tpu.vector_store %arg8[%swap3A_176, %swap3A_177], %swap3A_180 {strides = array<i32>} : memref<25x128xf32, #tpu.memory_space<vmem>>, vector<1x16xf32>,
    %broadcast_in_dim3A_181 = arith.constant 1.000000e+00 : f32
    %broadcast_in_dim3A_182 = vector.broadcast %broadcast_in_dim3A_181 : f32 to vector<16xf32>
    %swap3A_183 = arith.constant 2 : i32
    %swap3A_184 = arith.index_cast %swap3A_183 : i32 to index
    %swap3A_185 = arith.constant 80 : index
    %swap3A_186 = tpu.vector_load %arg8[%swap3A_184, %swap3A_185] {strides = array<i32>} : memref<25x128xf32, #tpu.memory_space<vmem>>, vector<1x16xf32>,
    %swap3A_187 = vector.shape_cast %swap3A_186 : vector<1x16xf32> to vector<16xf32>
    %swap3A_188 = vector.shape_cast %broadcast_in_dim3A_182 : vector<16xf32> to vector<1x16xf32>
    tpu.vector_store %arg8[%swap3A_184, %swap3A_185], %swap3A_188 {strides = array<i32>} : memref<25x128xf32, #tpu.memory_space<vmem>>, vector<1x16xf32>,
    %broadcast_in_dim3A_189 = arith.constant 1.000000e+00 : f32
    %broadcast_in_dim3A_190 = vector.broadcast %broadcast_in_dim3A_189 : f32 to vector<16xf32>
    %swap3A_191 = arith.constant 2 : i32
    %swap3A_192 = arith.index_cast %swap3A_191 : i32 to index
    %swap3A_193 = arith.constant 96 : index
    %swap3A_194 = tpu.vector_load %arg8[%swap3A_192, %swap3A_193] {strides = array<i32>} : memref<25x128xf32, #tpu.memory_space<vmem>>, vector<1x16xf32>,
    %swap3A_195 = vector.shape_cast %swap3A_194 : vector<1x16xf32> to vector<16xf32>
    %swap3A_196 = vector.shape_cast %broadcast_in_dim3A_190 : vector<16xf32> to vector<1x16xf32>
    tpu.vector_store %arg8[%swap3A_192, %swap3A_193], %swap3A_196 {strides = array<i32>} : memref<25x128xf32, #tpu.memory_space<vmem>>, vector<1x16xf32>,
    %broadcast_in_dim3A_197 = arith.constant 1.000000e+00 : f32
    %broadcast_in_dim3A_198 = vector.broadcast %broadcast_in_dim3A_197 : f32 to vector<16xf32>
    %swap3A_199 = arith.constant 2 : i32
    %swap3A_200 = arith.index_cast %swap3A_199 : i32 to index
    %swap3A_201 = arith.constant 112 : index
    %swap3A_202 = tpu.vector_load %arg8[%swap3A_200, %swap3A_201] {strides = array<i32>} : memref<25x128xf32, #tpu.memory_space<vmem>>, vector<1x16xf32>,
    %swap3A_203 = vector.shape_cast %swap3A_202 : vector<1x16xf32> to vector<16xf32>
    %swap3A_204 = vector.shape_cast %broadcast_in_dim3A_198 : vector<16xf32> to vector<1x16xf32>
    tpu.vector_store %arg8[%swap3A_200, %swap3A_201], %swap3A_204 {strides = array<i32>} : memref<25x128xf32, #tpu.memory_space<vmem>>, vector<1x16xf32>,
    %broadcast_in_dim3A_205 = arith.constant 1.000000e+00 : f32
    %broadcast_in_dim3A_206 = vector.broadcast %broadcast_in_dim3A_205 : f32 to vector<16xf32>
    %swap3A_207 = arith.constant 3 : i32
    %swap3A_208 = arith.index_cast %swap3A_207 : i32 to index
    %swap3A_209 = arith.constant 0 : index
    %swap3A_210 = tpu.vector_load %arg8[%swap3A_208, %swap3A_209] {strides = array<i32>} : memref<25x128xf32, #tpu.memory_space<vmem>>, vector<1x16xf32>,
    %swap3A_211 = vector.shape_cast %swap3A_210 : vector<1x16xf32> to vector<16xf32>
    %swap3A_212 = vector.shape_cast %broadcast_in_dim3A_206 : vector<16xf32> to vector<1x16xf32>
    tpu.vector_store %arg8[%swap3A_208, %swap3A_209], %swap3A_212 {strides = array<i32>} : memref<25x128xf32, #tpu.memory_space<vmem>>, vector<1x16xf32>,
    %broadcast_in_dim3A_213 = arith.constant 1.000000e+00 : f32
    %broadcast_in_dim3A_214 = vector.broadcast %broadcast_in_dim3A_213 : f32 to vector<16xf32>
    %swap3A_215 = arith.constant 3 : i32
    %swap3A_216 = arith.index_cast %swap3A_215 : i32 to index
    %swap3A_217 = arith.constant 16 : index
    %swap3A_218 = tpu.vector_load %arg8[%swap3A_216, %swap3A_217] {strides = array<i32>} : memref<25x128xf32, #tpu.memory_space<vmem>>, vector<1x16xf32>,
    %swap3A_219 = vector.shape_cast %swap3A_218 : vector<1x16xf32> to vector<16xf32>
    %swap3A_220 = vector.shape_cast %broadcast_in_dim3A_214 : vector<16xf32> to vector<1x16xf32>
    tpu.vector_store %arg8[%swap3A_216, %swap3A_217], %swap3A_220 {strides = array<i32>} : memref<25x128xf32, #tpu.memory_space<vmem>>, vector<1x16xf32>,
    %broadcast_in_dim3A_221 = arith.constant 1.000000e+00 : f32
    %broadcast_in_dim3A_222 = vector.broadcast %broadcast_in_dim3A_221 : f32 to vector<16xf32>
    %swap3A_223 = arith.constant 3 : i32
    %swap3A_224 = arith.index_cast %swap3A_223 : i32 to index
    %swap3A_225 = arith.constant 32 : index
    %swap3A_226 = tpu.vector_load %arg8[%swap3A_224, %swap3A_225] {strides = array<i32>} : memref<25x128xf32, #tpu.memory_space<vmem>>, vector<1x16xf32>,
    %swap3A_227 = vector.shape_cast %swap3A_226 : vector<1x16xf32> to vector<16xf32>
    %swap3A_228 = vector.shape_cast %broadcast_in_dim3A_222 : vector<16xf32> to vector<1x16xf32>
    tpu.vector_store %arg8[%swap3A_224, %swap3A_225], %swap3A_228 {strides = array<i32>} : memref<25x128xf32, #tpu.memory_space<vmem>>, vector<1x16xf32>,
    %broadcast_in_dim3A_229 = arith.constant 1.000000e+00 : f32
    %broadcast_in_dim3A_230 = vector.broadcast %broadcast_in_dim3A_229 : f32 to vector<16xf32>
    %swap3A_231 = arith.constant 3 : i32
    %swap3A_232 = arith.index_cast %swap3A_231 : i32 to index
    %swap3A_233 = arith.constant 48 : index
    %swap3A_234 = tpu.vector_load %arg8[%swap3A_232, %swap3A_233] {strides = array<i32>} : memref<25x128xf32, #tpu.memory_space<vmem>>, vector<1x16xf32>,
    %swap3A_235 = vector.shape_cast %swap3A_234 : vector<1x16xf32> to vector<16xf32>
    %swap3A_236 = vector.shape_cast %broadcast_in_dim3A_230 : vector<16xf32> to vector<1x16xf32>
    tpu.vector_store %arg8[%swap3A_232, %swap3A_233], %swap3A_236 {strides = array<i32>} : memref<25x128xf32, #tpu.memory_space<vmem>>, vector<1x16xf32>,
    %broadcast_in_dim3A_237 = arith.constant 1.000000e+00 : f32
    %broadcast_in_dim3A_238 = vector.broadcast %broadcast_in_dim3A_237 : f32 to vector<16xf32>
    %swap3A_239 = arith.constant 3 : i32
    %swap3A_240 = arith.index_cast %swap3A_239 : i32 to index
    %swap3A_241 = arith.constant 64 : index
    %swap3A_242 = tpu.vector_load %arg8[%swap3A_240, %swap3A_241] {strides = array<i32>} : memref<25x128xf32, #tpu.memory_space<vmem>>, vector<1x16xf32>,
    %swap3A_243 = vector.shape_cast %swap3A_242 : vector<1x16xf32> to vector<16xf32>
    %swap3A_244 = vector.shape_cast %broadcast_in_dim3A_238 : vector<16xf32> to vector<1x16xf32>
    tpu.vector_store %arg8[%swap3A_240, %swap3A_241], %swap3A_244 {strides = array<i32>} : memref<25x128xf32, #tpu.memory_space<vmem>>, vector<1x16xf32>,
    %broadcast_in_dim3A_245 = arith.constant 1.000000e+00 : f32
    %broadcast_in_dim3A_246 = vector.broadcast %broadcast_in_dim3A_245 : f32 to vector<16xf32>
    %swap3A_247 = arith.constant 3 : i32
    %swap3A_248 = arith.index_cast %swap3A_247 : i32 to index
    %swap3A_249 = arith.constant 80 : index
    %swap3A_250 = tpu.vector_load %arg8[%swap3A_248, %swap3A_249] {strides = array<i32>} : memref<25x128xf32, #tpu.memory_space<vmem>>, vector<1x16xf32>,
    %swap3A_251 = vector.shape_cast %swap3A_250 : vector<1x16xf32> to vector<16xf32>
    %swap3A_252 = vector.shape_cast %broadcast_in_dim3A_246 : vector<16xf32> to vector<1x16xf32>
    tpu.vector_store %arg8[%swap3A_248, %swap3A_249], %swap3A_252 {strides = array<i32>} : memref<25x128xf32, #tpu.memory_space<vmem>>, vector<1x16xf32>,
    %broadcast_in_dim3A_253 = arith.constant 1.000000e+00 : f32
    %broadcast_in_dim3A_254 = vector.broadcast %broadcast_in_dim3A_253 : f32 to vector<16xf32>
    %swap3A_255 = arith.constant 3 : i32
    %swap3A_256 = arith.index_cast %swap3A_255 : i32 to index
    %swap3A_257 = arith.constant 96 : index
    %swap3A_258 = tpu.vector_load %arg8[%swap3A_256, %swap3A_257] {strides = array<i32>} : memref<25x128xf32, #tpu.memory_space<vmem>>, vector<1x16xf32>,
    %swap3A_259 = vector.shape_cast %swap3A_258 : vector<1x16xf32> to vector<16xf32>
    %swap3A_260 = vector.shape_cast %broadcast_in_dim3A_254 : vector<16xf32> to vector<1x16xf32>
    tpu.vector_store %arg8[%swap3A_256, %swap3A_257], %swap3A_260 {strides = array<i32>} : memref<25x128xf32, #tpu.memory_space<vmem>>, vector<1x16xf32>,
    %broadcast_in_dim3A_261 = arith.constant 1.000000e+00 : f32
    %broadcast_in_dim3A_262 = vector.broadcast %broadcast_in_dim3A_261 : f32 to vector<16xf32>
    %swap3A_263 = arith.constant 3 : i32
    %swap3A_264 = arith.index_cast %swap3A_263 : i32 to index
    %swap3A_265 = arith.constant 112 : index
    %swap3A_266 = tpu.vector_load %arg8[%swap3A_264, %swap3A_265] {strides = array<i32>} : memref<25x128xf32, #tpu.memory_space<vmem>>, vector<1x16xf32>,
    %swap3A_267 = vector.shape_cast %swap3A_266 : vector<1x16xf32> to vector<16xf32>
    %swap3A_268 = vector.shape_cast %broadcast_in_dim3A_262 : vector<16xf32> to vector<1x16xf32>
    tpu.vector_store %arg8[%swap3A_264, %swap3A_265], %swap3A_268 {strides = array<i32>} : memref<25x128xf32, #tpu.memory_space<vmem>>, vector<1x16xf32>,
    %broadcast_in_dim3A_269 = arith.constant 1.000000e+00 : f32
    %broadcast_in_dim3A_270 = vector.broadcast %broadcast_in_dim3A_269 : f32 to vector<16xf32>
    %swap3A_271 = arith.constant 4 : i32
    %swap3A_272 = arith.index_cast %swap3A_271 : i32 to index
    %swap3A_273 = arith.constant 0 : index
    %swap3A_274 = tpu.vector_load %arg8[%swap3A_272, %swap3A_273] {strides = array<i32>} : memref<25x128xf32, #tpu.memory_space<vmem>>, vector<1x16xf32>,
    %swap3A_275 = vector.shape_cast %swap3A_274 : vector<1x16xf32> to vector<16xf32>
    %swap3A_276 = vector.shape_cast %broadcast_in_dim3A_270 : vector<16xf32> to vector<1x16xf32>
    tpu.vector_store %arg8[%swap3A_272, %swap3A_273], %swap3A_276 {strides = array<i32>} : memref<25x128xf32, #tpu.memory_space<vmem>>, vector<1x16xf32>,
    %broadcast_in_dim3A_277 = arith.constant 1.000000e+00 : f32
    %broadcast_in_dim3A_278 = vector.broadcast %broadcast_in_dim3A_277 : f32 to vector<16xf32>
    %swap3A_279 = arith.constant 4 : i32
    %swap3A_280 = arith.index_cast %swap3A_279 : i32 to index
    %swap3A_281 = arith.constant 16 : index
    %swap3A_282 = tpu.vector_load %arg8[%swap3A_280, %swap3A_281] {strides = array<i32>} : memref<25x128xf32, #tpu.memory_space<vmem>>, vector<1x16xf32>,
    %swap3A_283 = vector.shape_cast %swap3A_282 : vector<1x16xf32> to vector<16xf32>
    %swap3A_284 = vector.shape_cast %broadcast_in_dim3A_278 : vector<16xf32> to vector<1x16xf32>
    tpu.vector_store %arg8[%swap3A_280, %swap3A_281], %swap3A_284 {strides = array<i32>} : memref<25x128xf32, #tpu.memory_space<vmem>>, vector<1x16xf32>,
    %broadcast_in_dim3A_285 = arith.constant 1.000000e+00 : f32
    %broadcast_in_dim3A_286 = vector.broadcast %broadcast_in_dim3A_285 : f32 to vector<16xf32>
    %swap3A_287 = arith.constant 4 : i32
    %swap3A_288 = arith.index_cast %swap3A_287 : i32 to index
    %swap3A_289 = arith.constant 32 : index
    %swap3A_290 = tpu.vector_load %arg8[%swap3A_288, %swap3A_289] {strides = array<i32>} : memref<25x128xf32, #tpu.memory_space<vmem>>, vector<1x16xf32>,
    %swap3A_291 = vector.shape_cast %swap3A_290 : vector<1x16xf32> to vector<16xf32>
    %swap3A_292 = vector.shape_cast %broadcast_in_dim3A_286 : vector<16xf32> to vector<1x16xf32>
    tpu.vector_store %arg8[%swap3A_288, %swap3A_289], %swap3A_292 {strides = array<i32>} : memref<25x128xf32, #tpu.memory_space<vmem>>, vector<1x16xf32>,
    %broadcast_in_dim3A_293 = arith.constant 1.000000e+00 : f32
    %broadcast_in_dim3A_294 = vector.broadcast %broadcast_in_dim3A_293 : f32 to vector<16xf32>
    %swap3A_295 = arith.constant 4 : i32
    %swap3A_296 = arith.index_cast %swap3A_295 : i32 to index
    %swap3A_297 = arith.constant 48 : index
    %swap3A_298 = tpu.vector_load %arg8[%swap3A_296, %swap3A_297] {strides = array<i32>} : memref<25x128xf32, #tpu.memory_space<vmem>>, vector<1x16xf32>,
    %swap3A_299 = vector.shape_cast %swap3A_298 : vector<1x16xf32> to vector<16xf32>
    %swap3A_300 = vector.shape_cast %broadcast_in_dim3A_294 : vector<16xf32> to vector<1x16xf32>
    tpu.vector_store %arg8[%swap3A_296, %swap3A_297], %swap3A_300 {strides = array<i32>} : memref<25x128xf32, #tpu.memory_space<vmem>>, vector<1x16xf32>,
    %broadcast_in_dim3A_301 = arith.constant 1.000000e+00 : f32
    %broadcast_in_dim3A_302 = vector.broadcast %broadcast_in_dim3A_301 : f32 to vector<16xf32>
    %swap3A_303 = arith.constant 4 : i32
    %swap3A_304 = arith.index_cast %swap3A_303 : i32 to index
    %swap3A_305 = arith.constant 64 : index
    %swap3A_306 = tpu.vector_load %arg8[%swap3A_304, %swap3A_305] {strides = array<i32>} : memref<25x128xf32, #tpu.memory_space<vmem>>, vector<1x16xf32>,
    %swap3A_307 = vector.shape_cast %swap3A_306 : vector<1x16xf32> to vector<16xf32>
    %swap3A_308 = vector.shape_cast %broadcast_in_dim3A_302 : vector<16xf32> to vector<1x16xf32>
    tpu.vector_store %arg8[%swap3A_304, %swap3A_305], %swap3A_308 {strides = array<i32>} : memref<25x128xf32, #tpu.memory_space<vmem>>, vector<1x16xf32>,
    %broadcast_in_dim3A_309 = arith.constant 1.000000e+00 : f32
    %broadcast_in_dim3A_310 = vector.broadcast %broadcast_in_dim3A_309 : f32 to vector<16xf32>
    %swap3A_311 = arith.constant 4 : i32
    %swap3A_312 = arith.index_cast %swap3A_311 : i32 to index
    %swap3A_313 = arith.constant 80 : index
    %swap3A_314 = tpu.vector_load %arg8[%swap3A_312, %swap3A_313] {strides = array<i32>} : memref<25x128xf32, #tpu.memory_space<vmem>>, vector<1x16xf32>,
    %swap3A_315 = vector.shape_cast %swap3A_314 : vector<1x16xf32> to vector<16xf32>
    %swap3A_316 = vector.shape_cast %broadcast_in_dim3A_310 : vector<16xf32> to vector<1x16xf32>
    tpu.vector_store %arg8[%swap3A_312, %swap3A_313], %swap3A_316 {strides = array<i32>} : memref<25x128xf32, #tpu.memory_space<vmem>>, vector<1x16xf32>,
    %broadcast_in_dim3A_317 = arith.constant 1.000000e+00 : f32
    %broadcast_in_dim3A_318 = vector.broadcast %broadcast_in_dim3A_317 : f32 to vector<16xf32>
    %swap3A_319 = arith.constant 4 : i32
    %swap3A_320 = arith.index_cast %swap3A_319 : i32 to index
    %swap3A_321 = arith.constant 96 : index
    %swap3A_322 = tpu.vector_load %arg8[%swap3A_320, %swap3A_321] {strides = array<i32>} : memref<25x128xf32, #tpu.memory_space<vmem>>, vector<1x16xf32>,
    %swap3A_323 = vector.shape_cast %swap3A_322 : vector<1x16xf32> to vector<16xf32>
    %swap3A_324 = vector.shape_cast %broadcast_in_dim3A_318 : vector<16xf32> to vector<1x16xf32>
    tpu.vector_store %arg8[%swap3A_320, %swap3A_321], %swap3A_324 {strides = array<i32>} : memref<25x128xf32, #tpu.memory_space<vmem>>, vector<1x16xf32>,
    %broadcast_in_dim3A_325 = arith.constant 1.000000e+00 : f32
    %broadcast_in_dim3A_326 = vector.broadcast %broadcast_in_dim3A_325 : f32 to vector<16xf32>
    %swap3A_327 = arith.constant 4 : i32
    %swap3A_328 = arith.index_cast %swap3A_327 : i32 to index
    %swap3A_329 = arith.constant 112 : index
    %swap3A_330 = tpu.vector_load %arg8[%swap3A_328, %swap3A_329] {strides = array<i32>} : memref<25x128xf32, #tpu.memory_space<vmem>>, vector<1x16xf32>,
    %swap3A_331 = vector.shape_cast %swap3A_330 : vector<1x16xf32> to vector<16xf32>
    %swap3A_332 = vector.shape_cast %broadcast_in_dim3A_326 : vector<16xf32> to vector<1x16xf32>
    tpu.vector_store %arg8[%swap3A_328, %swap3A_329], %swap3A_332 {strides = array<i32>} : memref<25x128xf32, #tpu.memory_space<vmem>>, vector<1x16xf32>,
    %broadcast_in_dim3A_333 = arith.constant 1.000000e+00 : f32
    %broadcast_in_dim3A_334 = vector.broadcast %broadcast_in_dim3A_333 : f32 to vector<16xf32>
    %swap3A_335 = arith.constant 5 : i32
    %swap3A_336 = arith.index_cast %swap3A_335 : i32 to index
    %swap3A_337 = arith.constant 0 : index
    %swap3A_338 = tpu.vector_load %arg8[%swap3A_336, %swap3A_337] {strides = array<i32>} : memref<25x128xf32, #tpu.memory_space<vmem>>, vector<1x16xf32>,
    %swap3A_339 = vector.shape_cast %swap3A_338 : vector<1x16xf32> to vector<16xf32>
    %swap3A_340 = vector.shape_cast %broadcast_in_dim3A_334 : vector<16xf32> to vector<1x16xf32>
    tpu.vector_store %arg8[%swap3A_336, %swap3A_337], %swap3A_340 {strides = array<i32>} : memref<25x128xf32, #tpu.memory_space<vmem>>, vector<1x16xf32>,
    %broadcast_in_dim3A_341 = arith.constant 1.000000e+00 : f32
    %broadcast_in_dim3A_342 = vector.broadcast %broadcast_in_dim3A_341 : f32 to vector<16xf32>
    %swap3A_343 = arith.constant 5 : i32
    %swap3A_344 = arith.index_cast %swap3A_343 : i32 to index
    %swap3A_345 = arith.constant 16 : index
    %swap3A_346 = tpu.vector_load %arg8[%swap3A_344, %swap3A_345] {strides = array<i32>} : memref<25x128xf32, #tpu.memory_space<vmem>>, vector<1x16xf32>,
    %swap3A_347 = vector.shape_cast %swap3A_346 : vector<1x16xf32> to vector<16xf32>
    %swap3A_348 = vector.shape_cast %broadcast_in_dim3A_342 : vector<16xf32> to vector<1x16xf32>
    tpu.vector_store %arg8[%swap3A_344, %swap3A_345], %swap3A_348 {strides = array<i32>} : memref<25x128xf32, #tpu.memory_space<vmem>>, vector<1x16xf32>,
    %broadcast_in_dim3A_349 = arith.constant 1.000000e+00 : f32
    %broadcast_in_dim3A_350 = vector.broadcast %broadcast_in_dim3A_349 : f32 to vector<16xf32>
    %swap3A_351 = arith.constant 5 : i32
    %swap3A_352 = arith.index_cast %swap3A_351 : i32 to index
    %swap3A_353 = arith.constant 32 : index
    %swap3A_354 = tpu.vector_load %arg8[%swap3A_352, %swap3A_353] {strides = array<i32>} : memref<25x128xf32, #tpu.memory_space<vmem>>, vector<1x16xf32>,
    %swap3A_355 = vector.shape_cast %swap3A_354 : vector<1x16xf32> to vector<16xf32>
    %swap3A_356 = vector.shape_cast %broadcast_in_dim3A_350 : vector<16xf32> to vector<1x16xf32>
    tpu.vector_store %arg8[%swap3A_352, %swap3A_353], %swap3A_356 {strides = array<i32>} : memref<25x128xf32, #tpu.memory_space<vmem>>, vector<1x16xf32>,
    %broadcast_in_dim3A_357 = arith.constant 1.000000e+00 : f32
    %broadcast_in_dim3A_358 = vector.broadcast %broadcast_in_dim3A_357 : f32 to vector<16xf32>
    %swap3A_359 = arith.constant 5 : i32
    %swap3A_360 = arith.index_cast %swap3A_359 : i32 to index
    %swap3A_361 = arith.constant 48 : index
    %swap3A_362 = tpu.vector_load %arg8[%swap3A_360, %swap3A_361] {strides = array<i32>} : memref<25x128xf32, #tpu.memory_space<vmem>>, vector<1x16xf32>,
    %swap3A_363 = vector.shape_cast %swap3A_362 : vector<1x16xf32> to vector<16xf32>
    %swap3A_364 = vector.shape_cast %broadcast_in_dim3A_358 : vector<16xf32> to vector<1x16xf32>
    tpu.vector_store %arg8[%swap3A_360, %swap3A_361], %swap3A_364 {strides = array<i32>} : memref<25x128xf32, #tpu.memory_space<vmem>>, vector<1x16xf32>,
    %broadcast_in_dim3A_365 = arith.constant 1.000000e+00 : f32
    %broadcast_in_dim3A_366 = vector.broadcast %broadcast_in_dim3A_365 : f32 to vector<16xf32>
    %swap3A_367 = arith.constant 5 : i32
    %swap3A_368 = arith.index_cast %swap3A_367 : i32 to index
    %swap3A_369 = arith.constant 64 : index
    %swap3A_370 = tpu.vector_load %arg8[%swap3A_368, %swap3A_369] {strides = array<i32>} : memref<25x128xf32, #tpu.memory_space<vmem>>, vector<1x16xf32>,
    %swap3A_371 = vector.shape_cast %swap3A_370 : vector<1x16xf32> to vector<16xf32>
    %swap3A_372 = vector.shape_cast %broadcast_in_dim3A_366 : vector<16xf32> to vector<1x16xf32>
    tpu.vector_store %arg8[%swap3A_368, %swap3A_369], %swap3A_372 {strides = array<i32>} : memref<25x128xf32, #tpu.memory_space<vmem>>, vector<1x16xf32>,
    %broadcast_in_dim3A_373 = arith.constant 1.000000e+00 : f32
    %broadcast_in_dim3A_374 = vector.broadcast %broadcast_in_dim3A_373 : f32 to vector<16xf32>
    %swap3A_375 = arith.constant 5 : i32
    %swap3A_376 = arith.index_cast %swap3A_375 : i32 to index
    %swap3A_377 = arith.constant 80 : index
    %swap3A_378 = tpu.vector_load %arg8[%swap3A_376, %swap3A_377] {strides = array<i32>} : memref<25x128xf32, #tpu.memory_space<vmem>>, vector<1x16xf32>,
    %swap3A_379 = vector.shape_cast %swap3A_378 : vector<1x16xf32> to vector<16xf32>
    %swap3A_380 = vector.shape_cast %broadcast_in_dim3A_374 : vector<16xf32> to vector<1x16xf32>
    tpu.vector_store %arg8[%swap3A_376, %swap3A_377], %swap3A_380 {strides = array<i32>} : memref<25x128xf32, #tpu.memory_space<vmem>>, vector<1x16xf32>,
    %broadcast_in_dim3A_381 = arith.constant 1.000000e+00 : f32
    %broadcast_in_dim3A_382 = vector.broadcast %broadcast_in_dim3A_381 : f32 to vector<16xf32>
    %swap3A_383 = arith.constant 5 : i32
    %swap3A_384 = arith.index_cast %swap3A_383 : i32 to index
    %swap3A_385 = arith.constant 96 : index
    %swap3A_386 = tpu.vector_load %arg8[%swap3A_384, %swap3A_385] {strides = array<i32>} : memref<25x128xf32, #tpu.memory_space<vmem>>, vector<1x16xf32>,
    %swap3A_387 = vector.shape_cast %swap3A_386 : vector<1x16xf32> to vector<16xf32>
    %swap3A_388 = vector.shape_cast %broadcast_in_dim3A_382 : vector<16xf32> to vector<1x16xf32>
    tpu.vector_store %arg8[%swap3A_384, %swap3A_385], %swap3A_388 {strides = array<i32>} : memref<25x128xf32, #tpu.memory_space<vmem>>, vector<1x16xf32>,
    %broadcast_in_dim3A_389 = arith.constant 1.000000e+00 : f32
    %broadcast_in_dim3A_390 = vector.broadcast %broadcast_in_dim3A_389 : f32 to vector<16xf32>
    %swap3A_391 = arith.constant 5 : i32
    %swap3A_392 = arith.index_cast %swap3A_391 : i32 to index
    %swap3A_393 = arith.constant 112 : index
    %swap3A_394 = tpu.vector_load %arg8[%swap3A_392, %swap3A_393] {strides = array<i32>} : memref<25x128xf32, #tpu.memory_space<vmem>>, vector<1x16xf32>,
    %swap3A_395 = vector.shape_cast %swap3A_394 : vector<1x16xf32> to vector<16xf32>
    %swap3A_396 = vector.shape_cast %broadcast_in_dim3A_390 : vector<16xf32> to vector<1x16xf32>
    tpu.vector_store %arg8[%swap3A_392, %swap3A_393], %swap3A_396 {strides = array<i32>} : memref<25x128xf32, #tpu.memory_space<vmem>>, vector<1x16xf32>,
    %broadcast_in_dim3A_397 = arith.constant 1.000000e+00 : f32
    %broadcast_in_dim3A_398 = vector.broadcast %broadcast_in_dim3A_397 : f32 to vector<16xf32>
    %swap3A_399 = arith.constant 6 : i32
    %swap3A_400 = arith.index_cast %swap3A_399 : i32 to index
    %swap3A_401 = arith.constant 0 : index
    %swap3A_402 = tpu.vector_load %arg8[%swap3A_400, %swap3A_401] {strides = array<i32>} : memref<25x128xf32, #tpu.memory_space<vmem>>, vector<1x16xf32>,
    %swap3A_403 = vector.shape_cast %swap3A_402 : vector<1x16xf32> to vector<16xf32>
    %swap3A_404 = vector.shape_cast %broadcast_in_dim3A_398 : vector<16xf32> to vector<1x16xf32>
    tpu.vector_store %arg8[%swap3A_400, %swap3A_401], %swap3A_404 {strides = array<i32>} : memref<25x128xf32, #tpu.memory_space<vmem>>, vector<1x16xf32>,
    %broadcast_in_dim3A_405 = arith.constant 1.000000e+00 : f32
    %broadcast_in_dim3A_406 = vector.broadcast %broadcast_in_dim3A_405 : f32 to vector<16xf32>
    %swap3A_407 = arith.constant 6 : i32
    %swap3A_408 = arith.index_cast %swap3A_407 : i32 to index
    %swap3A_409 = arith.constant 16 : index
    %swap3A_410 = tpu.vector_load %arg8[%swap3A_408, %swap3A_409] {strides = array<i32>} : memref<25x128xf32, #tpu.memory_space<vmem>>, vector<1x16xf32>,
    %swap3A_411 = vector.shape_cast %swap3A_410 : vector<1x16xf32> to vector<16xf32>
    %swap3A_412 = vector.shape_cast %broadcast_in_dim3A_406 : vector<16xf32> to vector<1x16xf32>
    tpu.vector_store %arg8[%swap3A_408, %swap3A_409], %swap3A_412 {strides = array<i32>} : memref<25x128xf32, #tpu.memory_space<vmem>>, vector<1x16xf32>,
    %broadcast_in_dim3A_413 = arith.constant 1.000000e+00 : f32
    %broadcast_in_dim3A_414 = vector.broadcast %broadcast_in_dim3A_413 : f32 to vector<16xf32>
    %swap3A_415 = arith.constant 6 : i32
    %swap3A_416 = arith.index_cast %swap3A_415 : i32 to index
    %swap3A_417 = arith.constant 32 : index
    %swap3A_418 = tpu.vector_load %arg8[%swap3A_416, %swap3A_417] {strides = array<i32>} : memref<25x128xf32, #tpu.memory_space<vmem>>, vector<1x16xf32>,
    %swap3A_419 = vector.shape_cast %swap3A_418 : vector<1x16xf32> to vector<16xf32>
    %swap3A_420 = vector.shape_cast %broadcast_in_dim3A_414 : vector<16xf32> to vector<1x16xf32>
    tpu.vector_store %arg8[%swap3A_416, %swap3A_417], %swap3A_420 {strides = array<i32>} : memref<25x128xf32, #tpu.memory_space<vmem>>, vector<1x16xf32>,
    %broadcast_in_dim3A_421 = arith.constant 1.000000e+00 : f32
    %broadcast_in_dim3A_422 = vector.broadcast %broadcast_in_dim3A_421 : f32 to vector<16xf32>
    %swap3A_423 = arith.constant 6 : i32
    %swap3A_424 = arith.index_cast %swap3A_423 : i32 to index
    %swap3A_425 = arith.constant 48 : index
    %swap3A_426 = tpu.vector_load %arg8[%swap3A_424, %swap3A_425] {strides = array<i32>} : memref<25x128xf32, #tpu.memory_space<vmem>>, vector<1x16xf32>,
    %swap3A_427 = vector.shape_cast %swap3A_426 : vector<1x16xf32> to vector<16xf32>
    %swap3A_428 = vector.shape_cast %broadcast_in_dim3A_422 : vector<16xf32> to vector<1x16xf32>
    tpu.vector_store %arg8[%swap3A_424, %swap3A_425], %swap3A_428 {strides = array<i32>} : memref<25x128xf32, #tpu.memory_space<vmem>>, vector<1x16xf32>,
    %broadcast_in_dim3A_429 = arith.constant 1.000000e+00 : f32
    %broadcast_in_dim3A_430 = vector.broadcast %broadcast_in_dim3A_429 : f32 to vector<16xf32>
    %swap3A_431 = arith.constant 6 : i32
    %swap3A_432 = arith.index_cast %swap3A_431 : i32 to index
    %swap3A_433 = arith.constant 64 : index
    %swap3A_434 = tpu.vector_load %arg8[%swap3A_432, %swap3A_433] {strides = array<i32>} : memref<25x128xf32, #tpu.memory_space<vmem>>, vector<1x16xf32>,
    %swap3A_435 = vector.shape_cast %swap3A_434 : vector<1x16xf32> to vector<16xf32>
    %swap3A_436 = vector.shape_cast %broadcast_in_dim3A_430 : vector<16xf32> to vector<1x16xf32>
    tpu.vector_store %arg8[%swap3A_432, %swap3A_433], %swap3A_436 {strides = array<i32>} : memref<25x128xf32, #tpu.memory_space<vmem>>, vector<1x16xf32>,
    %broadcast_in_dim3A_437 = arith.constant 1.000000e+00 : f32
    %broadcast_in_dim3A_438 = vector.broadcast %broadcast_in_dim3A_437 : f32 to vector<16xf32>
    %swap3A_439 = arith.constant 6 : i32
    %swap3A_440 = arith.index_cast %swap3A_439 : i32 to index
    %swap3A_441 = arith.constant 80 : index
    %swap3A_442 = tpu.vector_load %arg8[%swap3A_440, %swap3A_441] {strides = array<i32>} : memref<25x128xf32, #tpu.memory_space<vmem>>, vector<1x16xf32>,
    %swap3A_443 = vector.shape_cast %swap3A_442 : vector<1x16xf32> to vector<16xf32>
    %swap3A_444 = vector.shape_cast %broadcast_in_dim3A_438 : vector<16xf32> to vector<1x16xf32>
    tpu.vector_store %arg8[%swap3A_440, %swap3A_441], %swap3A_444 {strides = array<i32>} : memref<25x128xf32, #tpu.memory_space<vmem>>, vector<1x16xf32>,
    %broadcast_in_dim3A_445 = arith.constant 1.000000e+00 : f32
    %broadcast_in_dim3A_446 = vector.broadcast %broadcast_in_dim3A_445 : f32 to vector<16xf32>
    %swap3A_447 = arith.constant 6 : i32
    %swap3A_448 = arith.index_cast %swap3A_447 : i32 to index
    %swap3A_449 = arith.constant 96 : index
    %swap3A_450 = tpu.vector_load %arg8[%swap3A_448, %swap3A_449] {strides = array<i32>} : memref<25x128xf32, #tpu.memory_space<vmem>>, vector<1x16xf32>,
    %swap3A_451 = vector.shape_cast %swap3A_450 : vector<1x16xf32> to vector<16xf32>
    %swap3A_452 = vector.shape_cast %broadcast_in_dim3A_446 : vector<16xf32> to vector<1x16xf32>
    tpu.vector_store %arg8[%swap3A_448, %swap3A_449], %swap3A_452 {strides = array<i32>} : memref<25x128xf32, #tpu.memory_space<vmem>>, vector<1x16xf32>,
    %broadcast_in_dim3A_453 = arith.constant 1.000000e+00 : f32
    %broadcast_in_dim3A_454 = vector.broadcast %broadcast_in_dim3A_453 : f32 to vector<16xf32>
    %swap3A_455 = arith.constant 6 : i32
    %swap3A_456 = arith.index_cast %swap3A_455 : i32 to index
    %swap3A_457 = arith.constant 112 : index
    %swap3A_458 = tpu.vector_load %arg8[%swap3A_456, %swap3A_457] {strides = array<i32>} : memref<25x128xf32, #tpu.memory_space<vmem>>, vector<1x16xf32>,
    %swap3A_459 = vector.shape_cast %swap3A_458 : vector<1x16xf32> to vector<16xf32>
    %swap3A_460 = vector.shape_cast %broadcast_in_dim3A_454 : vector<16xf32> to vector<1x16xf32>
    tpu.vector_store %arg8[%swap3A_456, %swap3A_457], %swap3A_460 {strides = array<i32>} : memref<25x128xf32, #tpu.memory_space<vmem>>, vector<1x16xf32>,
    %broadcast_in_dim3A_461 = arith.constant 1.000000e+00 : f32
    %broadcast_in_dim3A_462 = vector.broadcast %broadcast_in_dim3A_461 : f32 to vector<16xf32>
    %swap3A_463 = arith.constant 7 : i32
    %swap3A_464 = arith.index_cast %swap3A_463 : i32 to index
    %swap3A_465 = arith.constant 0 : index
    %swap3A_466 = tpu.vector_load %arg8[%swap3A_464, %swap3A_465] {strides = array<i32>} : memref<25x128xf32, #tpu.memory_space<vmem>>, vector<1x16xf32>,
    %swap3A_467 = vector.shape_cast %swap3A_466 : vector<1x16xf32> to vector<16xf32>
    %swap3A_468 = vector.shape_cast %broadcast_in_dim3A_462 : vector<16xf32> to vector<1x16xf32>
    tpu.vector_store %arg8[%swap3A_464, %swap3A_465], %swap3A_468 {strides = array<i32>} : memref<25x128xf32, #tpu.memory_space<vmem>>, vector<1x16xf32>,
    %broadcast_in_dim3A_469 = arith.constant 1.000000e+00 : f32
    %broadcast_in_dim3A_470 = vector.broadcast %broadcast_in_dim3A_469 : f32 to vector<16xf32>
    %swap3A_471 = arith.constant 7 : i32
    %swap3A_472 = arith.index_cast %swap3A_471 : i32 to index
    %swap3A_473 = arith.constant 16 : index
    %swap3A_474 = tpu.vector_load %arg8[%swap3A_472, %swap3A_473] {strides = array<i32>} : memref<25x128xf32, #tpu.memory_space<vmem>>, vector<1x16xf32>,
    %swap3A_475 = vector.shape_cast %swap3A_474 : vector<1x16xf32> to vector<16xf32>
    %swap3A_476 = vector.shape_cast %broadcast_in_dim3A_470 : vector<16xf32> to vector<1x16xf32>
    tpu.vector_store %arg8[%swap3A_472, %swap3A_473], %swap3A_476 {strides = array<i32>} : memref<25x128xf32, #tpu.memory_space<vmem>>, vector<1x16xf32>,
    %broadcast_in_dim3A_477 = arith.constant 1.000000e+00 : f32
    %broadcast_in_dim3A_478 = vector.broadcast %broadcast_in_dim3A_477 : f32 to vector<16xf32>
    %swap3A_479 = arith.constant 7 : i32
    %swap3A_480 = arith.index_cast %swap3A_479 : i32 to index
    %swap3A_481 = arith.constant 32 : index
    %swap3A_482 = tpu.vector_load %arg8[%swap3A_480, %swap3A_481] {strides = array<i32>} : memref<25x128xf32, #tpu.memory_space<vmem>>, vector<1x16xf32>,
    %swap3A_483 = vector.shape_cast %swap3A_482 : vector<1x16xf32> to vector<16xf32>
    %swap3A_484 = vector.shape_cast %broadcast_in_dim3A_478 : vector<16xf32> to vector<1x16xf32>
    tpu.vector_store %arg8[%swap3A_480, %swap3A_481], %swap3A_484 {strides = array<i32>} : memref<25x128xf32, #tpu.memory_space<vmem>>, vector<1x16xf32>,
    %broadcast_in_dim3A_485 = arith.constant 1.000000e+00 : f32
    %broadcast_in_dim3A_486 = vector.broadcast %broadcast_in_dim3A_485 : f32 to vector<16xf32>
    %swap3A_487 = arith.constant 7 : i32
    %swap3A_488 = arith.index_cast %swap3A_487 : i32 to index
    %swap3A_489 = arith.constant 48 : index
    %swap3A_490 = tpu.vector_load %arg8[%swap3A_488, %swap3A_489] {strides = array<i32>} : memref<25x128xf32, #tpu.memory_space<vmem>>, vector<1x16xf32>,
    %swap3A_491 = vector.shape_cast %swap3A_490 : vector<1x16xf32> to vector<16xf32>
    %swap3A_492 = vector.shape_cast %broadcast_in_dim3A_486 : vector<16xf32> to vector<1x16xf32>
    tpu.vector_store %arg8[%swap3A_488, %swap3A_489], %swap3A_492 {strides = array<i32>} : memref<25x128xf32, #tpu.memory_space<vmem>>, vector<1x16xf32>,
    %broadcast_in_dim3A_493 = arith.constant 1.000000e+00 : f32
    %broadcast_in_dim3A_494 = vector.broadcast %broadcast_in_dim3A_493 : f32 to vector<16xf32>
    %swap3A_495 = arith.constant 7 : i32
    %swap3A_496 = arith.index_cast %swap3A_495 : i32 to index
    %swap3A_497 = arith.constant 64 : index
    %swap3A_498 = tpu.vector_load %arg8[%swap3A_496, %swap3A_497] {strides = array<i32>} : memref<25x128xf32, #tpu.memory_space<vmem>>, vector<1x16xf32>,
    %swap3A_499 = vector.shape_cast %swap3A_498 : vector<1x16xf32> to vector<16xf32>
    %swap3A_500 = vector.shape_cast %broadcast_in_dim3A_494 : vector<16xf32> to vector<1x16xf32>
    tpu.vector_store %arg8[%swap3A_496, %swap3A_497], %swap3A_500 {strides = array<i32>} : memref<25x128xf32, #tpu.memory_space<vmem>>, vector<1x16xf32>,
    %broadcast_in_dim3A_501 = arith.constant 1.000000e+00 : f32
    %broadcast_in_dim3A_502 = vector.broadcast %broadcast_in_dim3A_501 : f32 to vector<16xf32>
    %swap3A_503 = arith.constant 7 : i32
    %swap3A_504 = arith.index_cast %swap3A_503 : i32 to index
    %swap3A_505 = arith.constant 80 : index
    %swap3A_506 = tpu.vector_load %arg8[%swap3A_504, %swap3A_505] {strides = array<i32>} : memref<25x128xf32, #tpu.memory_space<vmem>>, vector<1x16xf32>,
    %swap3A_507 = vector.shape_cast %swap3A_506 : vector<1x16xf32> to vector<16xf32>
    %swap3A_508 = vector.shape_cast %broadcast_in_dim3A_502 : vector<16xf32> to vector<1x16xf32>
    tpu.vector_store %arg8[%swap3A_504, %swap3A_505], %swap3A_508 {strides = array<i32>} : memref<25x128xf32, #tpu.memory_space<vmem>>, vector<1x16xf32>,
    %broadcast_in_dim3A_509 = arith.constant 1.000000e+00 : f32
    %broadcast_in_dim3A_510 = vector.broadcast %broadcast_in_dim3A_509 : f32 to vector<16xf32>
    %swap3A_511 = arith.constant 7 : i32
    %swap3A_512 = arith.index_cast %swap3A_511 : i32 to index
    %swap3A_513 = arith.constant 96 : index
    %swap3A_514 = tpu.vector_load %arg8[%swap3A_512, %swap3A_513] {strides = array<i32>} : memref<25x128xf32, #tpu.memory_space<vmem>>, vector<1x16xf32>,
    %swap3A_515 = vector.shape_cast %swap3A_514 : vector<1x16xf32> to vector<16xf32>
    %swap3A_516 = vector.shape_cast %broadcast_in_dim3A_510 : vector<16xf32> to vector<1x16xf32>
    tpu.vector_store %arg8[%swap3A_512, %swap3A_513], %swap3A_516 {strides = array<i32>} : memref<25x128xf32, #tpu.memory_space<vmem>>, vector<1x16xf32>,
    %broadcast_in_dim3A_517 = arith.constant 1.000000e+00 : f32
    %broadcast_in_dim3A_518 = vector.broadcast %broadcast_in_dim3A_517 : f32 to vector<16xf32>
    %swap3A_519 = arith.constant 7 : i32
    %swap3A_520 = arith.index_cast %swap3A_519 : i32 to index
    %swap3A_521 = arith.constant 112 : index
    %swap3A_522 = tpu.vector_load %arg8[%swap3A_520, %swap3A_521] {strides = array<i32>} : memref<25x128xf32, #tpu.memory_space<vmem>>, vector<1x16xf32>,
    %swap3A_523 = vector.shape_cast %swap3A_522 : vector<1x16xf32> to vector<16xf32>
    %swap3A_524 = vector.shape_cast %broadcast_in_dim3A_518 : vector<16xf32> to vector<1x16xf32>
    tpu.vector_store %arg8[%swap3A_520, %swap3A_521], %swap3A_524 {strides = array<i32>} : memref<25x128xf32, #tpu.memory_space<vmem>>, vector<1x16xf32>,
    %broadcast_in_dim3A_525 = arith.constant 1.000000e+00 : f32
    %broadcast_in_dim3A_526 = vector.broadcast %broadcast_in_dim3A_525 : f32 to vector<16xf32>
    %swap3A_527 = arith.constant 8 : i32
    %swap3A_528 = arith.index_cast %swap3A_527 : i32 to index
    %swap3A_529 = arith.constant 0 : index
    %swap3A_530 = tpu.vector_load %arg8[%swap3A_528, %swap3A_529] {strides = array<i32>} : memref<25x128xf32, #tpu.memory_space<vmem>>, vector<1x16xf32>,
    %swap3A_531 = vector.shape_cast %swap3A_530 : vector<1x16xf32> to vector<16xf32>
    %swap3A_532 = vector.shape_cast %broadcast_in_dim3A_526 : vector<16xf32> to vector<1x16xf32>
    tpu.vector_store %arg8[%swap3A_528, %swap3A_529], %swap3A_532 {strides = array<i32>} : memref<25x128xf32, #tpu.memory_space<vmem>>, vector<1x16xf32>,
    %broadcast_in_dim3A_533 = arith.constant 1.000000e+00 : f32
    %broadcast_in_dim3A_534 = vector.broadcast %broadcast_in_dim3A_533 : f32 to vector<16xf32>
    %swap3A_535 = arith.constant 8 : i32
    %swap3A_536 = arith.index_cast %swap3A_535 : i32 to index
    %swap3A_537 = arith.constant 16 : index
    %swap3A_538 = tpu.vector_load %arg8[%swap3A_536, %swap3A_537] {strides = array<i32>} : memref<25x128xf32, #tpu.memory_space<vmem>>, vector<1x16xf32>,
    %swap3A_539 = vector.shape_cast %swap3A_538 : vector<1x16xf32> to vector<16xf32>
    %swap3A_540 = vector.shape_cast %broadcast_in_dim3A_534 : vector<16xf32> to vector<1x16xf32>
    tpu.vector_store %arg8[%swap3A_536, %swap3A_537], %swap3A_540 {strides = array<i32>} : memref<25x128xf32, #tpu.memory_space<vmem>>, vector<1x16xf32>,
    %broadcast_in_dim3A_541 = arith.constant 1.000000e+00 : f32
    %broadcast_in_dim3A_542 = vector.broadcast %broadcast_in_dim3A_541 : f32 to vector<16xf32>
    %swap3A_543 = arith.constant 8 : i32
    %swap3A_544 = arith.index_cast %swap3A_543 : i32 to index
    %swap3A_545 = arith.constant 32 : index
    %swap3A_546 = tpu.vector_load %arg8[%swap3A_544, %swap3A_545] {strides = array<i32>} : memref<25x128xf32, #tpu.memory_space<vmem>>, vector<1x16xf32>,
    %swap3A_547 = vector.shape_cast %swap3A_546 : vector<1x16xf32> to vector<16xf32>
    %swap3A_548 = vector.shape_cast %broadcast_in_dim3A_542 : vector<16xf32> to vector<1x16xf32>
    tpu.vector_store %arg8[%swap3A_544, %swap3A_545], %swap3A_548 {strides = array<i32>} : memref<25x128xf32, #tpu.memory_space<vmem>>, vector<1x16xf32>,
    %broadcast_in_dim3A_549 = arith.constant 1.000000e+00 : f32
    %broadcast_in_dim3A_550 = vector.broadcast %broadcast_in_dim3A_549 : f32 to vector<16xf32>
    %swap3A_551 = arith.constant 8 : i32
    %swap3A_552 = arith.index_cast %swap3A_551 : i32 to index
    %swap3A_553 = arith.constant 48 : index
    %swap3A_554 = tpu.vector_load %arg8[%swap3A_552, %swap3A_553] {strides = array<i32>} : memref<25x128xf32, #tpu.memory_space<vmem>>, vector<1x16xf32>,
    %swap3A_555 = vector.shape_cast %swap3A_554 : vector<1x16xf32> to vector<16xf32>
    %swap3A_556 = vector.shape_cast %broadcast_in_dim3A_550 : vector<16xf32> to vector<1x16xf32>
    tpu.vector_store %arg8[%swap3A_552, %swap3A_553], %swap3A_556 {strides = array<i32>} : memref<25x128xf32, #tpu.memory_space<vmem>>, vector<1x16xf32>,
    %broadcast_in_dim3A_557 = arith.constant 1.000000e+00 : f32
    %broadcast_in_dim3A_558 = vector.broadcast %broadcast_in_dim3A_557 : f32 to vector<16xf32>
    %swap3A_559 = arith.constant 8 : i32
    %swap3A_560 = arith.index_cast %swap3A_559 : i32 to index
    %swap3A_561 = arith.constant 64 : index
    %swap3A_562 = tpu.vector_load %arg8[%swap3A_560, %swap3A_561] {strides = array<i32>} : memref<25x128xf32, #tpu.memory_space<vmem>>, vector<1x16xf32>,
    %swap3A_563 = vector.shape_cast %swap3A_562 : vector<1x16xf32> to vector<16xf32>
    %swap3A_564 = vector.shape_cast %broadcast_in_dim3A_558 : vector<16xf32> to vector<1x16xf32>
    tpu.vector_store %arg8[%swap3A_560, %swap3A_561], %swap3A_564 {strides = array<i32>} : memref<25x128xf32, #tpu.memory_space<vmem>>, vector<1x16xf32>,
    %broadcast_in_dim3A_565 = arith.constant 1.000000e+00 : f32
    %broadcast_in_dim3A_566 = vector.broadcast %broadcast_in_dim3A_565 : f32 to vector<16xf32>
    %swap3A_567 = arith.constant 8 : i32
    %swap3A_568 = arith.index_cast %swap3A_567 : i32 to index
    %swap3A_569 = arith.constant 80 : index
    %swap3A_570 = tpu.vector_load %arg8[%swap3A_568, %swap3A_569] {strides = array<i32>} : memref<25x128xf32, #tpu.memory_space<vmem>>, vector<1x16xf32>,
    %swap3A_571 = vector.shape_cast %swap3A_570 : vector<1x16xf32> to vector<16xf32>
    %swap3A_572 = vector.shape_cast %broadcast_in_dim3A_566 : vector<16xf32> to vector<1x16xf32>
    tpu.vector_store %arg8[%swap3A_568, %swap3A_569], %swap3A_572 {strides = array<i32>} : memref<25x128xf32, #tpu.memory_space<vmem>>, vector<1x16xf32>,
    %broadcast_in_dim3A_573 = arith.constant 1.000000e+00 : f32
    %broadcast_in_dim3A_574 = vector.broadcast %broadcast_in_dim3A_573 : f32 to vector<16xf32>
    %swap3A_575 = arith.constant 8 : i32
    %swap3A_576 = arith.index_cast %swap3A_575 : i32 to index
    %swap3A_577 = arith.constant 96 : index
    %swap3A_578 = tpu.vector_load %arg8[%swap3A_576, %swap3A_577] {strides = array<i32>} : memref<25x128xf32, #tpu.memory_space<vmem>>, vector<1x16xf32>,
    %swap3A_579 = vector.shape_cast %swap3A_578 : vector<1x16xf32> to vector<16xf32>
    %swap3A_580 = vector.shape_cast %broadcast_in_dim3A_574 : vector<16xf32> to vector<1x16xf32>
    tpu.vector_store %arg8[%swap3A_576, %swap3A_577], %swap3A_580 {strides = array<i32>} : memref<25x128xf32, #tpu.memory_space<vmem>>, vector<1x16xf32>,
    %broadcast_in_dim3A_581 = arith.constant 1.000000e+00 : f32
    %broadcast_in_dim3A_582 = vector.broadcast %broadcast_in_dim3A_581 : f32 to vector<16xf32>
    %swap3A_583 = arith.constant 8 : i32
    %swap3A_584 = arith.index_cast %swap3A_583 : i32 to index
    %swap3A_585 = arith.constant 112 : index
    %swap3A_586 = tpu.vector_load %arg8[%swap3A_584, %swap3A_585] {strides = array<i32>} : memref<25x128xf32, #tpu.memory_space<vmem>>, vector<1x16xf32>,
    %swap3A_587 = vector.shape_cast %swap3A_586 : vector<1x16xf32> to vector<16xf32>
    %swap3A_588 = vector.shape_cast %broadcast_in_dim3A_582 : vector<16xf32> to vector<1x16xf32>
    tpu.vector_store %arg8[%swap3A_584, %swap3A_585], %swap3A_588 {strides = array<i32>} : memref<25x128xf32, #tpu.memory_space<vmem>>, vector<1x16xf32>,
    %broadcast_in_dim3A_589 = arith.constant 1.000000e+00 : f32
    %broadcast_in_dim3A_590 = vector.broadcast %broadcast_in_dim3A_589 : f32 to vector<16xf32>
    %swap3A_591 = arith.constant 9 : i32
    %swap3A_592 = arith.index_cast %swap3A_591 : i32 to index
    %swap3A_593 = arith.constant 0 : index
    %swap3A_594 = tpu.vector_load %arg8[%swap3A_592, %swap3A_593] {strides = array<i32>} : memref<25x128xf32, #tpu.memory_space<vmem>>, vector<1x16xf32>,
    %swap3A_595 = vector.shape_cast %swap3A_594 : vector<1x16xf32> to vector<16xf32>
    %swap3A_596 = vector.shape_cast %broadcast_in_dim3A_590 : vector<16xf32> to vector<1x16xf32>
    tpu.vector_store %arg8[%swap3A_592, %swap3A_593], %swap3A_596 {strides = array<i32>} : memref<25x128xf32, #tpu.memory_space<vmem>>, vector<1x16xf32>,
    %broadcast_in_dim3A_597 = arith.constant 1.000000e+00 : f32
    %broadcast_in_dim3A_598 = vector.broadcast %broadcast_in_dim3A_597 : f32 to vector<16xf32>
    %swap3A_599 = arith.constant 9 : i32
    %swap3A_600 = arith.index_cast %swap3A_599 : i32 to index
    %swap3A_601 = arith.constant 16 : index
    %swap3A_602 = tpu.vector_load %arg8[%swap3A_600, %swap3A_601] {strides = array<i32>} : memref<25x128xf32, #tpu.memory_space<vmem>>, vector<1x16xf32>,
    %swap3A_603 = vector.shape_cast %swap3A_602 : vector<1x16xf32> to vector<16xf32>
    %swap3A_604 = vector.shape_cast %broadcast_in_dim3A_598 : vector<16xf32> to vector<1x16xf32>
    tpu.vector_store %arg8[%swap3A_600, %swap3A_601], %swap3A_604 {strides = array<i32>} : memref<25x128xf32, #tpu.memory_space<vmem>>, vector<1x16xf32>,
    %broadcast_in_dim3A_605 = arith.constant 1.000000e+00 : f32
    %broadcast_in_dim3A_606 = vector.broadcast %broadcast_in_dim3A_605 : f32 to vector<16xf32>
    %swap3A_607 = arith.constant 9 : i32
    %swap3A_608 = arith.index_cast %swap3A_607 : i32 to index
    %swap3A_609 = arith.constant 32 : index
    %swap3A_610 = tpu.vector_load %arg8[%swap3A_608, %swap3A_609] {strides = array<i32>} : memref<25x128xf32, #tpu.memory_space<vmem>>, vector<1x16xf32>,
    %swap3A_611 = vector.shape_cast %swap3A_610 : vector<1x16xf32> to vector<16xf32>
    %swap3A_612 = vector.shape_cast %broadcast_in_dim3A_606 : vector<16xf32> to vector<1x16xf32>
    tpu.vector_store %arg8[%swap3A_608, %swap3A_609], %swap3A_612 {strides = array<i32>} : memref<25x128xf32, #tpu.memory_space<vmem>>, vector<1x16xf32>,
    %broadcast_in_dim3A_613 = arith.constant 1.000000e+00 : f32
    %broadcast_in_dim3A_614 = vector.broadcast %broadcast_in_dim3A_613 : f32 to vector<16xf32>
    %swap3A_615 = arith.constant 9 : i32
    %swap3A_616 = arith.index_cast %swap3A_615 : i32 to index
    %swap3A_617 = arith.constant 48 : index
    %swap3A_618 = tpu.vector_load %arg8[%swap3A_616, %swap3A_617] {strides = array<i32>} : memref<25x128xf32, #tpu.memory_space<vmem>>, vector<1x16xf32>,
    %swap3A_619 = vector.shape_cast %swap3A_618 : vector<1x16xf32> to vector<16xf32>
    %swap3A_620 = vector.shape_cast %broadcast_in_dim3A_614 : vector<16xf32> to vector<1x16xf32>
    tpu.vector_store %arg8[%swap3A_616, %swap3A_617], %swap3A_620 {strides = array<i32>} : memref<25x128xf32, #tpu.memory_space<vmem>>, vector<1x16xf32>,
    %broadcast_in_dim3A_621 = arith.constant 1.000000e+00 : f32
    %broadcast_in_dim3A_622 = vector.broadcast %broadcast_in_dim3A_621 : f32 to vector<16xf32>
    %swap3A_623 = arith.constant 9 : i32
    %swap3A_624 = arith.index_cast %swap3A_623 : i32 to index
    %swap3A_625 = arith.constant 64 : index
    %swap3A_626 = tpu.vector_load %arg8[%swap3A_624, %swap3A_625] {strides = array<i32>} : memref<25x128xf32, #tpu.memory_space<vmem>>, vector<1x16xf32>,
    %swap3A_627 = vector.shape_cast %swap3A_626 : vector<1x16xf32> to vector<16xf32>
    %swap3A_628 = vector.shape_cast %broadcast_in_dim3A_622 : vector<16xf32> to vector<1x16xf32>
    tpu.vector_store %arg8[%swap3A_624, %swap3A_625], %swap3A_628 {strides = array<i32>} : memref<25x128xf32, #tpu.memory_space<vmem>>, vector<1x16xf32>,
    %broadcast_in_dim3A_629 = arith.constant 1.000000e+00 : f32
    %broadcast_in_dim3A_630 = vector.broadcast %broadcast_in_dim3A_629 : f32 to vector<16xf32>
    %swap3A_631 = arith.constant 9 : i32
    %swap3A_632 = arith.index_cast %swap3A_631 : i32 to index
    %swap3A_633 = arith.constant 80 : index
    %swap3A_634 = tpu.vector_load %arg8[%swap3A_632, %swap3A_633] {strides = array<i32>} : memref<25x128xf32, #tpu.memory_space<vmem>>, vector<1x16xf32>,
    %swap3A_635 = vector.shape_cast %swap3A_634 : vector<1x16xf32> to vector<16xf32>
    %swap3A_636 = vector.shape_cast %broadcast_in_dim3A_630 : vector<16xf32> to vector<1x16xf32>
    tpu.vector_store %arg8[%swap3A_632, %swap3A_633], %swap3A_636 {strides = array<i32>} : memref<25x128xf32, #tpu.memory_space<vmem>>, vector<1x16xf32>,
    %broadcast_in_dim3A_637 = arith.constant 1.000000e+00 : f32
    %broadcast_in_dim3A_638 = vector.broadcast %broadcast_in_dim3A_637 : f32 to vector<16xf32>
    %swap3A_639 = arith.constant 9 : i32
    %swap3A_640 = arith.index_cast %swap3A_639 : i32 to index
    %swap3A_641 = arith.constant 96 : index
    %swap3A_642 = tpu.vector_load %arg8[%swap3A_640, %swap3A_641] {strides = array<i32>} : memref<25x128xf32, #tpu.memory_space<vmem>>, vector<1x16xf32>,
    %swap3A_643 = vector.shape_cast %swap3A_642 : vector<1x16xf32> to vector<16xf32>
    %swap3A_644 = vector.shape_cast %broadcast_in_dim3A_638 : vector<16xf32> to vector<1x16xf32>
    tpu.vector_store %arg8[%swap3A_640, %swap3A_641], %swap3A_644 {strides = array<i32>} : memref<25x128xf32, #tpu.memory_space<vmem>>, vector<1x16xf32>,
    %broadcast_in_dim3A_645 = arith.constant 1.000000e+00 : f32
    %broadcast_in_dim3A_646 = vector.broadcast %broadcast_in_dim3A_645 : f32 to vector<16xf32>
    %swap3A_647 = arith.constant 9 : i32
    %swap3A_648 = arith.index_cast %swap3A_647 : i32 to index
    %swap3A_649 = arith.constant 112 : index
    %swap3A_650 = tpu.vector_load %arg8[%swap3A_648, %swap3A_649] {strides = array<i32>} : memref<25x128xf32, #tpu.memory_space<vmem>>, vector<1x16xf32>,
    %swap3A_651 = vector.shape_cast %swap3A_650 : vector<1x16xf32> to vector<16xf32>
    %swap3A_652 = vector.shape_cast %broadcast_in_dim3A_646 : vector<16xf32> to vector<1x16xf32>
    tpu.vector_store %arg8[%swap3A_648, %swap3A_649], %swap3A_652 {strides = array<i32>} : memref<25x128xf32, #tpu.memory_space<vmem>>, vector<1x16xf32>,
    %broadcast_in_dim3A_653 = arith.constant 1.000000e+00 : f32
    %broadcast_in_dim3A_654 = vector.broadcast %broadcast_in_dim3A_653 : f32 to vector<16xf32>
    %swap3A_655 = arith.constant 10 : i32
    %swap3A_656 = arith.index_cast %swap3A_655 : i32 to index
    %swap3A_657 = arith.constant 0 : index
    %swap3A_658 = tpu.vector_load %arg8[%swap3A_656, %swap3A_657] {strides = array<i32>} : memref<25x128xf32, #tpu.memory_space<vmem>>, vector<1x16xf32>,
    %swap3A_659 = vector.shape_cast %swap3A_658 : vector<1x16xf32> to vector<16xf32>
    %swap3A_660 = vector.shape_cast %broadcast_in_dim3A_654 : vector<16xf32> to vector<1x16xf32>
    tpu.vector_store %arg8[%swap3A_656, %swap3A_657], %swap3A_660 {strides = array<i32>} : memref<25x128xf32, #tpu.memory_space<vmem>>, vector<1x16xf32>,
    %broadcast_in_dim3A_661 = arith.constant 1.000000e+00 : f32
    %broadcast_in_dim3A_662 = vector.broadcast %broadcast_in_dim3A_661 : f32 to vector<16xf32>
    %swap3A_663 = arith.constant 10 : i32
    %swap3A_664 = arith.index_cast %swap3A_663 : i32 to index
    %swap3A_665 = arith.constant 16 : index
    %swap3A_666 = tpu.vector_load %arg8[%swap3A_664, %swap3A_665] {strides = array<i32>} : memref<25x128xf32, #tpu.memory_space<vmem>>, vector<1x16xf32>,
    %swap3A_667 = vector.shape_cast %swap3A_666 : vector<1x16xf32> to vector<16xf32>
    %swap3A_668 = vector.shape_cast %broadcast_in_dim3A_662 : vector<16xf32> to vector<1x16xf32>
    tpu.vector_store %arg8[%swap3A_664, %swap3A_665], %swap3A_668 {strides = array<i32>} : memref<25x128xf32, #tpu.memory_space<vmem>>, vector<1x16xf32>,
    %broadcast_in_dim3A_669 = arith.constant 1.000000e+00 : f32
    %broadcast_in_dim3A_670 = vector.broadcast %broadcast_in_dim3A_669 : f32 to vector<16xf32>
    %swap3A_671 = arith.constant 10 : i32
    %swap3A_672 = arith.index_cast %swap3A_671 : i32 to index
    %swap3A_673 = arith.constant 32 : index
    %swap3A_674 = tpu.vector_load %arg8[%swap3A_672, %swap3A_673] {strides = array<i32>} : memref<25x128xf32, #tpu.memory_space<vmem>>, vector<1x16xf32>,
    %swap3A_675 = vector.shape_cast %swap3A_674 : vector<1x16xf32> to vector<16xf32>
    %swap3A_676 = vector.shape_cast %broadcast_in_dim3A_670 : vector<16xf32> to vector<1x16xf32>
    tpu.vector_store %arg8[%swap3A_672, %swap3A_673], %swap3A_676 {strides = array<i32>} : memref<25x128xf32, #tpu.memory_space<vmem>>, vector<1x16xf32>,
    %broadcast_in_dim3A_677 = arith.constant 1.000000e+00 : f32
    %broadcast_in_dim3A_678 = vector.broadcast %broadcast_in_dim3A_677 : f32 to vector<16xf32>
    %swap3A_679 = arith.constant 10 : i32
    %swap3A_680 = arith.index_cast %swap3A_679 : i32 to index
    %swap3A_681 = arith.constant 48 : index
    %swap3A_682 = tpu.vector_load %arg8[%swap3A_680, %swap3A_681] {strides = array<i32>} : memref<25x128xf32, #tpu.memory_space<vmem>>, vector<1x16xf32>,
    %swap3A_683 = vector.shape_cast %swap3A_682 : vector<1x16xf32> to vector<16xf32>
    %swap3A_684 = vector.shape_cast %broadcast_in_dim3A_678 : vector<16xf32> to vector<1x16xf32>
    tpu.vector_store %arg8[%swap3A_680, %swap3A_681], %swap3A_684 {strides = array<i32>} : memref<25x128xf32, #tpu.memory_space<vmem>>, vector<1x16xf32>,
    %broadcast_in_dim3A_685 = arith.constant 1.000000e+00 : f32
    %broadcast_in_dim3A_686 = vector.broadcast %broadcast_in_dim3A_685 : f32 to vector<16xf32>
    %swap3A_687 = arith.constant 10 : i32
    %swap3A_688 = arith.index_cast %swap3A_687 : i32 to index
    %swap3A_689 = arith.constant 64 : index
    %swap3A_690 = tpu.vector_load %arg8[%swap3A_688, %swap3A_689] {strides = array<i32>} : memref<25x128xf32, #tpu.memory_space<vmem>>, vector<1x16xf32>,
    %swap3A_691 = vector.shape_cast %swap3A_690 : vector<1x16xf32> to vector<16xf32>
    %swap3A_692 = vector.shape_cast %broadcast_in_dim3A_686 : vector<16xf32> to vector<1x16xf32>
    tpu.vector_store %arg8[%swap3A_688, %swap3A_689], %swap3A_692 {strides = array<i32>} : memref<25x128xf32, #tpu.memory_space<vmem>>, vector<1x16xf32>,
    %broadcast_in_dim3A_693 = arith.constant 1.000000e+00 : f32
    %broadcast_in_dim3A_694 = vector.broadcast %broadcast_in_dim3A_693 : f32 to vector<16xf32>
    %swap3A_695 = arith.constant 10 : i32
    %swap3A_696 = arith.index_cast %swap3A_695 : i32 to index
    %swap3A_697 = arith.constant 80 : index
    %swap3A_698 = tpu.vector_load %arg8[%swap3A_696, %swap3A_697] {strides = array<i32>} : memref<25x128xf32, #tpu.memory_space<vmem>>, vector<1x16xf32>,
    %swap3A_699 = vector.shape_cast %swap3A_698 : vector<1x16xf32> to vector<16xf32>
    %swap3A_700 = vector.shape_cast %broadcast_in_dim3A_694 : vector<16xf32> to vector<1x16xf32>
    tpu.vector_store %arg8[%swap3A_696, %swap3A_697], %swap3A_700 {strides = array<i32>} : memref<25x128xf32, #tpu.memory_space<vmem>>, vector<1x16xf32>,
    %broadcast_in_dim3A_701 = arith.constant 1.000000e+00 : f32
    %broadcast_in_dim3A_702 = vector.broadcast %broadcast_in_dim3A_701 : f32 to vector<16xf32>
    %swap3A_703 = arith.constant 10 : i32
    %swap3A_704 = arith.index_cast %swap3A_703 : i32 to index
    %swap3A_705 = arith.constant 96 : index
    %swap3A_706 = tpu.vector_load %arg8[%swap3A_704, %swap3A_705] {strides = array<i32>} : memref<25x128xf32, #tpu.memory_space<vmem>>, vector<1x16xf32>,
    %swap3A_707 = vector.shape_cast %swap3A_706 : vector<1x16xf32> to vector<16xf32>
    %swap3A_708 = vector.shape_cast %broadcast_in_dim3A_702 : vector<16xf32> to vector<1x16xf32>
    tpu.vector_store %arg8[%swap3A_704, %swap3A_705], %swap3A_708 {strides = array<i32>} : memref<25x128xf32, #tpu.memory_space<vmem>>, vector<1x16xf32>,
    %broadcast_in_dim3A_709 = arith.constant 1.000000e+00 : f32
    %broadcast_in_dim3A_710 = vector.broadcast %broadcast_in_dim3A_709 : f32 to vector<16xf32>
    %swap3A_711 = arith.constant 10 : i32
    %swap3A_712 = arith.index_cast %swap3A_711 : i32 to index
    %swap3A_713 = arith.constant 112 : index
    %swap3A_714 = tpu.vector_load %arg8[%swap3A_712, %swap3A_713] {strides = array<i32>} : memref<25x128xf32, #tpu.memory_space<vmem>>, vector<1x16xf32>,
    %swap3A_715 = vector.shape_cast %swap3A_714 : vector<1x16xf32> to vector<16xf32>
    %swap3A_716 = vector.shape_cast %broadcast_in_dim3A_710 : vector<16xf32> to vector<1x16xf32>
    tpu.vector_store %arg8[%swap3A_712, %swap3A_713], %swap3A_716 {strides = array<i32>} : memref<25x128xf32, #tpu.memory_space<vmem>>, vector<1x16xf32>,
    %broadcast_in_dim3A_717 = arith.constant 1.000000e+00 : f32
    %broadcast_in_dim3A_718 = vector.broadcast %broadcast_in_dim3A_717 : f32 to vector<16xf32>
    %swap3A_719 = arith.constant 11 : i32
    %swap3A_720 = arith.index_cast %swap3A_719 : i32 to index
    %swap3A_721 = arith.constant 0 : index
    %swap3A_722 = tpu.vector_load %arg8[%swap3A_720, %swap3A_721] {strides = array<i32>} : memref<25x128xf32, #tpu.memory_space<vmem>>, vector<1x16xf32>,
    %swap3A_723 = vector.shape_cast %swap3A_722 : vector<1x16xf32> to vector<16xf32>
    %swap3A_724 = vector.shape_cast %broadcast_in_dim3A_718 : vector<16xf32> to vector<1x16xf32>
    tpu.vector_store %arg8[%swap3A_720, %swap3A_721], %swap3A_724 {strides = array<i32>} : memref<25x128xf32, #tpu.memory_space<vmem>>, vector<1x16xf32>,
    %broadcast_in_dim3A_725 = arith.constant 1.000000e+00 : f32
    %broadcast_in_dim3A_726 = vector.broadcast %broadcast_in_dim3A_725 : f32 to vector<16xf32>
    %swap3A_727 = arith.constant 11 : i32
    %swap3A_728 = arith.index_cast %swap3A_727 : i32 to index
    %swap3A_729 = arith.constant 16 : index
    %swap3A_730 = tpu.vector_load %arg8[%swap3A_728, %swap3A_729] {strides = array<i32>} : memref<25x128xf32, #tpu.memory_space<vmem>>, vector<1x16xf32>,
    %swap3A_731 = vector.shape_cast %swap3A_730 : vector<1x16xf32> to vector<16xf32>
    %swap3A_732 = vector.shape_cast %broadcast_in_dim3A_726 : vector<16xf32> to vector<1x16xf32>
    tpu.vector_store %arg8[%swap3A_728, %swap3A_729], %swap3A_732 {strides = array<i32>} : memref<25x128xf32, #tpu.memory_space<vmem>>, vector<1x16xf32>,
    %broadcast_in_dim3A_733 = arith.constant 1.000000e+00 : f32
    %broadcast_in_dim3A_734 = vector.broadcast %broadcast_in_dim3A_733 : f32 to vector<16xf32>
    %swap3A_735 = arith.constant 11 : i32
    %swap3A_736 = arith.index_cast %swap3A_735 : i32 to index
    %swap3A_737 = arith.constant 32 : index
    %swap3A_738 = tpu.vector_load %arg8[%swap3A_736, %swap3A_737] {strides = array<i32>} : memref<25x128xf32, #tpu.memory_space<vmem>>, vector<1x16xf32>,
    %swap3A_739 = vector.shape_cast %swap3A_738 : vector<1x16xf32> to vector<16xf32>
    %swap3A_740 = vector.shape_cast %broadcast_in_dim3A_734 : vector<16xf32> to vector<1x16xf32>
    tpu.vector_store %arg8[%swap3A_736, %swap3A_737], %swap3A_740 {strides = array<i32>} : memref<25x128xf32, #tpu.memory_space<vmem>>, vector<1x16xf32>,
    %broadcast_in_dim3A_741 = arith.constant 1.000000e+00 : f32
    %broadcast_in_dim3A_742 = vector.broadcast %broadcast_in_dim3A_741 : f32 to vector<16xf32>
    %swap3A_743 = arith.constant 11 : i32
    %swap3A_744 = arith.index_cast %swap3A_743 : i32 to index
    %swap3A_745 = arith.constant 48 : index
    %swap3A_746 = tpu.vector_load %arg8[%swap3A_744, %swap3A_745] {strides = array<i32>} : memref<25x128xf32, #tpu.memory_space<vmem>>, vector<1x16xf32>,
    %swap3A_747 = vector.shape_cast %swap3A_746 : vector<1x16xf32> to vector<16xf32>
    %swap3A_748 = vector.shape_cast %broadcast_in_dim3A_742 : vector<16xf32> to vector<1x16xf32>
    tpu.vector_store %arg8[%swap3A_744, %swap3A_745], %swap3A_748 {strides = array<i32>} : memref<25x128xf32, #tpu.memory_space<vmem>>, vector<1x16xf32>,
    %broadcast_in_dim3A_749 = arith.constant 1.000000e+00 : f32
    %broadcast_in_dim3A_750 = vector.broadcast %broadcast_in_dim3A_749 : f32 to vector<16xf32>
    %swap3A_751 = arith.constant 11 : i32
    %swap3A_752 = arith.index_cast %swap3A_751 : i32 to index
    %swap3A_753 = arith.constant 64 : index
    %swap3A_754 = tpu.vector_load %arg8[%swap3A_752, %swap3A_753] {strides = array<i32>} : memref<25x128xf32, #tpu.memory_space<vmem>>, vector<1x16xf32>,
    %swap3A_755 = vector.shape_cast %swap3A_754 : vector<1x16xf32> to vector<16xf32>
    %swap3A_756 = vector.shape_cast %broadcast_in_dim3A_750 : vector<16xf32> to vector<1x16xf32>
    tpu.vector_store %arg8[%swap3A_752, %swap3A_753], %swap3A_756 {strides = array<i32>} : memref<25x128xf32, #tpu.memory_space<vmem>>, vector<1x16xf32>,
    %broadcast_in_dim3A_757 = arith.constant 1.000000e+00 : f32
    %broadcast_in_dim3A_758 = vector.broadcast %broadcast_in_dim3A_757 : f32 to vector<16xf32>
    %swap3A_759 = arith.constant 11 : i32
    %swap3A_760 = arith.index_cast %swap3A_759 : i32 to index
    %swap3A_761 = arith.constant 80 : index
    %swap3A_762 = tpu.vector_load %arg8[%swap3A_760, %swap3A_761] {strides = array<i32>} : memref<25x128xf32, #tpu.memory_space<vmem>>, vector<1x16xf32>,
    %swap3A_763 = vector.shape_cast %swap3A_762 : vector<1x16xf32> to vector<16xf32>
    %swap3A_764 = vector.shape_cast %broadcast_in_dim3A_758 : vector<16xf32> to vector<1x16xf32>
    tpu.vector_store %arg8[%swap3A_760, %swap3A_761], %swap3A_764 {strides = array<i32>} : memref<25x128xf32, #tpu.memory_space<vmem>>, vector<1x16xf32>,
    %broadcast_in_dim3A_765 = arith.constant 1.000000e+00 : f32
    %broadcast_in_dim3A_766 = vector.broadcast %broadcast_in_dim3A_765 : f32 to vector<16xf32>
    %swap3A_767 = arith.constant 11 : i32
    %swap3A_768 = arith.index_cast %swap3A_767 : i32 to index
    %swap3A_769 = arith.constant 96 : index
    %swap3A_770 = tpu.vector_load %arg8[%swap3A_768, %swap3A_769] {strides = array<i32>} : memref<25x128xf32, #tpu.memory_space<vmem>>, vector<1x16xf32>,
    %swap3A_771 = vector.shape_cast %swap3A_770 : vector<1x16xf32> to vector<16xf32>
    %swap3A_772 = vector.shape_cast %broadcast_in_dim3A_766 : vector<16xf32> to vector<1x16xf32>
    tpu.vector_store %arg8[%swap3A_768, %swap3A_769], %swap3A_772 {strides = array<i32>} : memref<25x128xf32, #tpu.memory_space<vmem>>, vector<1x16xf32>,
    %broadcast_in_dim3A_773 = arith.constant 1.000000e+00 : f32
    %broadcast_in_dim3A_774 = vector.broadcast %broadcast_in_dim3A_773 : f32 to vector<16xf32>
    %swap3A_775 = arith.constant 11 : i32
    %swap3A_776 = arith.index_cast %swap3A_775 : i32 to index
    %swap3A_777 = arith.constant 112 : index
    %swap3A_778 = tpu.vector_load %arg8[%swap3A_776, %swap3A_777] {strides = array<i32>} : memref<25x128xf32, #tpu.memory_space<vmem>>, vector<1x16xf32>,
    %swap3A_779 = vector.shape_cast %swap3A_778 : vector<1x16xf32> to vector<16xf32>
    %swap3A_780 = vector.shape_cast %broadcast_in_dim3A_774 : vector<16xf32> to vector<1x16xf32>
    tpu.vector_store %arg8[%swap3A_776, %swap3A_777], %swap3A_780 {strides = array<i32>} : memref<25x128xf32, #tpu.memory_space<vmem>>, vector<1x16xf32>,
    %broadcast_in_dim3A_781 = arith.constant 1.000000e+00 : f32
    %broadcast_in_dim3A_782 = vector.broadcast %broadcast_in_dim3A_781 : f32 to vector<16xf32>
    %swap3A_783 = arith.constant 12 : i32
    %swap3A_784 = arith.index_cast %swap3A_783 : i32 to index
    %swap3A_785 = arith.constant 0 : index
    %swap3A_786 = tpu.vector_load %arg8[%swap3A_784, %swap3A_785] {strides = array<i32>} : memref<25x128xf32, #tpu.memory_space<vmem>>, vector<1x16xf32>,
    %swap3A_787 = vector.shape_cast %swap3A_786 : vector<1x16xf32> to vector<16xf32>
    %swap3A_788 = vector.shape_cast %broadcast_in_dim3A_782 : vector<16xf32> to vector<1x16xf32>
    tpu.vector_store %arg8[%swap3A_784, %swap3A_785], %swap3A_788 {strides = array<i32>} : memref<25x128xf32, #tpu.memory_space<vmem>>, vector<1x16xf32>,
    %broadcast_in_dim3A_789 = arith.constant 1.000000e+00 : f32
    %broadcast_in_dim3A_790 = vector.broadcast %broadcast_in_dim3A_789 : f32 to vector<16xf32>
    %swap3A_791 = arith.constant 12 : i32
    %swap3A_792 = arith.index_cast %swap3A_791 : i32 to index
    %swap3A_793 = arith.constant 16 : index
    %swap3A_794 = tpu.vector_load %arg8[%swap3A_792, %swap3A_793] {strides = array<i32>} : memref<25x128xf32, #tpu.memory_space<vmem>>, vector<1x16xf32>,
    %swap3A_795 = vector.shape_cast %swap3A_794 : vector<1x16xf32> to vector<16xf32>
    %swap3A_796 = vector.shape_cast %broadcast_in_dim3A_790 : vector<16xf32> to vector<1x16xf32>
    tpu.vector_store %arg8[%swap3A_792, %swap3A_793], %swap3A_796 {strides = array<i32>} : memref<25x128xf32, #tpu.memory_space<vmem>>, vector<1x16xf32>,
    %broadcast_in_dim3A_797 = arith.constant 1.000000e+00 : f32
    %broadcast_in_dim3A_798 = vector.broadcast %broadcast_in_dim3A_797 : f32 to vector<16xf32>
    %swap3A_799 = arith.constant 12 : i32
    %swap3A_800 = arith.index_cast %swap3A_799 : i32 to index
    %swap3A_801 = arith.constant 32 : index
    %swap3A_802 = tpu.vector_load %arg8[%swap3A_800, %swap3A_801] {strides = array<i32>} : memref<25x128xf32, #tpu.memory_space<vmem>>, vector<1x16xf32>,
    %swap3A_803 = vector.shape_cast %swap3A_802 : vector<1x16xf32> to vector<16xf32>
    %swap3A_804 = vector.shape_cast %broadcast_in_dim3A_798 : vector<16xf32> to vector<1x16xf32>
    tpu.vector_store %arg8[%swap3A_800, %swap3A_801], %swap3A_804 {strides = array<i32>} : memref<25x128xf32, #tpu.memory_space<vmem>>, vector<1x16xf32>,
    %broadcast_in_dim3A_805 = arith.constant 1.000000e+00 : f32
    %broadcast_in_dim3A_806 = vector.broadcast %broadcast_in_dim3A_805 : f32 to vector<16xf32>
    %swap3A_807 = arith.constant 12 : i32
    %swap3A_808 = arith.index_cast %swap3A_807 : i32 to index
    %swap3A_809 = arith.constant 48 : index
    %swap3A_810 = tpu.vector_load %arg8[%swap3A_808, %swap3A_809] {strides = array<i32>} : memref<25x128xf32, #tpu.memory_space<vmem>>, vector<1x16xf32>,
    %swap3A_811 = vector.shape_cast %swap3A_810 : vector<1x16xf32> to vector<16xf32>
    %swap3A_812 = vector.shape_cast %broadcast_in_dim3A_806 : vector<16xf32> to vector<1x16xf32>
    tpu.vector_store %arg8[%swap3A_808, %swap3A_809], %swap3A_812 {strides = array<i32>} : memref<25x128xf32, #tpu.memory_space<vmem>>, vector<1x16xf32>,
    %broadcast_in_dim3A_813 = arith.constant 1.000000e+00 : f32
    %broadcast_in_dim3A_814 = vector.broadcast %broadcast_in_dim3A_813 : f32 to vector<16xf32>
    %swap3A_815 = arith.constant 12 : i32
    %swap3A_816 = arith.index_cast %swap3A_815 : i32 to index
    %swap3A_817 = arith.constant 64 : index
    %swap3A_818 = tpu.vector_load %arg8[%swap3A_816, %swap3A_817] {strides = array<i32>} : memref<25x128xf32, #tpu.memory_space<vmem>>, vector<1x16xf32>,
    %swap3A_819 = vector.shape_cast %swap3A_818 : vector<1x16xf32> to vector<16xf32>
    %swap3A_820 = vector.shape_cast %broadcast_in_dim3A_814 : vector<16xf32> to vector<1x16xf32>
    tpu.vector_store %arg8[%swap3A_816, %swap3A_817], %swap3A_820 {strides = array<i32>} : memref<25x128xf32, #tpu.memory_space<vmem>>, vector<1x16xf32>,
    %broadcast_in_dim3A_821 = arith.constant 1.000000e+00 : f32
    %broadcast_in_dim3A_822 = vector.broadcast %broadcast_in_dim3A_821 : f32 to vector<16xf32>
    %swap3A_823 = arith.constant 12 : i32
    %swap3A_824 = arith.index_cast %swap3A_823 : i32 to index
    %swap3A_825 = arith.constant 80 : index
    %swap3A_826 = tpu.vector_load %arg8[%swap3A_824, %swap3A_825] {strides = array<i32>} : memref<25x128xf32, #tpu.memory_space<vmem>>, vector<1x16xf32>,
    %swap3A_827 = vector.shape_cast %swap3A_826 : vector<1x16xf32> to vector<16xf32>
    %swap3A_828 = vector.shape_cast %broadcast_in_dim3A_822 : vector<16xf32> to vector<1x16xf32>
    tpu.vector_store %arg8[%swap3A_824, %swap3A_825], %swap3A_828 {strides = array<i32>} : memref<25x128xf32, #tpu.memory_space<vmem>>, vector<1x16xf32>,
    %broadcast_in_dim3A_829 = arith.constant 1.000000e+00 : f32
    %broadcast_in_dim3A_830 = vector.broadcast %broadcast_in_dim3A_829 : f32 to vector<16xf32>
    %swap3A_831 = arith.constant 12 : i32
    %swap3A_832 = arith.index_cast %swap3A_831 : i32 to index
    %swap3A_833 = arith.constant 96 : index
    %swap3A_834 = tpu.vector_load %arg8[%swap3A_832, %swap3A_833] {strides = array<i32>} : memref<25x128xf32, #tpu.memory_space<vmem>>, vector<1x16xf32>,
    %swap3A_835 = vector.shape_cast %swap3A_834 : vector<1x16xf32> to vector<16xf32>
    %swap3A_836 = vector.shape_cast %broadcast_in_dim3A_830 : vector<16xf32> to vector<1x16xf32>
    tpu.vector_store %arg8[%swap3A_832, %swap3A_833], %swap3A_836 {strides = array<i32>} : memref<25x128xf32, #tpu.memory_space<vmem>>, vector<1x16xf32>,
    %broadcast_in_dim3A_837 = arith.constant 1.000000e+00 : f32
    %broadcast_in_dim3A_838 = vector.broadcast %broadcast_in_dim3A_837 : f32 to vector<16xf32>
    %swap3A_839 = arith.constant 12 : i32
    %swap3A_840 = arith.index_cast %swap3A_839 : i32 to index
    %swap3A_841 = arith.constant 112 : index
    %swap3A_842 = tpu.vector_load %arg8[%swap3A_840, %swap3A_841] {strides = array<i32>} : memref<25x128xf32, #tpu.memory_space<vmem>>, vector<1x16xf32>,
    %swap3A_843 = vector.shape_cast %swap3A_842 : vector<1x16xf32> to vector<16xf32>
    %swap3A_844 = vector.shape_cast %broadcast_in_dim3A_838 : vector<16xf32> to vector<1x16xf32>
    tpu.vector_store %arg8[%swap3A_840, %swap3A_841], %swap3A_844 {strides = array<i32>} : memref<25x128xf32, #tpu.memory_space<vmem>>, vector<1x16xf32>,
    %broadcast_in_dim3A_845 = arith.constant 1.000000e+00 : f32
    %broadcast_in_dim3A_846 = vector.broadcast %broadcast_in_dim3A_845 : f32 to vector<16xf32>
    %swap3A_847 = arith.constant 13 : i32
    %swap3A_848 = arith.index_cast %swap3A_847 : i32 to index
    %swap3A_849 = arith.constant 0 : index
    %swap3A_850 = tpu.vector_load %arg8[%swap3A_848, %swap3A_849] {strides = array<i32>} : memref<25x128xf32, #tpu.memory_space<vmem>>, vector<1x16xf32>,
    %swap3A_851 = vector.shape_cast %swap3A_850 : vector<1x16xf32> to vector<16xf32>
    %swap3A_852 = vector.shape_cast %broadcast_in_dim3A_846 : vector<16xf32> to vector<1x16xf32>
    tpu.vector_store %arg8[%swap3A_848, %swap3A_849], %swap3A_852 {strides = array<i32>} : memref<25x128xf32, #tpu.memory_space<vmem>>, vector<1x16xf32>,
    %broadcast_in_dim3A_853 = arith.constant 1.000000e+00 : f32
    %broadcast_in_dim3A_854 = vector.broadcast %broadcast_in_dim3A_853 : f32 to vector<16xf32>
    %swap3A_855 = arith.constant 13 : i32
    %swap3A_856 = arith.index_cast %swap3A_855 : i32 to index
    %swap3A_857 = arith.constant 16 : index
    %swap3A_858 = tpu.vector_load %arg8[%swap3A_856, %swap3A_857] {strides = array<i32>} : memref<25x128xf32, #tpu.memory_space<vmem>>, vector<1x16xf32>,
    %swap3A_859 = vector.shape_cast %swap3A_858 : vector<1x16xf32> to vector<16xf32>
    %swap3A_860 = vector.shape_cast %broadcast_in_dim3A_854 : vector<16xf32> to vector<1x16xf32>
    tpu.vector_store %arg8[%swap3A_856, %swap3A_857], %swap3A_860 {strides = array<i32>} : memref<25x128xf32, #tpu.memory_space<vmem>>, vector<1x16xf32>,
    %broadcast_in_dim3A_861 = arith.constant 1.000000e+00 : f32
    %broadcast_in_dim3A_862 = vector.broadcast %broadcast_in_dim3A_861 : f32 to vector<16xf32>
    %swap3A_863 = arith.constant 13 : i32
    %swap3A_864 = arith.index_cast %swap3A_863 : i32 to index
    %swap3A_865 = arith.constant 32 : index
    %swap3A_866 = tpu.vector_load %arg8[%swap3A_864, %swap3A_865] {strides = array<i32>} : memref<25x128xf32, #tpu.memory_space<vmem>>, vector<1x16xf32>,
    %swap3A_867 = vector.shape_cast %swap3A_866 : vector<1x16xf32> to vector<16xf32>
    %swap3A_868 = vector.shape_cast %broadcast_in_dim3A_862 : vector<16xf32> to vector<1x16xf32>
    tpu.vector_store %arg8[%swap3A_864, %swap3A_865], %swap3A_868 {strides = array<i32>} : memref<25x128xf32, #tpu.memory_space<vmem>>, vector<1x16xf32>,
    %broadcast_in_dim3A_869 = arith.constant 1.000000e+00 : f32
    %broadcast_in_dim3A_870 = vector.broadcast %broadcast_in_dim3A_869 : f32 to vector<16xf32>
    %swap3A_871 = arith.constant 13 : i32
    %swap3A_872 = arith.index_cast %swap3A_871 : i32 to index
    %swap3A_873 = arith.constant 48 : index
    %swap3A_874 = tpu.vector_load %arg8[%swap3A_872, %swap3A_873] {strides = array<i32>} : memref<25x128xf32, #tpu.memory_space<vmem>>, vector<1x16xf32>,
    %swap3A_875 = vector.shape_cast %swap3A_874 : vector<1x16xf32> to vector<16xf32>
    %swap3A_876 = vector.shape_cast %broadcast_in_dim3A_870 : vector<16xf32> to vector<1x16xf32>
    tpu.vector_store %arg8[%swap3A_872, %swap3A_873], %swap3A_876 {strides = array<i32>} : memref<25x128xf32, #tpu.memory_space<vmem>>, vector<1x16xf32>,
    %broadcast_in_dim3A_877 = arith.constant 1.000000e+00 : f32
    %broadcast_in_dim3A_878 = vector.broadcast %broadcast_in_dim3A_877 : f32 to vector<16xf32>
    %swap3A_879 = arith.constant 13 : i32
    %swap3A_880 = arith.index_cast %swap3A_879 : i32 to index
    %swap3A_881 = arith.constant 64 : index
    %swap3A_882 = tpu.vector_load %arg8[%swap3A_880, %swap3A_881] {strides = array<i32>} : memref<25x128xf32, #tpu.memory_space<vmem>>, vector<1x16xf32>,
    %swap3A_883 = vector.shape_cast %swap3A_882 : vector<1x16xf32> to vector<16xf32>
    %swap3A_884 = vector.shape_cast %broadcast_in_dim3A_878 : vector<16xf32> to vector<1x16xf32>
    tpu.vector_store %arg8[%swap3A_880, %swap3A_881], %swap3A_884 {strides = array<i32>} : memref<25x128xf32, #tpu.memory_space<vmem>>, vector<1x16xf32>,
    %broadcast_in_dim3A_885 = arith.constant 1.000000e+00 : f32
    %broadcast_in_dim3A_886 = vector.broadcast %broadcast_in_dim3A_885 : f32 to vector<16xf32>
    %swap3A_887 = arith.constant 13 : i32
    %swap3A_888 = arith.index_cast %swap3A_887 : i32 to index
    %swap3A_889 = arith.constant 80 : index
    %swap3A_890 = tpu.vector_load %arg8[%swap3A_888, %swap3A_889] {strides = array<i32>} : memref<25x128xf32, #tpu.memory_space<vmem>>, vector<1x16xf32>,
    %swap3A_891 = vector.shape_cast %swap3A_890 : vector<1x16xf32> to vector<16xf32>
    %swap3A_892 = vector.shape_cast %broadcast_in_dim3A_886 : vector<16xf32> to vector<1x16xf32>
    tpu.vector_store %arg8[%swap3A_888, %swap3A_889], %swap3A_892 {strides = array<i32>} : memref<25x128xf32, #tpu.memory_space<vmem>>, vector<1x16xf32>,
    %broadcast_in_dim3A_893 = arith.constant 1.000000e+00 : f32
    %broadcast_in_dim3A_894 = vector.broadcast %broadcast_in_dim3A_893 : f32 to vector<16xf32>
    %swap3A_895 = arith.constant 13 : i32
    %swap3A_896 = arith.index_cast %swap3A_895 : i32 to index
    %swap3A_897 = arith.constant 96 : index
    %swap3A_898 = tpu.vector_load %arg8[%swap3A_896, %swap3A_897] {strides = array<i32>} : memref<25x128xf32, #tpu.memory_space<vmem>>, vector<1x16xf32>,
    %swap3A_899 = vector.shape_cast %swap3A_898 : vector<1x16xf32> to vector<16xf32>
    %swap3A_900 = vector.shape_cast %broadcast_in_dim3A_894 : vector<16xf32> to vector<1x16xf32>
    tpu.vector_store %arg8[%swap3A_896, %swap3A_897], %swap3A_900 {strides = array<i32>} : memref<25x128xf32, #tpu.memory_space<vmem>>, vector<1x16xf32>,
    %broadcast_in_dim3A_901 = arith.constant 1.000000e+00 : f32
    %broadcast_in_dim3A_902 = vector.broadcast %broadcast_in_dim3A_901 : f32 to vector<16xf32>
    %swap3A_903 = arith.constant 13 : i32
    %swap3A_904 = arith.index_cast %swap3A_903 : i32 to index
    %swap3A_905 = arith.constant 112 : index
    %swap3A_906 = tpu.vector_load %arg8[%swap3A_904, %swap3A_905] {strides = array<i32>} : memref<25x128xf32, #tpu.memory_space<vmem>>, vector<1x16xf32>,
    %swap3A_907 = vector.shape_cast %swap3A_906 : vector<1x16xf32> to vector<16xf32>
    %swap3A_908 = vector.shape_cast %broadcast_in_dim3A_902 : vector<16xf32> to vector<1x16xf32>
    tpu.vector_store %arg8[%swap3A_904, %swap3A_905], %swap3A_908 {strides = array<i32>} : memref<25x128xf32, #tpu.memory_space<vmem>>, vector<1x16xf32>,
    %broadcast_in_dim3A_909 = arith.constant 1.000000e+00 : f32
    %broadcast_in_dim3A_910 = vector.broadcast %broadcast_in_dim3A_909 : f32 to vector<16xf32>
    %swap3A_911 = arith.constant 14 : i32
    %swap3A_912 = arith.index_cast %swap3A_911 : i32 to index
    %swap3A_913 = arith.constant 0 : index
    %swap3A_914 = tpu.vector_load %arg8[%swap3A_912, %swap3A_913] {strides = array<i32>} : memref<25x128xf32, #tpu.memory_space<vmem>>, vector<1x16xf32>,
    %swap3A_915 = vector.shape_cast %swap3A_914 : vector<1x16xf32> to vector<16xf32>
    %swap3A_916 = vector.shape_cast %broadcast_in_dim3A_910 : vector<16xf32> to vector<1x16xf32>
    tpu.vector_store %arg8[%swap3A_912, %swap3A_913], %swap3A_916 {strides = array<i32>} : memref<25x128xf32, #tpu.memory_space<vmem>>, vector<1x16xf32>,
    %broadcast_in_dim3A_917 = arith.constant 1.000000e+00 : f32
    %broadcast_in_dim3A_918 = vector.broadcast %broadcast_in_dim3A_917 : f32 to vector<16xf32>
    %swap3A_919 = arith.constant 14 : i32
    %swap3A_920 = arith.index_cast %swap3A_919 : i32 to index
    %swap3A_921 = arith.constant 16 : index
    %swap3A_922 = tpu.vector_load %arg8[%swap3A_920, %swap3A_921] {strides = array<i32>} : memref<25x128xf32, #tpu.memory_space<vmem>>, vector<1x16xf32>,
    %swap3A_923 = vector.shape_cast %swap3A_922 : vector<1x16xf32> to vector<16xf32>
    %swap3A_924 = vector.shape_cast %broadcast_in_dim3A_918 : vector<16xf32> to vector<1x16xf32>
    tpu.vector_store %arg8[%swap3A_920, %swap3A_921], %swap3A_924 {strides = array<i32>} : memref<25x128xf32, #tpu.memory_space<vmem>>, vector<1x16xf32>,
    %broadcast_in_dim3A_925 = arith.constant 1.000000e+00 : f32
    %broadcast_in_dim3A_926 = vector.broadcast %broadcast_in_dim3A_925 : f32 to vector<16xf32>
    %swap3A_927 = arith.constant 14 : i32
    %swap3A_928 = arith.index_cast %swap3A_927 : i32 to index
    %swap3A_929 = arith.constant 32 : index
    %swap3A_930 = tpu.vector_load %arg8[%swap3A_928, %swap3A_929] {strides = array<i32>} : memref<25x128xf32, #tpu.memory_space<vmem>>, vector<1x16xf32>,
    %swap3A_931 = vector.shape_cast %swap3A_930 : vector<1x16xf32> to vector<16xf32>
    %swap3A_932 = vector.shape_cast %broadcast_in_dim3A_926 : vector<16xf32> to vector<1x16xf32>
    tpu.vector_store %arg8[%swap3A_928, %swap3A_929], %swap3A_932 {strides = array<i32>} : memref<25x128xf32, #tpu.memory_space<vmem>>, vector<1x16xf32>,
    %broadcast_in_dim3A_933 = arith.constant 1.000000e+00 : f32
    %broadcast_in_dim3A_934 = vector.broadcast %broadcast_in_dim3A_933 : f32 to vector<16xf32>
    %swap3A_935 = arith.constant 14 : i32
    %swap3A_936 = arith.index_cast %swap3A_935 : i32 to index
    %swap3A_937 = arith.constant 48 : index
    %swap3A_938 = tpu.vector_load %arg8[%swap3A_936, %swap3A_937] {strides = array<i32>} : memref<25x128xf32, #tpu.memory_space<vmem>>, vector<1x16xf32>,
    %swap3A_939 = vector.shape_cast %swap3A_938 : vector<1x16xf32> to vector<16xf32>
    %swap3A_940 = vector.shape_cast %broadcast_in_dim3A_934 : vector<16xf32> to vector<1x16xf32>
    tpu.vector_store %arg8[%swap3A_936, %swap3A_937], %swap3A_940 {strides = array<i32>} : memref<25x128xf32, #tpu.memory_space<vmem>>, vector<1x16xf32>,
    %broadcast_in_dim3A_941 = arith.constant 1.000000e+00 : f32
    %broadcast_in_dim3A_942 = vector.broadcast %broadcast_in_dim3A_941 : f32 to vector<16xf32>
    %swap3A_943 = arith.constant 14 : i32
    %swap3A_944 = arith.index_cast %swap3A_943 : i32 to index
    %swap3A_945 = arith.constant 64 : index
    %swap3A_946 = tpu.vector_load %arg8[%swap3A_944, %swap3A_945] {strides = array<i32>} : memref<25x128xf32, #tpu.memory_space<vmem>>, vector<1x16xf32>,
    %swap3A_947 = vector.shape_cast %swap3A_946 : vector<1x16xf32> to vector<16xf32>
    %swap3A_948 = vector.shape_cast %broadcast_in_dim3A_942 : vector<16xf32> to vector<1x16xf32>
    tpu.vector_store %arg8[%swap3A_944, %swap3A_945], %swap3A_948 {strides = array<i32>} : memref<25x128xf32, #tpu.memory_space<vmem>>, vector<1x16xf32>,
    %broadcast_in_dim3A_949 = arith.constant 1.000000e+00 : f32
    %broadcast_in_dim3A_950 = vector.broadcast %broadcast_in_dim3A_949 : f32 to vector<16xf32>
    %swap3A_951 = arith.constant 14 : i32
    %swap3A_952 = arith.index_cast %swap3A_951 : i32 to index
    %swap3A_953 = arith.constant 80 : index
    %swap3A_954 = tpu.vector_load %arg8[%swap3A_952, %swap3A_953] {strides = array<i32>} : memref<25x128xf32, #tpu.memory_space<vmem>>, vector<1x16xf32>,
    %swap3A_955 = vector.shape_cast %swap3A_954 : vector<1x16xf32> to vector<16xf32>
    %swap3A_956 = vector.shape_cast %broadcast_in_dim3A_950 : vector<16xf32> to vector<1x16xf32>
    tpu.vector_store %arg8[%swap3A_952, %swap3A_953], %swap3A_956 {strides = array<i32>} : memref<25x128xf32, #tpu.memory_space<vmem>>, vector<1x16xf32>,
    %broadcast_in_dim3A_957 = arith.constant 1.000000e+00 : f32
    %broadcast_in_dim3A_958 = vector.broadcast %broadcast_in_dim3A_957 : f32 to vector<16xf32>
    %swap3A_959 = arith.constant 14 : i32
    %swap3A_960 = arith.index_cast %swap3A_959 : i32 to index
    %swap3A_961 = arith.constant 96 : index
    %swap3A_962 = tpu.vector_load %arg8[%swap3A_960, %swap3A_961] {strides = array<i32>} : memref<25x128xf32, #tpu.memory_space<vmem>>, vector<1x16xf32>,
    %swap3A_963 = vector.shape_cast %swap3A_962 : vector<1x16xf32> to vector<16xf32>
    %swap3A_964 = vector.shape_cast %broadcast_in_dim3A_958 : vector<16xf32> to vector<1x16xf32>
    tpu.vector_store %arg8[%swap3A_960, %swap3A_961], %swap3A_964 {strides = array<i32>} : memref<25x128xf32, #tpu.memory_space<vmem>>, vector<1x16xf32>,
    %broadcast_in_dim3A_965 = arith.constant 1.000000e+00 : f32
    %broadcast_in_dim3A_966 = vector.broadcast %broadcast_in_dim3A_965 : f32 to vector<16xf32>
    %swap3A_967 = arith.constant 14 : i32
    %swap3A_968 = arith.index_cast %swap3A_967 : i32 to index
    %swap3A_969 = arith.constant 112 : index
    %swap3A_970 = tpu.vector_load %arg8[%swap3A_968, %swap3A_969] {strides = array<i32>} : memref<25x128xf32, #tpu.memory_space<vmem>>, vector<1x16xf32>,
    %swap3A_971 = vector.shape_cast %swap3A_970 : vector<1x16xf32> to vector<16xf32>
    %swap3A_972 = vector.shape_cast %broadcast_in_dim3A_966 : vector<16xf32> to vector<1x16xf32>
    tpu.vector_store %arg8[%swap3A_968, %swap3A_969], %swap3A_972 {strides = array<i32>} : memref<25x128xf32, #tpu.memory_space<vmem>>, vector<1x16xf32>,
    %broadcast_in_dim3A_973 = arith.constant 1.000000e+00 : f32
    %broadcast_in_dim3A_974 = vector.broadcast %broadcast_in_dim3A_973 : f32 to vector<16xf32>
    %swap3A_975 = arith.constant 15 : i32
    %swap3A_976 = arith.index_cast %swap3A_975 : i32 to index
    %swap3A_977 = arith.constant 0 : index
    %swap3A_978 = tpu.vector_load %arg8[%swap3A_976, %swap3A_977] {strides = array<i32>} : memref<25x128xf32, #tpu.memory_space<vmem>>, vector<1x16xf32>,
    %swap3A_979 = vector.shape_cast %swap3A_978 : vector<1x16xf32> to vector<16xf32>
    %swap3A_980 = vector.shape_cast %broadcast_in_dim3A_974 : vector<16xf32> to vector<1x16xf32>
    tpu.vector_store %arg8[%swap3A_976, %swap3A_977], %swap3A_980 {strides = array<i32>} : memref<25x128xf32, #tpu.memory_space<vmem>>, vector<1x16xf32>,
    %broadcast_in_dim3A_981 = arith.constant 1.000000e+00 : f32
    %broadcast_in_dim3A_982 = vector.broadcast %broadcast_in_dim3A_981 : f32 to vector<16xf32>
    %swap3A_983 = arith.constant 15 : i32
    %swap3A_984 = arith.index_cast %swap3A_983 : i32 to index
    %swap3A_985 = arith.constant 16 : index
    %swap3A_986 = tpu.vector_load %arg8[%swap3A_984, %swap3A_985] {strides = array<i32>} : memref<25x128xf32, #tpu.memory_space<vmem>>, vector<1x16xf32>,
    %swap3A_987 = vector.shape_cast %swap3A_986 : vector<1x16xf32> to vector<16xf32>
    %swap3A_988 = vector.shape_cast %broadcast_in_dim3A_982 : vector<16xf32> to vector<1x16xf32>
    tpu.vector_store %arg8[%swap3A_984, %swap3A_985], %swap3A_988 {strides = array<i32>} : memref<25x128xf32, #tpu.memory_space<vmem>>, vector<1x16xf32>,
    %broadcast_in_dim3A_989 = arith.constant 1.000000e+00 : f32
    %broadcast_in_dim3A_990 = vector.broadcast %broadcast_in_dim3A_989 : f32 to vector<16xf32>
    %swap3A_991 = arith.constant 15 : i32
    %swap3A_992 = arith.index_cast %swap3A_991 : i32 to index
    %swap3A_993 = arith.constant 32 : index
    %swap3A_994 = tpu.vector_load %arg8[%swap3A_992, %swap3A_993] {strides = array<i32>} : memref<25x128xf32, #tpu.memory_space<vmem>>, vector<1x16xf32>,
    %swap3A_995 = vector.shape_cast %swap3A_994 : vector<1x16xf32> to vector<16xf32>
    %swap3A_996 = vector.shape_cast %broadcast_in_dim3A_990 : vector<16xf32> to vector<1x16xf32>
    tpu.vector_store %arg8[%swap3A_992, %swap3A_993], %swap3A_996 {strides = array<i32>} : memref<25x128xf32, #tpu.memory_space<vmem>>, vector<1x16xf32>,
    %broadcast_in_dim3A_997 = arith.constant 1.000000e+00 : f32
    %broadcast_in_dim3A_998 = vector.broadcast %broadcast_in_dim3A_997 : f32 to vector<16xf32>
    %swap3A_999 = arith.constant 15 : i32
    %swap3A_1000 = arith.index_cast %swap3A_999 : i32 to index
    %swap3A_1001 = arith.constant 48 : index
    %swap3A_1002 = tpu.vector_load %arg8[%swap3A_1000, %swap3A_1001] {strides = array<i32>} : memref<25x128xf32, #tpu.memory_space<vmem>>, vector<1x16xf32>,
    %swap3A_1003 = vector.shape_cast %swap3A_1002 : vector<1x16xf32> to vector<16xf32>
    %swap3A_1004 = vector.shape_cast %broadcast_in_dim3A_998 : vector<16xf32> to vector<1x16xf32>
    tpu.vector_store %arg8[%swap3A_1000, %swap3A_1001], %swap3A_1004 {strides = array<i32>} : memref<25x128xf32, #tpu.memory_space<vmem>>, vector<1x16xf32>,
    %broadcast_in_dim3A_1005 = arith.constant 1.000000e+00 : f32
    %broadcast_in_dim3A_1006 = vector.broadcast %broadcast_in_dim3A_1005 : f32 to vector<16xf32>
    %swap3A_1007 = arith.constant 15 : i32
    %swap3A_1008 = arith.index_cast %swap3A_1007 : i32 to index
    %swap3A_1009 = arith.constant 64 : index
    %swap3A_1010 = tpu.vector_load %arg8[%swap3A_1008, %swap3A_1009] {strides = array<i32>} : memref<25x128xf32, #tpu.memory_space<vmem>>, vector<1x16xf32>,
    %swap3A_1011 = vector.shape_cast %swap3A_1010 : vector<1x16xf32> to vector<16xf32>
    %swap3A_1012 = vector.shape_cast %broadcast_in_dim3A_1006 : vector<16xf32> to vector<1x16xf32>
    tpu.vector_store %arg8[%swap3A_1008, %swap3A_1009], %swap3A_1012 {strides = array<i32>} : memref<25x128xf32, #tpu.memory_space<vmem>>, vector<1x16xf32>,
    %broadcast_in_dim3A_1013 = arith.constant 1.000000e+00 : f32
    %broadcast_in_dim3A_1014 = vector.broadcast %broadcast_in_dim3A_1013 : f32 to vector<16xf32>
    %swap3A_1015 = arith.constant 15 : i32
    %swap3A_1016 = arith.index_cast %swap3A_1015 : i32 to index
    %swap3A_1017 = arith.constant 80 : index
    %swap3A_1018 = tpu.vector_load %arg8[%swap3A_1016, %swap3A_1017] {strides = array<i32>} : memref<25x128xf32, #tpu.memory_space<vmem>>, vector<1x16xf32>,
    %swap3A_1019 = vector.shape_cast %swap3A_1018 : vector<1x16xf32> to vector<16xf32>
    %swap3A_1020 = vector.shape_cast %broadcast_in_dim3A_1014 : vector<16xf32> to vector<1x16xf32>
    tpu.vector_store %arg8[%swap3A_1016, %swap3A_1017], %swap3A_1020 {strides = array<i32>} : memref<25x128xf32, #tpu.memory_space<vmem>>, vector<1x16xf32>,
    %broadcast_in_dim3A_1021 = arith.constant 1.000000e+00 : f32
    %broadcast_in_dim3A_1022 = vector.broadcast %broadcast_in_dim3A_1021 : f32 to vector<16xf32>
    %swap3A_1023 = arith.constant 15 : i32
    %swap3A_1024 = arith.index_cast %swap3A_1023 : i32 to index
    %swap3A_1025 = arith.constant 96 : index
    %swap3A_1026 = tpu.vector_load %arg8[%swap3A_1024, %swap3A_1025] {strides = array<i32>} : memref<25x128xf32, #tpu.memory_space<vmem>>, vector<1x16xf32>,
    %swap3A_1027 = vector.shape_cast %swap3A_1026 : vector<1x16xf32> to vector<16xf32>
    %swap3A_1028 = vector.shape_cast %broadcast_in_dim3A_1022 : vector<16xf32> to vector<1x16xf32>
    tpu.vector_store %arg8[%swap3A_1024, %swap3A_1025], %swap3A_1028 {strides = array<i32>} : memref<25x128xf32, #tpu.memory_space<vmem>>, vector<1x16xf32>,
    %broadcast_in_dim3A_1029 = arith.constant 1.000000e+00 : f32
    %broadcast_in_dim3A_1030 = vector.broadcast %broadcast_in_dim3A_1029 : f32 to vector<16xf32>
    %swap3A_1031 = arith.constant 15 : i32
    %swap3A_1032 = arith.index_cast %swap3A_1031 : i32 to index
    %swap3A_1033 = arith.constant 112 : index
    %swap3A_1034 = tpu.vector_load %arg8[%swap3A_1032, %swap3A_1033] {strides = array<i32>} : memref<25x128xf32, #tpu.memory_space<vmem>>, vector<1x16xf32>,
    %swap3A_1035 = vector.shape_cast %swap3A_1034 : vector<1x16xf32> to vector<16xf32>
    %swap3A_1036 = vector.shape_cast %broadcast_in_dim3A_1030 : vector<16xf32> to vector<1x16xf32>
    tpu.vector_store %arg8[%swap3A_1032, %swap3A_1033], %swap3A_1036 {strides = array<i32>} : memref<25x128xf32, #tpu.memory_space<vmem>>, vector<1x16xf32>,
    %broadcast_in_dim3A_1037 = arith.constant 1.000000e+00 : f32
    %broadcast_in_dim3A_1038 = vector.broadcast %broadcast_in_dim3A_1037 : f32 to vector<16xf32>
    %swap3A_1039 = arith.constant 16 : i32
    %swap3A_1040 = arith.index_cast %swap3A_1039 : i32 to index
    %swap3A_1041 = arith.constant 0 : index
    %swap3A_1042 = tpu.vector_load %arg8[%swap3A_1040, %swap3A_1041] {strides = array<i32>} : memref<25x128xf32, #tpu.memory_space<vmem>>, vector<1x16xf32>,
    %swap3A_1043 = vector.shape_cast %swap3A_1042 : vector<1x16xf32> to vector<16xf32>
    %swap3A_1044 = vector.shape_cast %broadcast_in_dim3A_1038 : vector<16xf32> to vector<1x16xf32>
    tpu.vector_store %arg8[%swap3A_1040, %swap3A_1041], %swap3A_1044 {strides = array<i32>} : memref<25x128xf32, #tpu.memory_space<vmem>>, vector<1x16xf32>,
    %broadcast_in_dim3A_1045 = arith.constant 1.000000e+00 : f32
    %broadcast_in_dim3A_1046 = vector.broadcast %broadcast_in_dim3A_1045 : f32 to vector<16xf32>
    %swap3A_1047 = arith.constant 16 : i32
    %swap3A_1048 = arith.index_cast %swap3A_1047 : i32 to index
    %swap3A_1049 = arith.constant 16 : index
    %swap3A_1050 = tpu.vector_load %arg8[%swap3A_1048, %swap3A_1049] {strides = array<i32>} : memref<25x128xf32, #tpu.memory_space<vmem>>, vector<1x16xf32>,
    %swap3A_1051 = vector.shape_cast %swap3A_1050 : vector<1x16xf32> to vector<16xf32>
    %swap3A_1052 = vector.shape_cast %broadcast_in_dim3A_1046 : vector<16xf32> to vector<1x16xf32>
    tpu.vector_store %arg8[%swap3A_1048, %swap3A_1049], %swap3A_1052 {strides = array<i32>} : memref<25x128xf32, #tpu.memory_space<vmem>>, vector<1x16xf32>,
    %broadcast_in_dim3A_1053 = arith.constant 1.000000e+00 : f32
    %broadcast_in_dim3A_1054 = vector.broadcast %broadcast_in_dim3A_1053 : f32 to vector<16xf32>
    %swap3A_1055 = arith.constant 16 : i32
    %swap3A_1056 = arith.index_cast %swap3A_1055 : i32 to index
    %swap3A_1057 = arith.constant 32 : index
    %swap3A_1058 = tpu.vector_load %arg8[%swap3A_1056, %swap3A_1057] {strides = array<i32>} : memref<25x128xf32, #tpu.memory_space<vmem>>, vector<1x16xf32>,
    %swap3A_1059 = vector.shape_cast %swap3A_1058 : vector<1x16xf32> to vector<16xf32>
    %swap3A_1060 = vector.shape_cast %broadcast_in_dim3A_1054 : vector<16xf32> to vector<1x16xf32>
    tpu.vector_store %arg8[%swap3A_1056, %swap3A_1057], %swap3A_1060 {strides = array<i32>} : memref<25x128xf32, #tpu.memory_space<vmem>>, vector<1x16xf32>,
    %broadcast_in_dim3A_1061 = arith.constant 1.000000e+00 : f32
    %broadcast_in_dim3A_1062 = vector.broadcast %broadcast_in_dim3A_1061 : f32 to vector<16xf32>
    %swap3A_1063 = arith.constant 16 : i32
    %swap3A_1064 = arith.index_cast %swap3A_1063 : i32 to index
    %swap3A_1065 = arith.constant 48 : index
    %swap3A_1066 = tpu.vector_load %arg8[%swap3A_1064, %swap3A_1065] {strides = array<i32>} : memref<25x128xf32, #tpu.memory_space<vmem>>, vector<1x16xf32>,
    %swap3A_1067 = vector.shape_cast %swap3A_1066 : vector<1x16xf32> to vector<16xf32>
    %swap3A_1068 = vector.shape_cast %broadcast_in_dim3A_1062 : vector<16xf32> to vector<1x16xf32>
    tpu.vector_store %arg8[%swap3A_1064, %swap3A_1065], %swap3A_1068 {strides = array<i32>} : memref<25x128xf32, #tpu.memory_space<vmem>>, vector<1x16xf32>,
    %broadcast_in_dim3A_1069 = arith.constant 1.000000e+00 : f32
    %broadcast_in_dim3A_1070 = vector.broadcast %broadcast_in_dim3A_1069 : f32 to vector<16xf32>
    %swap3A_1071 = arith.constant 16 : i32
    %swap3A_1072 = arith.index_cast %swap3A_1071 : i32 to index
    %swap3A_1073 = arith.constant 64 : index
    %swap3A_1074 = tpu.vector_load %arg8[%swap3A_1072, %swap3A_1073] {strides = array<i32>} : memref<25x128xf32, #tpu.memory_space<vmem>>, vector<1x16xf32>,
    %swap3A_1075 = vector.shape_cast %swap3A_1074 : vector<1x16xf32> to vector<16xf32>
    %swap3A_1076 = vector.shape_cast %broadcast_in_dim3A_1070 : vector<16xf32> to vector<1x16xf32>
    tpu.vector_store %arg8[%swap3A_1072, %swap3A_1073], %swap3A_1076 {strides = array<i32>} : memref<25x128xf32, #tpu.memory_space<vmem>>, vector<1x16xf32>,
    %broadcast_in_dim3A_1077 = arith.constant 1.000000e+00 : f32
    %broadcast_in_dim3A_1078 = vector.broadcast %broadcast_in_dim3A_1077 : f32 to vector<16xf32>
    %swap3A_1079 = arith.constant 16 : i32
    %swap3A_1080 = arith.index_cast %swap3A_1079 : i32 to index
    %swap3A_1081 = arith.constant 80 : index
    %swap3A_1082 = tpu.vector_load %arg8[%swap3A_1080, %swap3A_1081] {strides = array<i32>} : memref<25x128xf32, #tpu.memory_space<vmem>>, vector<1x16xf32>,
    %swap3A_1083 = vector.shape_cast %swap3A_1082 : vector<1x16xf32> to vector<16xf32>
    %swap3A_1084 = vector.shape_cast %broadcast_in_dim3A_1078 : vector<16xf32> to vector<1x16xf32>
    tpu.vector_store %arg8[%swap3A_1080, %swap3A_1081], %swap3A_1084 {strides = array<i32>} : memref<25x128xf32, #tpu.memory_space<vmem>>, vector<1x16xf32>,
    %broadcast_in_dim3A_1085 = arith.constant 1.000000e+00 : f32
    %broadcast_in_dim3A_1086 = vector.broadcast %broadcast_in_dim3A_1085 : f32 to vector<16xf32>
    %swap3A_1087 = arith.constant 16 : i32
    %swap3A_1088 = arith.index_cast %swap3A_1087 : i32 to index
    %swap3A_1089 = arith.constant 96 : index
    %swap3A_1090 = tpu.vector_load %arg8[%swap3A_1088, %swap3A_1089] {strides = array<i32>} : memref<25x128xf32, #tpu.memory_space<vmem>>, vector<1x16xf32>,
    %swap3A_1091 = vector.shape_cast %swap3A_1090 : vector<1x16xf32> to vector<16xf32>
    %swap3A_1092 = vector.shape_cast %broadcast_in_dim3A_1086 : vector<16xf32> to vector<1x16xf32>
    tpu.vector_store %arg8[%swap3A_1088, %swap3A_1089], %swap3A_1092 {strides = array<i32>} : memref<25x128xf32, #tpu.memory_space<vmem>>, vector<1x16xf32>,
    %broadcast_in_dim3A_1093 = arith.constant 1.000000e+00 : f32
    %broadcast_in_dim3A_1094 = vector.broadcast %broadcast_in_dim3A_1093 : f32 to vector<16xf32>
    %swap3A_1095 = arith.constant 16 : i32
    %swap3A_1096 = arith.index_cast %swap3A_1095 : i32 to index
    %swap3A_1097 = arith.constant 112 : index
    %swap3A_1098 = tpu.vector_load %arg8[%swap3A_1096, %swap3A_1097] {strides = array<i32>} : memref<25x128xf32, #tpu.memory_space<vmem>>, vector<1x16xf32>,
    %swap3A_1099 = vector.shape_cast %swap3A_1098 : vector<1x16xf32> to vector<16xf32>
    %swap3A_1100 = vector.shape_cast %broadcast_in_dim3A_1094 : vector<16xf32> to vector<1x16xf32>
    tpu.vector_store %arg8[%swap3A_1096, %swap3A_1097], %swap3A_1100 {strides = array<i32>} : memref<25x128xf32, #tpu.memory_space<vmem>>, vector<1x16xf32>,
    %broadcast_in_dim3A_1101 = arith.constant 1.000000e+00 : f32
    %broadcast_in_dim3A_1102 = vector.broadcast %broadcast_in_dim3A_1101 : f32 to vector<16xf32>
    %swap3A_1103 = arith.constant 17 : i32
    %swap3A_1104 = arith.index_cast %swap3A_1103 : i32 to index
    %swap3A_1105 = arith.constant 0 : index
    %swap3A_1106 = tpu.vector_load %arg8[%swap3A_1104, %swap3A_1105] {strides = array<i32>} : memref<25x128xf32, #tpu.memory_space<vmem>>, vector<1x16xf32>,
    %swap3A_1107 = vector.shape_cast %swap3A_1106 : vector<1x16xf32> to vector<16xf32>
    %swap3A_1108 = vector.shape_cast %broadcast_in_dim3A_1102 : vector<16xf32> to vector<1x16xf32>
    tpu.vector_store %arg8[%swap3A_1104, %swap3A_1105], %swap3A_1108 {strides = array<i32>} : memref<25x128xf32, #tpu.memory_space<vmem>>, vector<1x16xf32>,
    %broadcast_in_dim3A_1109 = arith.constant 1.000000e+00 : f32
    %broadcast_in_dim3A_1110 = vector.broadcast %broadcast_in_dim3A_1109 : f32 to vector<16xf32>
    %swap3A_1111 = arith.constant 17 : i32
    %swap3A_1112 = arith.index_cast %swap3A_1111 : i32 to index
    %swap3A_1113 = arith.constant 16 : index
    %swap3A_1114 = tpu.vector_load %arg8[%swap3A_1112, %swap3A_1113] {strides = array<i32>} : memref<25x128xf32, #tpu.memory_space<vmem>>, vector<1x16xf32>,
    %swap3A_1115 = vector.shape_cast %swap3A_1114 : vector<1x16xf32> to vector<16xf32>
    %swap3A_1116 = vector.shape_cast %broadcast_in_dim3A_1110 : vector<16xf32> to vector<1x16xf32>
    tpu.vector_store %arg8[%swap3A_1112, %swap3A_1113], %swap3A_1116 {strides = array<i32>} : memref<25x128xf32, #tpu.memory_space<vmem>>, vector<1x16xf32>,
    %broadcast_in_dim3A_1117 = arith.constant 1.000000e+00 : f32
    %broadcast_in_dim3A_1118 = vector.broadcast %broadcast_in_dim3A_1117 : f32 to vector<16xf32>
    %swap3A_1119 = arith.constant 17 : i32
    %swap3A_1120 = arith.index_cast %swap3A_1119 : i32 to index
    %swap3A_1121 = arith.constant 32 : index
    %swap3A_1122 = tpu.vector_load %arg8[%swap3A_1120, %swap3A_1121] {strides = array<i32>} : memref<25x128xf32, #tpu.memory_space<vmem>>, vector<1x16xf32>,
    %swap3A_1123 = vector.shape_cast %swap3A_1122 : vector<1x16xf32> to vector<16xf32>
    %swap3A_1124 = vector.shape_cast %broadcast_in_dim3A_1118 : vector<16xf32> to vector<1x16xf32>
    tpu.vector_store %arg8[%swap3A_1120, %swap3A_1121], %swap3A_1124 {strides = array<i32>} : memref<25x128xf32, #tpu.memory_space<vmem>>, vector<1x16xf32>,
    %broadcast_in_dim3A_1125 = arith.constant 1.000000e+00 : f32
    %broadcast_in_dim3A_1126 = vector.broadcast %broadcast_in_dim3A_1125 : f32 to vector<16xf32>
    %swap3A_1127 = arith.constant 17 : i32
    %swap3A_1128 = arith.index_cast %swap3A_1127 : i32 to index
    %swap3A_1129 = arith.constant 48 : index
    %swap3A_1130 = tpu.vector_load %arg8[%swap3A_1128, %swap3A_1129] {strides = array<i32>} : memref<25x128xf32, #tpu.memory_space<vmem>>, vector<1x16xf32>,
    %swap3A_1131 = vector.shape_cast %swap3A_1130 : vector<1x16xf32> to vector<16xf32>
    %swap3A_1132 = vector.shape_cast %broadcast_in_dim3A_1126 : vector<16xf32> to vector<1x16xf32>
    tpu.vector_store %arg8[%swap3A_1128, %swap3A_1129], %swap3A_1132 {strides = array<i32>} : memref<25x128xf32, #tpu.memory_space<vmem>>, vector<1x16xf32>,
    %broadcast_in_dim3A_1133 = arith.constant 1.000000e+00 : f32
    %broadcast_in_dim3A_1134 = vector.broadcast %broadcast_in_dim3A_1133 : f32 to vector<16xf32>
    %swap3A_1135 = arith.constant 17 : i32
    %swap3A_1136 = arith.index_cast %swap3A_1135 : i32 to index
    %swap3A_1137 = arith.constant 64 : index
    %swap3A_1138 = tpu.vector_load %arg8[%swap3A_1136, %swap3A_1137] {strides = array<i32>} : memref<25x128xf32, #tpu.memory_space<vmem>>, vector<1x16xf32>,
    %swap3A_1139 = vector.shape_cast %swap3A_1138 : vector<1x16xf32> to vector<16xf32>
    %swap3A_1140 = vector.shape_cast %broadcast_in_dim3A_1134 : vector<16xf32> to vector<1x16xf32>
    tpu.vector_store %arg8[%swap3A_1136, %swap3A_1137], %swap3A_1140 {strides = array<i32>} : memref<25x128xf32, #tpu.memory_space<vmem>>, vector<1x16xf32>,
    %broadcast_in_dim3A_1141 = arith.constant 1.000000e+00 : f32
    %broadcast_in_dim3A_1142 = vector.broadcast %broadcast_in_dim3A_1141 : f32 to vector<16xf32>
    %swap3A_1143 = arith.constant 17 : i32
    %swap3A_1144 = arith.index_cast %swap3A_1143 : i32 to index
    %swap3A_1145 = arith.constant 80 : index
    %swap3A_1146 = tpu.vector_load %arg8[%swap3A_1144, %swap3A_1145] {strides = array<i32>} : memref<25x128xf32, #tpu.memory_space<vmem>>, vector<1x16xf32>,
    %swap3A_1147 = vector.shape_cast %swap3A_1146 : vector<1x16xf32> to vector<16xf32>
    %swap3A_1148 = vector.shape_cast %broadcast_in_dim3A_1142 : vector<16xf32> to vector<1x16xf32>
    tpu.vector_store %arg8[%swap3A_1144, %swap3A_1145], %swap3A_1148 {strides = array<i32>} : memref<25x128xf32, #tpu.memory_space<vmem>>, vector<1x16xf32>,
    %broadcast_in_dim3A_1149 = arith.constant 1.000000e+00 : f32
    %broadcast_in_dim3A_1150 = vector.broadcast %broadcast_in_dim3A_1149 : f32 to vector<16xf32>
    %swap3A_1151 = arith.constant 17 : i32
    %swap3A_1152 = arith.index_cast %swap3A_1151 : i32 to index
    %swap3A_1153 = arith.constant 96 : index
    %swap3A_1154 = tpu.vector_load %arg8[%swap3A_1152, %swap3A_1153] {strides = array<i32>} : memref<25x128xf32, #tpu.memory_space<vmem>>, vector<1x16xf32>,
    %swap3A_1155 = vector.shape_cast %swap3A_1154 : vector<1x16xf32> to vector<16xf32>
    %swap3A_1156 = vector.shape_cast %broadcast_in_dim3A_1150 : vector<16xf32> to vector<1x16xf32>
    tpu.vector_store %arg8[%swap3A_1152, %swap3A_1153], %swap3A_1156 {strides = array<i32>} : memref<25x128xf32, #tpu.memory_space<vmem>>, vector<1x16xf32>,
    %broadcast_in_dim3A_1157 = arith.constant 1.000000e+00 : f32
    %broadcast_in_dim3A_1158 = vector.broadcast %broadcast_in_dim3A_1157 : f32 to vector<16xf32>
    %swap3A_1159 = arith.constant 17 : i32
    %swap3A_1160 = arith.index_cast %swap3A_1159 : i32 to index
    %swap3A_1161 = arith.constant 112 : index
    %swap3A_1162 = tpu.vector_load %arg8[%swap3A_1160, %swap3A_1161] {strides = array<i32>} : memref<25x128xf32, #tpu.memory_space<vmem>>, vector<1x16xf32>,
    %swap3A_1163 = vector.shape_cast %swap3A_1162 : vector<1x16xf32> to vector<16xf32>
    %swap3A_1164 = vector.shape_cast %broadcast_in_dim3A_1158 : vector<16xf32> to vector<1x16xf32>
    tpu.vector_store %arg8[%swap3A_1160, %swap3A_1161], %swap3A_1164 {strides = array<i32>} : memref<25x128xf32, #tpu.memory_space<vmem>>, vector<1x16xf32>,
    %broadcast_in_dim3A_1165 = arith.constant 1.000000e+00 : f32
    %broadcast_in_dim3A_1166 = vector.broadcast %broadcast_in_dim3A_1165 : f32 to vector<16xf32>
    %swap3A_1167 = arith.constant 18 : i32
    %swap3A_1168 = arith.index_cast %swap3A_1167 : i32 to index
    %swap3A_1169 = arith.constant 0 : index
    %swap3A_1170 = tpu.vector_load %arg8[%swap3A_1168, %swap3A_1169] {strides = array<i32>} : memref<25x128xf32, #tpu.memory_space<vmem>>, vector<1x16xf32>,
    %swap3A_1171 = vector.shape_cast %swap3A_1170 : vector<1x16xf32> to vector<16xf32>
    %swap3A_1172 = vector.shape_cast %broadcast_in_dim3A_1166 : vector<16xf32> to vector<1x16xf32>
    tpu.vector_store %arg8[%swap3A_1168, %swap3A_1169], %swap3A_1172 {strides = array<i32>} : memref<25x128xf32, #tpu.memory_space<vmem>>, vector<1x16xf32>,
    %broadcast_in_dim3A_1173 = arith.constant 1.000000e+00 : f32
    %broadcast_in_dim3A_1174 = vector.broadcast %broadcast_in_dim3A_1173 : f32 to vector<16xf32>
    %swap3A_1175 = arith.constant 18 : i32
    %swap3A_1176 = arith.index_cast %swap3A_1175 : i32 to index
    %swap3A_1177 = arith.constant 16 : index
    %swap3A_1178 = tpu.vector_load %arg8[%swap3A_1176, %swap3A_1177] {strides = array<i32>} : memref<25x128xf32, #tpu.memory_space<vmem>>, vector<1x16xf32>,
    %swap3A_1179 = vector.shape_cast %swap3A_1178 : vector<1x16xf32> to vector<16xf32>
    %swap3A_1180 = vector.shape_cast %broadcast_in_dim3A_1174 : vector<16xf32> to vector<1x16xf32>
    tpu.vector_store %arg8[%swap3A_1176, %swap3A_1177], %swap3A_1180 {strides = array<i32>} : memref<25x128xf32, #tpu.memory_space<vmem>>, vector<1x16xf32>,
    %broadcast_in_dim3A_1181 = arith.constant 1.000000e+00 : f32
    %broadcast_in_dim3A_1182 = vector.broadcast %broadcast_in_dim3A_1181 : f32 to vector<16xf32>
    %swap3A_1183 = arith.constant 18 : i32
    %swap3A_1184 = arith.index_cast %swap3A_1183 : i32 to index
    %swap3A_1185 = arith.constant 32 : index
    %swap3A_1186 = tpu.vector_load %arg8[%swap3A_1184, %swap3A_1185] {strides = array<i32>} : memref<25x128xf32, #tpu.memory_space<vmem>>, vector<1x16xf32>,
    %swap3A_1187 = vector.shape_cast %swap3A_1186 : vector<1x16xf32> to vector<16xf32>
    %swap3A_1188 = vector.shape_cast %broadcast_in_dim3A_1182 : vector<16xf32> to vector<1x16xf32>
    tpu.vector_store %arg8[%swap3A_1184, %swap3A_1185], %swap3A_1188 {strides = array<i32>} : memref<25x128xf32, #tpu.memory_space<vmem>>, vector<1x16xf32>,
    %broadcast_in_dim3A_1189 = arith.constant 1.000000e+00 : f32
    %broadcast_in_dim3A_1190 = vector.broadcast %broadcast_in_dim3A_1189 : f32 to vector<16xf32>
    %swap3A_1191 = arith.constant 18 : i32
    %swap3A_1192 = arith.index_cast %swap3A_1191 : i32 to index
    %swap3A_1193 = arith.constant 48 : index
    %swap3A_1194 = tpu.vector_load %arg8[%swap3A_1192, %swap3A_1193] {strides = array<i32>} : memref<25x128xf32, #tpu.memory_space<vmem>>, vector<1x16xf32>,
    %swap3A_1195 = vector.shape_cast %swap3A_1194 : vector<1x16xf32> to vector<16xf32>
    %swap3A_1196 = vector.shape_cast %broadcast_in_dim3A_1190 : vector<16xf32> to vector<1x16xf32>
    tpu.vector_store %arg8[%swap3A_1192, %swap3A_1193], %swap3A_1196 {strides = array<i32>} : memref<25x128xf32, #tpu.memory_space<vmem>>, vector<1x16xf32>,
    %broadcast_in_dim3A_1197 = arith.constant 1.000000e+00 : f32
    %broadcast_in_dim3A_1198 = vector.broadcast %broadcast_in_dim3A_1197 : f32 to vector<16xf32>
    %swap3A_1199 = arith.constant 18 : i32
    %swap3A_1200 = arith.index_cast %swap3A_1199 : i32 to index
    %swap3A_1201 = arith.constant 64 : index
    %swap3A_1202 = tpu.vector_load %arg8[%swap3A_1200, %swap3A_1201] {strides = array<i32>} : memref<25x128xf32, #tpu.memory_space<vmem>>, vector<1x16xf32>,
    %swap3A_1203 = vector.shape_cast %swap3A_1202 : vector<1x16xf32> to vector<16xf32>
    %swap3A_1204 = vector.shape_cast %broadcast_in_dim3A_1198 : vector<16xf32> to vector<1x16xf32>
    tpu.vector_store %arg8[%swap3A_1200, %swap3A_1201], %swap3A_1204 {strides = array<i32>} : memref<25x128xf32, #tpu.memory_space<vmem>>, vector<1x16xf32>,
    %broadcast_in_dim3A_1205 = arith.constant 1.000000e+00 : f32
    %broadcast_in_dim3A_1206 = vector.broadcast %broadcast_in_dim3A_1205 : f32 to vector<16xf32>
    %swap3A_1207 = arith.constant 18 : i32
    %swap3A_1208 = arith.index_cast %swap3A_1207 : i32 to index
    %swap3A_1209 = arith.constant 80 : index
    %swap3A_1210 = tpu.vector_load %arg8[%swap3A_1208, %swap3A_1209] {strides = array<i32>} : memref<25x128xf32, #tpu.memory_space<vmem>>, vector<1x16xf32>,
    %swap3A_1211 = vector.shape_cast %swap3A_1210 : vector<1x16xf32> to vector<16xf32>
    %swap3A_1212 = vector.shape_cast %broadcast_in_dim3A_1206 : vector<16xf32> to vector<1x16xf32>
    tpu.vector_store %arg8[%swap3A_1208, %swap3A_1209], %swap3A_1212 {strides = array<i32>} : memref<25x128xf32, #tpu.memory_space<vmem>>, vector<1x16xf32>,
    %broadcast_in_dim3A_1213 = arith.constant 1.000000e+00 : f32
    %broadcast_in_dim3A_1214 = vector.broadcast %broadcast_in_dim3A_1213 : f32 to vector<16xf32>
    %swap3A_1215 = arith.constant 18 : i32
    %swap3A_1216 = arith.index_cast %swap3A_1215 : i32 to index
    %swap3A_1217 = arith.constant 96 : index
    %swap3A_1218 = tpu.vector_load %arg8[%swap3A_1216, %swap3A_1217] {strides = array<i32>} : memref<25x128xf32, #tpu.memory_space<vmem>>, vector<1x16xf32>,
    %swap3A_1219 = vector.shape_cast %swap3A_1218 : vector<1x16xf32> to vector<16xf32>
    %swap3A_1220 = vector.shape_cast %broadcast_in_dim3A_1214 : vector<16xf32> to vector<1x16xf32>
    tpu.vector_store %arg8[%swap3A_1216, %swap3A_1217], %swap3A_1220 {strides = array<i32>} : memref<25x128xf32, #tpu.memory_space<vmem>>, vector<1x16xf32>,
    %broadcast_in_dim3A_1221 = arith.constant 1.000000e+00 : f32
    %broadcast_in_dim3A_1222 = vector.broadcast %broadcast_in_dim3A_1221 : f32 to vector<16xf32>
    %swap3A_1223 = arith.constant 18 : i32
    %swap3A_1224 = arith.index_cast %swap3A_1223 : i32 to index
    %swap3A_1225 = arith.constant 112 : index
    %swap3A_1226 = tpu.vector_load %arg8[%swap3A_1224, %swap3A_1225] {strides = array<i32>} : memref<25x128xf32, #tpu.memory_space<vmem>>, vector<1x16xf32>,
    %swap3A_1227 = vector.shape_cast %swap3A_1226 : vector<1x16xf32> to vector<16xf32>
    %swap3A_1228 = vector.shape_cast %broadcast_in_dim3A_1222 : vector<16xf32> to vector<1x16xf32>
    tpu.vector_store %arg8[%swap3A_1224, %swap3A_1225], %swap3A_1228 {strides = array<i32>} : memref<25x128xf32, #tpu.memory_space<vmem>>, vector<1x16xf32>,
    %broadcast_in_dim3A_1229 = arith.constant 1.000000e+00 : f32
    %broadcast_in_dim3A_1230 = vector.broadcast %broadcast_in_dim3A_1229 : f32 to vector<16xf32>
    %swap3A_1231 = arith.constant 19 : i32
    %swap3A_1232 = arith.index_cast %swap3A_1231 : i32 to index
    %swap3A_1233 = arith.constant 0 : index
    %swap3A_1234 = tpu.vector_load %arg8[%swap3A_1232, %swap3A_1233] {strides = array<i32>} : memref<25x128xf32, #tpu.memory_space<vmem>>, vector<1x16xf32>,
    %swap3A_1235 = vector.shape_cast %swap3A_1234 : vector<1x16xf32> to vector<16xf32>
    %swap3A_1236 = vector.shape_cast %broadcast_in_dim3A_1230 : vector<16xf32> to vector<1x16xf32>
    tpu.vector_store %arg8[%swap3A_1232, %swap3A_1233], %swap3A_1236 {strides = array<i32>} : memref<25x128xf32, #tpu.memory_space<vmem>>, vector<1x16xf32>,
    %broadcast_in_dim3A_1237 = arith.constant 1.000000e+00 : f32
    %broadcast_in_dim3A_1238 = vector.broadcast %broadcast_in_dim3A_1237 : f32 to vector<16xf32>
    %swap3A_1239 = arith.constant 19 : i32
    %swap3A_1240 = arith.index_cast %swap3A_1239 : i32 to index
    %swap3A_1241 = arith.constant 16 : index
    %swap3A_1242 = tpu.vector_load %arg8[%swap3A_1240, %swap3A_1241] {strides = array<i32>} : memref<25x128xf32, #tpu.memory_space<vmem>>, vector<1x16xf32>,
    %swap3A_1243 = vector.shape_cast %swap3A_1242 : vector<1x16xf32> to vector<16xf32>
    %swap3A_1244 = vector.shape_cast %broadcast_in_dim3A_1238 : vector<16xf32> to vector<1x16xf32>
    tpu.vector_store %arg8[%swap3A_1240, %swap3A_1241], %swap3A_1244 {strides = array<i32>} : memref<25x128xf32, #tpu.memory_space<vmem>>, vector<1x16xf32>,
    %broadcast_in_dim3A_1245 = arith.constant 1.000000e+00 : f32
    %broadcast_in_dim3A_1246 = vector.broadcast %broadcast_in_dim3A_1245 : f32 to vector<16xf32>
    %swap3A_1247 = arith.constant 19 : i32
    %swap3A_1248 = arith.index_cast %swap3A_1247 : i32 to index
    %swap3A_1249 = arith.constant 32 : index
    %swap3A_1250 = tpu.vector_load %arg8[%swap3A_1248, %swap3A_1249] {strides = array<i32>} : memref<25x128xf32, #tpu.memory_space<vmem>>, vector<1x16xf32>,
    %swap3A_1251 = vector.shape_cast %swap3A_1250 : vector<1x16xf32> to vector<16xf32>
    %swap3A_1252 = vector.shape_cast %broadcast_in_dim3A_1246 : vector<16xf32> to vector<1x16xf32>
    tpu.vector_store %arg8[%swap3A_1248, %swap3A_1249], %swap3A_1252 {strides = array<i32>} : memref<25x128xf32, #tpu.memory_space<vmem>>, vector<1x16xf32>,
    %broadcast_in_dim3A_1253 = arith.constant 1.000000e+00 : f32
    %broadcast_in_dim3A_1254 = vector.broadcast %broadcast_in_dim3A_1253 : f32 to vector<16xf32>
    %swap3A_1255 = arith.constant 19 : i32
    %swap3A_1256 = arith.index_cast %swap3A_1255 : i32 to index
    %swap3A_1257 = arith.constant 48 : index
    %swap3A_1258 = tpu.vector_load %arg8[%swap3A_1256, %swap3A_1257] {strides = array<i32>} : memref<25x128xf32, #tpu.memory_space<vmem>>, vector<1x16xf32>,
    %swap3A_1259 = vector.shape_cast %swap3A_1258 : vector<1x16xf32> to vector<16xf32>
    %swap3A_1260 = vector.shape_cast %broadcast_in_dim3A_1254 : vector<16xf32> to vector<1x16xf32>
    tpu.vector_store %arg8[%swap3A_1256, %swap3A_1257], %swap3A_1260 {strides = array<i32>} : memref<25x128xf32, #tpu.memory_space<vmem>>, vector<1x16xf32>,
    %broadcast_in_dim3A_1261 = arith.constant 1.000000e+00 : f32
    %broadcast_in_dim3A_1262 = vector.broadcast %broadcast_in_dim3A_1261 : f32 to vector<16xf32>
    %swap3A_1263 = arith.constant 19 : i32
    %swap3A_1264 = arith.index_cast %swap3A_1263 : i32 to index
    %swap3A_1265 = arith.constant 64 : index
    %swap3A_1266 = tpu.vector_load %arg8[%swap3A_1264, %swap3A_1265] {strides = array<i32>} : memref<25x128xf32, #tpu.memory_space<vmem>>, vector<1x16xf32>,
    %swap3A_1267 = vector.shape_cast %swap3A_1266 : vector<1x16xf32> to vector<16xf32>
    %swap3A_1268 = vector.shape_cast %broadcast_in_dim3A_1262 : vector<16xf32> to vector<1x16xf32>
    tpu.vector_store %arg8[%swap3A_1264, %swap3A_1265], %swap3A_1268 {strides = array<i32>} : memref<25x128xf32, #tpu.memory_space<vmem>>, vector<1x16xf32>,
    %broadcast_in_dim3A_1269 = arith.constant 1.000000e+00 : f32
    %broadcast_in_dim3A_1270 = vector.broadcast %broadcast_in_dim3A_1269 : f32 to vector<16xf32>
    %swap3A_1271 = arith.constant 19 : i32
    %swap3A_1272 = arith.index_cast %swap3A_1271 : i32 to index
    %swap3A_1273 = arith.constant 80 : index
    %swap3A_1274 = tpu.vector_load %arg8[%swap3A_1272, %swap3A_1273] {strides = array<i32>} : memref<25x128xf32, #tpu.memory_space<vmem>>, vector<1x16xf32>,
    %swap3A_1275 = vector.shape_cast %swap3A_1274 : vector<1x16xf32> to vector<16xf32>
    %swap3A_1276 = vector.shape_cast %broadcast_in_dim3A_1270 : vector<16xf32> to vector<1x16xf32>
    tpu.vector_store %arg8[%swap3A_1272, %swap3A_1273], %swap3A_1276 {strides = array<i32>} : memref<25x128xf32, #tpu.memory_space<vmem>>, vector<1x16xf32>,
    %broadcast_in_dim3A_1277 = arith.constant 1.000000e+00 : f32
    %broadcast_in_dim3A_1278 = vector.broadcast %broadcast_in_dim3A_1277 : f32 to vector<16xf32>
    %swap3A_1279 = arith.constant 19 : i32
    %swap3A_1280 = arith.index_cast %swap3A_1279 : i32 to index
    %swap3A_1281 = arith.constant 96 : index
    %swap3A_1282 = tpu.vector_load %arg8[%swap3A_1280, %swap3A_1281] {strides = array<i32>} : memref<25x128xf32, #tpu.memory_space<vmem>>, vector<1x16xf32>,
    %swap3A_1283 = vector.shape_cast %swap3A_1282 : vector<1x16xf32> to vector<16xf32>
    %swap3A_1284 = vector.shape_cast %broadcast_in_dim3A_1278 : vector<16xf32> to vector<1x16xf32>
    tpu.vector_store %arg8[%swap3A_1280, %swap3A_1281], %swap3A_1284 {strides = array<i32>} : memref<25x128xf32, #tpu.memory_space<vmem>>, vector<1x16xf32>,
    %broadcast_in_dim3A_1285 = arith.constant 1.000000e+00 : f32
    %broadcast_in_dim3A_1286 = vector.broadcast %broadcast_in_dim3A_1285 : f32 to vector<16xf32>
    %swap3A_1287 = arith.constant 19 : i32
    %swap3A_1288 = arith.index_cast %swap3A_1287 : i32 to index
    %swap3A_1289 = arith.constant 112 : index
    %swap3A_1290 = tpu.vector_load %arg8[%swap3A_1288, %swap3A_1289] {strides = array<i32>} : memref<25x128xf32, #tpu.memory_space<vmem>>, vector<1x16xf32>,
    %swap3A_1291 = vector.shape_cast %swap3A_1290 : vector<1x16xf32> to vector<16xf32>
    %swap3A_1292 = vector.shape_cast %broadcast_in_dim3A_1286 : vector<16xf32> to vector<1x16xf32>
    tpu.vector_store %arg8[%swap3A_1288, %swap3A_1289], %swap3A_1292 {strides = array<i32>} : memref<25x128xf32, #tpu.memory_space<vmem>>, vector<1x16xf32>,
    %broadcast_in_dim3A_1293 = arith.constant 1.000000e+00 : f32
    %broadcast_in_dim3A_1294 = vector.broadcast %broadcast_in_dim3A_1293 : f32 to vector<16xf32>
    %swap3A_1295 = arith.constant 20 : i32
    %swap3A_1296 = arith.index_cast %swap3A_1295 : i32 to index
    %swap3A_1297 = arith.constant 0 : index
    %swap3A_1298 = tpu.vector_load %arg8[%swap3A_1296, %swap3A_1297] {strides = array<i32>} : memref<25x128xf32, #tpu.memory_space<vmem>>, vector<1x16xf32>,
    %swap3A_1299 = vector.shape_cast %swap3A_1298 : vector<1x16xf32> to vector<16xf32>
    %swap3A_1300 = vector.shape_cast %broadcast_in_dim3A_1294 : vector<16xf32> to vector<1x16xf32>
    tpu.vector_store %arg8[%swap3A_1296, %swap3A_1297], %swap3A_1300 {strides = array<i32>} : memref<25x128xf32, #tpu.memory_space<vmem>>, vector<1x16xf32>,
    %broadcast_in_dim3A_1301 = arith.constant 1.000000e+00 : f32
    %broadcast_in_dim3A_1302 = vector.broadcast %broadcast_in_dim3A_1301 : f32 to vector<16xf32>
    %swap3A_1303 = arith.constant 20 : i32
    %swap3A_1304 = arith.index_cast %swap3A_1303 : i32 to index
    %swap3A_1305 = arith.constant 16 : index
    %swap3A_1306 = tpu.vector_load %arg8[%swap3A_1304, %swap3A_1305] {strides = array<i32>} : memref<25x128xf32, #tpu.memory_space<vmem>>, vector<1x16xf32>,
    %swap3A_1307 = vector.shape_cast %swap3A_1306 : vector<1x16xf32> to vector<16xf32>
    %swap3A_1308 = vector.shape_cast %broadcast_in_dim3A_1302 : vector<16xf32> to vector<1x16xf32>
    tpu.vector_store %arg8[%swap3A_1304, %swap3A_1305], %swap3A_1308 {strides = array<i32>} : memref<25x128xf32, #tpu.memory_space<vmem>>, vector<1x16xf32>,
    %broadcast_in_dim3A_1309 = arith.constant 1.000000e+00 : f32
    %broadcast_in_dim3A_1310 = vector.broadcast %broadcast_in_dim3A_1309 : f32 to vector<16xf32>
    %swap3A_1311 = arith.constant 20 : i32
    %swap3A_1312 = arith.index_cast %swap3A_1311 : i32 to index
    %swap3A_1313 = arith.constant 32 : index
    %swap3A_1314 = tpu.vector_load %arg8[%swap3A_1312, %swap3A_1313] {strides = array<i32>} : memref<25x128xf32, #tpu.memory_space<vmem>>, vector<1x16xf32>,
    %swap3A_1315 = vector.shape_cast %swap3A_1314 : vector<1x16xf32> to vector<16xf32>
    %swap3A_1316 = vector.shape_cast %broadcast_in_dim3A_1310 : vector<16xf32> to vector<1x16xf32>
    tpu.vector_store %arg8[%swap3A_1312, %swap3A_1313], %swap3A_1316 {strides = array<i32>} : memref<25x128xf32, #tpu.memory_space<vmem>>, vector<1x16xf32>,
    %broadcast_in_dim3A_1317 = arith.constant 1.000000e+00 : f32
    %broadcast_in_dim3A_1318 = vector.broadcast %broadcast_in_dim3A_1317 : f32 to vector<16xf32>
    %swap3A_1319 = arith.constant 20 : i32
    %swap3A_1320 = arith.index_cast %swap3A_1319 : i32 to index
    %swap3A_1321 = arith.constant 48 : index
    %swap3A_1322 = tpu.vector_load %arg8[%swap3A_1320, %swap3A_1321] {strides = array<i32>} : memref<25x128xf32, #tpu.memory_space<vmem>>, vector<1x16xf32>,
    %swap3A_1323 = vector.shape_cast %swap3A_1322 : vector<1x16xf32> to vector<16xf32>
    %swap3A_1324 = vector.shape_cast %broadcast_in_dim3A_1318 : vector<16xf32> to vector<1x16xf32>
    tpu.vector_store %arg8[%swap3A_1320, %swap3A_1321], %swap3A_1324 {strides = array<i32>} : memref<25x128xf32, #tpu.memory_space<vmem>>, vector<1x16xf32>,
    %broadcast_in_dim3A_1325 = arith.constant 1.000000e+00 : f32
    %broadcast_in_dim3A_1326 = vector.broadcast %broadcast_in_dim3A_1325 : f32 to vector<16xf32>
    %swap3A_1327 = arith.constant 20 : i32
    %swap3A_1328 = arith.index_cast %swap3A_1327 : i32 to index
    %swap3A_1329 = arith.constant 64 : index
    %swap3A_1330 = tpu.vector_load %arg8[%swap3A_1328, %swap3A_1329] {strides = array<i32>} : memref<25x128xf32, #tpu.memory_space<vmem>>, vector<1x16xf32>,
    %swap3A_1331 = vector.shape_cast %swap3A_1330 : vector<1x16xf32> to vector<16xf32>
    %swap3A_1332 = vector.shape_cast %broadcast_in_dim3A_1326 : vector<16xf32> to vector<1x16xf32>
    tpu.vector_store %arg8[%swap3A_1328, %swap3A_1329], %swap3A_1332 {strides = array<i32>} : memref<25x128xf32, #tpu.memory_space<vmem>>, vector<1x16xf32>,
    %broadcast_in_dim3A_1333 = arith.constant 1.000000e+00 : f32
    %broadcast_in_dim3A_1334 = vector.broadcast %broadcast_in_dim3A_1333 : f32 to vector<16xf32>
    %swap3A_1335 = arith.constant 20 : i32
    %swap3A_1336 = arith.index_cast %swap3A_1335 : i32 to index
    %swap3A_1337 = arith.constant 80 : index
    %swap3A_1338 = tpu.vector_load %arg8[%swap3A_1336, %swap3A_1337] {strides = array<i32>} : memref<25x128xf32, #tpu.memory_space<vmem>>, vector<1x16xf32>,
    %swap3A_1339 = vector.shape_cast %swap3A_1338 : vector<1x16xf32> to vector<16xf32>
    %swap3A_1340 = vector.shape_cast %broadcast_in_dim3A_1334 : vector<16xf32> to vector<1x16xf32>
    tpu.vector_store %arg8[%swap3A_1336, %swap3A_1337], %swap3A_1340 {strides = array<i32>} : memref<25x128xf32, #tpu.memory_space<vmem>>, vector<1x16xf32>,
    %broadcast_in_dim3A_1341 = arith.constant 1.000000e+00 : f32
    %broadcast_in_dim3A_1342 = vector.broadcast %broadcast_in_dim3A_1341 : f32 to vector<16xf32>
    %swap3A_1343 = arith.constant 20 : i32
    %swap3A_1344 = arith.index_cast %swap3A_1343 : i32 to index
    %swap3A_1345 = arith.constant 96 : index
    %swap3A_1346 = tpu.vector_load %arg8[%swap3A_1344, %swap3A_1345] {strides = array<i32>} : memref<25x128xf32, #tpu.memory_space<vmem>>, vector<1x16xf32>,
    %swap3A_1347 = vector.shape_cast %swap3A_1346 : vector<1x16xf32> to vector<16xf32>
    %swap3A_1348 = vector.shape_cast %broadcast_in_dim3A_1342 : vector<16xf32> to vector<1x16xf32>
    tpu.vector_store %arg8[%swap3A_1344, %swap3A_1345], %swap3A_1348 {strides = array<i32>} : memref<25x128xf32, #tpu.memory_space<vmem>>, vector<1x16xf32>,
    %broadcast_in_dim3A_1349 = arith.constant 1.000000e+00 : f32
    %broadcast_in_dim3A_1350 = vector.broadcast %broadcast_in_dim3A_1349 : f32 to vector<16xf32>
    %swap3A_1351 = arith.constant 20 : i32
    %swap3A_1352 = arith.index_cast %swap3A_1351 : i32 to index
    %swap3A_1353 = arith.constant 112 : index
    %swap3A_1354 = tpu.vector_load %arg8[%swap3A_1352, %swap3A_1353] {strides = array<i32>} : memref<25x128xf32, #tpu.memory_space<vmem>>, vector<1x16xf32>,
    %swap3A_1355 = vector.shape_cast %swap3A_1354 : vector<1x16xf32> to vector<16xf32>
    %swap3A_1356 = vector.shape_cast %broadcast_in_dim3A_1350 : vector<16xf32> to vector<1x16xf32>
    tpu.vector_store %arg8[%swap3A_1352, %swap3A_1353], %swap3A_1356 {strides = array<i32>} : memref<25x128xf32, #tpu.memory_space<vmem>>, vector<1x16xf32>,
    %broadcast_in_dim3A_1357 = arith.constant 1.000000e+00 : f32
    %broadcast_in_dim3A_1358 = vector.broadcast %broadcast_in_dim3A_1357 : f32 to vector<16xf32>
    %swap3A_1359 = arith.constant 21 : i32
    %swap3A_1360 = arith.index_cast %swap3A_1359 : i32 to index
    %swap3A_1361 = arith.constant 0 : index
    %swap3A_1362 = tpu.vector_load %arg8[%swap3A_1360, %swap3A_1361] {strides = array<i32>} : memref<25x128xf32, #tpu.memory_space<vmem>>, vector<1x16xf32>,
    %swap3A_1363 = vector.shape_cast %swap3A_1362 : vector<1x16xf32> to vector<16xf32>
    %swap3A_1364 = vector.shape_cast %broadcast_in_dim3A_1358 : vector<16xf32> to vector<1x16xf32>
    tpu.vector_store %arg8[%swap3A_1360, %swap3A_1361], %swap3A_1364 {strides = array<i32>} : memref<25x128xf32, #tpu.memory_space<vmem>>, vector<1x16xf32>,
    %broadcast_in_dim3A_1365 = arith.constant 1.000000e+00 : f32
    %broadcast_in_dim3A_1366 = vector.broadcast %broadcast_in_dim3A_1365 : f32 to vector<16xf32>
    %swap3A_1367 = arith.constant 21 : i32
    %swap3A_1368 = arith.index_cast %swap3A_1367 : i32 to index
    %swap3A_1369 = arith.constant 16 : index
    %swap3A_1370 = tpu.vector_load %arg8[%swap3A_1368, %swap3A_1369] {strides = array<i32>} : memref<25x128xf32, #tpu.memory_space<vmem>>, vector<1x16xf32>,
    %swap3A_1371 = vector.shape_cast %swap3A_1370 : vector<1x16xf32> to vector<16xf32>
    %swap3A_1372 = vector.shape_cast %broadcast_in_dim3A_1366 : vector<16xf32> to vector<1x16xf32>
    tpu.vector_store %arg8[%swap3A_1368, %swap3A_1369], %swap3A_1372 {strides = array<i32>} : memref<25x128xf32, #tpu.memory_space<vmem>>, vector<1x16xf32>,
    %broadcast_in_dim3A_1373 = arith.constant 1.000000e+00 : f32
    %broadcast_in_dim3A_1374 = vector.broadcast %broadcast_in_dim3A_1373 : f32 to vector<16xf32>
    %swap3A_1375 = arith.constant 21 : i32
    %swap3A_1376 = arith.index_cast %swap3A_1375 : i32 to index
    %swap3A_1377 = arith.constant 32 : index
    %swap3A_1378 = tpu.vector_load %arg8[%swap3A_1376, %swap3A_1377] {strides = array<i32>} : memref<25x128xf32, #tpu.memory_space<vmem>>, vector<1x16xf32>,
    %swap3A_1379 = vector.shape_cast %swap3A_1378 : vector<1x16xf32> to vector<16xf32>
    %swap3A_1380 = vector.shape_cast %broadcast_in_dim3A_1374 : vector<16xf32> to vector<1x16xf32>
    tpu.vector_store %arg8[%swap3A_1376, %swap3A_1377], %swap3A_1380 {strides = array<i32>} : memref<25x128xf32, #tpu.memory_space<vmem>>, vector<1x16xf32>,
    %broadcast_in_dim3A_1381 = arith.constant 1.000000e+00 : f32
    %broadcast_in_dim3A_1382 = vector.broadcast %broadcast_in_dim3A_1381 : f32 to vector<16xf32>
    %swap3A_1383 = arith.constant 21 : i32
    %swap3A_1384 = arith.index_cast %swap3A_1383 : i32 to index
    %swap3A_1385 = arith.constant 48 : index
    %swap3A_1386 = tpu.vector_load %arg8[%swap3A_1384, %swap3A_1385] {strides = array<i32>} : memref<25x128xf32, #tpu.memory_space<vmem>>, vector<1x16xf32>,
    %swap3A_1387 = vector.shape_cast %swap3A_1386 : vector<1x16xf32> to vector<16xf32>
    %swap3A_1388 = vector.shape_cast %broadcast_in_dim3A_1382 : vector<16xf32> to vector<1x16xf32>
    tpu.vector_store %arg8[%swap3A_1384, %swap3A_1385], %swap3A_1388 {strides = array<i32>} : memref<25x128xf32, #tpu.memory_space<vmem>>, vector<1x16xf32>,
    %broadcast_in_dim3A_1389 = arith.constant 1.000000e+00 : f32
    %broadcast_in_dim3A_1390 = vector.broadcast %broadcast_in_dim3A_1389 : f32 to vector<16xf32>
    %swap3A_1391 = arith.constant 21 : i32
    %swap3A_1392 = arith.index_cast %swap3A_1391 : i32 to index
    %swap3A_1393 = arith.constant 64 : index
    %swap3A_1394 = tpu.vector_load %arg8[%swap3A_1392, %swap3A_1393] {strides = array<i32>} : memref<25x128xf32, #tpu.memory_space<vmem>>, vector<1x16xf32>,
    %swap3A_1395 = vector.shape_cast %swap3A_1394 : vector<1x16xf32> to vector<16xf32>
    %swap3A_1396 = vector.shape_cast %broadcast_in_dim3A_1390 : vector<16xf32> to vector<1x16xf32>
    tpu.vector_store %arg8[%swap3A_1392, %swap3A_1393], %swap3A_1396 {strides = array<i32>} : memref<25x128xf32, #tpu.memory_space<vmem>>, vector<1x16xf32>,
    %broadcast_in_dim3A_1397 = arith.constant 1.000000e+00 : f32
    %broadcast_in_dim3A_1398 = vector.broadcast %broadcast_in_dim3A_1397 : f32 to vector<16xf32>
    %swap3A_1399 = arith.constant 21 : i32
    %swap3A_1400 = arith.index_cast %swap3A_1399 : i32 to index
    %swap3A_1401 = arith.constant 80 : index
    %swap3A_1402 = tpu.vector_load %arg8[%swap3A_1400, %swap3A_1401] {strides = array<i32>} : memref<25x128xf32, #tpu.memory_space<vmem>>, vector<1x16xf32>,
    %swap3A_1403 = vector.shape_cast %swap3A_1402 : vector<1x16xf32> to vector<16xf32>
    %swap3A_1404 = vector.shape_cast %broadcast_in_dim3A_1398 : vector<16xf32> to vector<1x16xf32>
    tpu.vector_store %arg8[%swap3A_1400, %swap3A_1401], %swap3A_1404 {strides = array<i32>} : memref<25x128xf32, #tpu.memory_space<vmem>>, vector<1x16xf32>,
    %broadcast_in_dim3A_1405 = arith.constant 1.000000e+00 : f32
    %broadcast_in_dim3A_1406 = vector.broadcast %broadcast_in_dim3A_1405 : f32 to vector<16xf32>
    %swap3A_1407 = arith.constant 21 : i32
    %swap3A_1408 = arith.index_cast %swap3A_1407 : i32 to index
    %swap3A_1409 = arith.constant 96 : index
    %swap3A_1410 = tpu.vector_load %arg8[%swap3A_1408, %swap3A_1409] {strides = array<i32>} : memref<25x128xf32, #tpu.memory_space<vmem>>, vector<1x16xf32>,
    %swap3A_1411 = vector.shape_cast %swap3A_1410 : vector<1x16xf32> to vector<16xf32>
    %swap3A_1412 = vector.shape_cast %broadcast_in_dim3A_1406 : vector<16xf32> to vector<1x16xf32>
    tpu.vector_store %arg8[%swap3A_1408, %swap3A_1409], %swap3A_1412 {strides = array<i32>} : memref<25x128xf32, #tpu.memory_space<vmem>>, vector<1x16xf32>,
    %broadcast_in_dim3A_1413 = arith.constant 1.000000e+00 : f32
    %broadcast_in_dim3A_1414 = vector.broadcast %broadcast_in_dim3A_1413 : f32 to vector<16xf32>
    %swap3A_1415 = arith.constant 21 : i32
    %swap3A_1416 = arith.index_cast %swap3A_1415 : i32 to index
    %swap3A_1417 = arith.constant 112 : index
    %swap3A_1418 = tpu.vector_load %arg8[%swap3A_1416, %swap3A_1417] {strides = array<i32>} : memref<25x128xf32, #tpu.memory_space<vmem>>, vector<1x16xf32>,
    %swap3A_1419 = vector.shape_cast %swap3A_1418 : vector<1x16xf32> to vector<16xf32>
    %swap3A_1420 = vector.shape_cast %broadcast_in_dim3A_1414 : vector<16xf32> to vector<1x16xf32>
    tpu.vector_store %arg8[%swap3A_1416, %swap3A_1417], %swap3A_1420 {strides = array<i32>} : memref<25x128xf32, #tpu.memory_space<vmem>>, vector<1x16xf32>,
    %broadcast_in_dim3A_1421 = arith.constant 1.000000e+00 : f32
    %broadcast_in_dim3A_1422 = vector.broadcast %broadcast_in_dim3A_1421 : f32 to vector<16xf32>
    %swap3A_1423 = arith.constant 22 : i32
    %swap3A_1424 = arith.index_cast %swap3A_1423 : i32 to index
    %swap3A_1425 = arith.constant 0 : index
    %swap3A_1426 = tpu.vector_load %arg8[%swap3A_1424, %swap3A_1425] {strides = array<i32>} : memref<25x128xf32, #tpu.memory_space<vmem>>, vector<1x16xf32>,
    %swap3A_1427 = vector.shape_cast %swap3A_1426 : vector<1x16xf32> to vector<16xf32>
    %swap3A_1428 = vector.shape_cast %broadcast_in_dim3A_1422 : vector<16xf32> to vector<1x16xf32>
    tpu.vector_store %arg8[%swap3A_1424, %swap3A_1425], %swap3A_1428 {strides = array<i32>} : memref<25x128xf32, #tpu.memory_space<vmem>>, vector<1x16xf32>,
    %broadcast_in_dim3A_1429 = arith.constant 1.000000e+00 : f32
    %broadcast_in_dim3A_1430 = vector.broadcast %broadcast_in_dim3A_1429 : f32 to vector<16xf32>
    %swap3A_1431 = arith.constant 22 : i32
    %swap3A_1432 = arith.index_cast %swap3A_1431 : i32 to index
    %swap3A_1433 = arith.constant 16 : index
    %swap3A_1434 = tpu.vector_load %arg8[%swap3A_1432, %swap3A_1433] {strides = array<i32>} : memref<25x128xf32, #tpu.memory_space<vmem>>, vector<1x16xf32>,
    %swap3A_1435 = vector.shape_cast %swap3A_1434 : vector<1x16xf32> to vector<16xf32>
    %swap3A_1436 = vector.shape_cast %broadcast_in_dim3A_1430 : vector<16xf32> to vector<1x16xf32>
    tpu.vector_store %arg8[%swap3A_1432, %swap3A_1433], %swap3A_1436 {strides = array<i32>} : memref<25x128xf32, #tpu.memory_space<vmem>>, vector<1x16xf32>,
    %broadcast_in_dim3A_1437 = arith.constant 1.000000e+00 : f32
    %broadcast_in_dim3A_1438 = vector.broadcast %broadcast_in_dim3A_1437 : f32 to vector<16xf32>
    %swap3A_1439 = arith.constant 22 : i32
    %swap3A_1440 = arith.index_cast %swap3A_1439 : i32 to index
    %swap3A_1441 = arith.constant 32 : index
    %swap3A_1442 = tpu.vector_load %arg8[%swap3A_1440, %swap3A_1441] {strides = array<i32>} : memref<25x128xf32, #tpu.memory_space<vmem>>, vector<1x16xf32>,
    %swap3A_1443 = vector.shape_cast %swap3A_1442 : vector<1x16xf32> to vector<16xf32>
    %swap3A_1444 = vector.shape_cast %broadcast_in_dim3A_1438 : vector<16xf32> to vector<1x16xf32>
    tpu.vector_store %arg8[%swap3A_1440, %swap3A_1441], %swap3A_1444 {strides = array<i32>} : memref<25x128xf32, #tpu.memory_space<vmem>>, vector<1x16xf32>,
    %broadcast_in_dim3A_1445 = arith.constant 1.000000e+00 : f32
    %broadcast_in_dim3A_1446 = vector.broadcast %broadcast_in_dim3A_1445 : f32 to vector<16xf32>
    %swap3A_1447 = arith.constant 22 : i32
    %swap3A_1448 = arith.index_cast %swap3A_1447 : i32 to index
    %swap3A_1449 = arith.constant 48 : index
    %swap3A_1450 = tpu.vector_load %arg8[%swap3A_1448, %swap3A_1449] {strides = array<i32>} : memref<25x128xf32, #tpu.memory_space<vmem>>, vector<1x16xf32>,
    %swap3A_1451 = vector.shape_cast %swap3A_1450 : vector<1x16xf32> to vector<16xf32>
    %swap3A_1452 = vector.shape_cast %broadcast_in_dim3A_1446 : vector<16xf32> to vector<1x16xf32>
    tpu.vector_store %arg8[%swap3A_1448, %swap3A_1449], %swap3A_1452 {strides = array<i32>} : memref<25x128xf32, #tpu.memory_space<vmem>>, vector<1x16xf32>,
    %broadcast_in_dim3A_1453 = arith.constant 1.000000e+00 : f32
    %broadcast_in_dim3A_1454 = vector.broadcast %broadcast_in_dim3A_1453 : f32 to vector<16xf32>
    %swap3A_1455 = arith.constant 22 : i32
    %swap3A_1456 = arith.index_cast %swap3A_1455 : i32 to index
    %swap3A_1457 = arith.constant 64 : index
    %swap3A_1458 = tpu.vector_load %arg8[%swap3A_1456, %swap3A_1457] {strides = array<i32>} : memref<25x128xf32, #tpu.memory_space<vmem>>, vector<1x16xf32>,
    %swap3A_1459 = vector.shape_cast %swap3A_1458 : vector<1x16xf32> to vector<16xf32>
    %swap3A_1460 = vector.shape_cast %broadcast_in_dim3A_1454 : vector<16xf32> to vector<1x16xf32>
    tpu.vector_store %arg8[%swap3A_1456, %swap3A_1457], %swap3A_1460 {strides = array<i32>} : memref<25x128xf32, #tpu.memory_space<vmem>>, vector<1x16xf32>,
    %broadcast_in_dim3A_1461 = arith.constant 1.000000e+00 : f32
    %broadcast_in_dim3A_1462 = vector.broadcast %broadcast_in_dim3A_1461 : f32 to vector<16xf32>
    %swap3A_1463 = arith.constant 22 : i32
    %swap3A_1464 = arith.index_cast %swap3A_1463 : i32 to index
    %swap3A_1465 = arith.constant 80 : index
    %swap3A_1466 = tpu.vector_load %arg8[%swap3A_1464, %swap3A_1465] {strides = array<i32>} : memref<25x128xf32, #tpu.memory_space<vmem>>, vector<1x16xf32>,
    %swap3A_1467 = vector.shape_cast %swap3A_1466 : vector<1x16xf32> to vector<16xf32>
    %swap3A_1468 = vector.shape_cast %broadcast_in_dim3A_1462 : vector<16xf32> to vector<1x16xf32>
    tpu.vector_store %arg8[%swap3A_1464, %swap3A_1465], %swap3A_1468 {strides = array<i32>} : memref<25x128xf32, #tpu.memory_space<vmem>>, vector<1x16xf32>,
    %broadcast_in_dim3A_1469 = arith.constant 1.000000e+00 : f32
    %broadcast_in_dim3A_1470 = vector.broadcast %broadcast_in_dim3A_1469 : f32 to vector<16xf32>
    %swap3A_1471 = arith.constant 22 : i32
    %swap3A_1472 = arith.index_cast %swap3A_1471 : i32 to index
    %swap3A_1473 = arith.constant 96 : index
    %swap3A_1474 = tpu.vector_load %arg8[%swap3A_1472, %swap3A_1473] {strides = array<i32>} : memref<25x128xf32, #tpu.memory_space<vmem>>, vector<1x16xf32>,
    %swap3A_1475 = vector.shape_cast %swap3A_1474 : vector<1x16xf32> to vector<16xf32>
    %swap3A_1476 = vector.shape_cast %broadcast_in_dim3A_1470 : vector<16xf32> to vector<1x16xf32>
    tpu.vector_store %arg8[%swap3A_1472, %swap3A_1473], %swap3A_1476 {strides = array<i32>} : memref<25x128xf32, #tpu.memory_space<vmem>>, vector<1x16xf32>,
    %broadcast_in_dim3A_1477 = arith.constant 1.000000e+00 : f32
    %broadcast_in_dim3A_1478 = vector.broadcast %broadcast_in_dim3A_1477 : f32 to vector<16xf32>
    %swap3A_1479 = arith.constant 22 : i32
    %swap3A_1480 = arith.index_cast %swap3A_1479 : i32 to index
    %swap3A_1481 = arith.constant 112 : index
    %swap3A_1482 = tpu.vector_load %arg8[%swap3A_1480, %swap3A_1481] {strides = array<i32>} : memref<25x128xf32, #tpu.memory_space<vmem>>, vector<1x16xf32>,
    %swap3A_1483 = vector.shape_cast %swap3A_1482 : vector<1x16xf32> to vector<16xf32>
    %swap3A_1484 = vector.shape_cast %broadcast_in_dim3A_1478 : vector<16xf32> to vector<1x16xf32>
    tpu.vector_store %arg8[%swap3A_1480, %swap3A_1481], %swap3A_1484 {strides = array<i32>} : memref<25x128xf32, #tpu.memory_space<vmem>>, vector<1x16xf32>,
    %broadcast_in_dim3A_1485 = arith.constant 1.000000e+00 : f32
    %broadcast_in_dim3A_1486 = vector.broadcast %broadcast_in_dim3A_1485 : f32 to vector<16xf32>
    %swap3A_1487 = arith.constant 23 : i32
    %swap3A_1488 = arith.index_cast %swap3A_1487 : i32 to index
    %swap3A_1489 = arith.constant 0 : index
    %swap3A_1490 = tpu.vector_load %arg8[%swap3A_1488, %swap3A_1489] {strides = array<i32>} : memref<25x128xf32, #tpu.memory_space<vmem>>, vector<1x16xf32>,
    %swap3A_1491 = vector.shape_cast %swap3A_1490 : vector<1x16xf32> to vector<16xf32>
    %swap3A_1492 = vector.shape_cast %broadcast_in_dim3A_1486 : vector<16xf32> to vector<1x16xf32>
    tpu.vector_store %arg8[%swap3A_1488, %swap3A_1489], %swap3A_1492 {strides = array<i32>} : memref<25x128xf32, #tpu.memory_space<vmem>>, vector<1x16xf32>,
    %broadcast_in_dim3A_1493 = arith.constant 1.000000e+00 : f32
    %broadcast_in_dim3A_1494 = vector.broadcast %broadcast_in_dim3A_1493 : f32 to vector<16xf32>
    %swap3A_1495 = arith.constant 23 : i32
    %swap3A_1496 = arith.index_cast %swap3A_1495 : i32 to index
    %swap3A_1497 = arith.constant 16 : index
    %swap3A_1498 = tpu.vector_load %arg8[%swap3A_1496, %swap3A_1497] {strides = array<i32>} : memref<25x128xf32, #tpu.memory_space<vmem>>, vector<1x16xf32>,
    %swap3A_1499 = vector.shape_cast %swap3A_1498 : vector<1x16xf32> to vector<16xf32>
    %swap3A_1500 = vector.shape_cast %broadcast_in_dim3A_1494 : vector<16xf32> to vector<1x16xf32>
    tpu.vector_store %arg8[%swap3A_1496, %swap3A_1497], %swap3A_1500 {strides = array<i32>} : memref<25x128xf32, #tpu.memory_space<vmem>>, vector<1x16xf32>,
    %broadcast_in_dim3A_1501 = arith.constant 1.000000e+00 : f32
    %broadcast_in_dim3A_1502 = vector.broadcast %broadcast_in_dim3A_1501 : f32 to vector<16xf32>
    %swap3A_1503 = arith.constant 23 : i32
    %swap3A_1504 = arith.index_cast %swap3A_1503 : i32 to index
    %swap3A_1505 = arith.constant 32 : index
    %swap3A_1506 = tpu.vector_load %arg8[%swap3A_1504, %swap3A_1505] {strides = array<i32>} : memref<25x128xf32, #tpu.memory_space<vmem>>, vector<1x16xf32>,
    %swap3A_1507 = vector.shape_cast %swap3A_1506 : vector<1x16xf32> to vector<16xf32>
    %swap3A_1508 = vector.shape_cast %broadcast_in_dim3A_1502 : vector<16xf32> to vector<1x16xf32>
    tpu.vector_store %arg8[%swap3A_1504, %swap3A_1505], %swap3A_1508 {strides = array<i32>} : memref<25x128xf32, #tpu.memory_space<vmem>>, vector<1x16xf32>,
    %broadcast_in_dim3A_1509 = arith.constant 1.000000e+00 : f32
    %broadcast_in_dim3A_1510 = vector.broadcast %broadcast_in_dim3A_1509 : f32 to vector<16xf32>
    %swap3A_1511 = arith.constant 23 : i32
    %swap3A_1512 = arith.index_cast %swap3A_1511 : i32 to index
    %swap3A_1513 = arith.constant 48 : index
    %swap3A_1514 = tpu.vector_load %arg8[%swap3A_1512, %swap3A_1513] {strides = array<i32>} : memref<25x128xf32, #tpu.memory_space<vmem>>, vector<1x16xf32>,
    %swap3A_1515 = vector.shape_cast %swap3A_1514 : vector<1x16xf32> to vector<16xf32>
    %swap3A_1516 = vector.shape_cast %broadcast_in_dim3A_1510 : vector<16xf32> to vector<1x16xf32>
    tpu.vector_store %arg8[%swap3A_1512, %swap3A_1513], %swap3A_1516 {strides = array<i32>} : memref<25x128xf32, #tpu.memory_space<vmem>>, vector<1x16xf32>,
    %broadcast_in_dim3A_1517 = arith.constant 1.000000e+00 : f32
    %broadcast_in_dim3A_1518 = vector.broadcast %broadcast_in_dim3A_1517 : f32 to vector<16xf32>
    %swap3A_1519 = arith.constant 23 : i32
    %swap3A_1520 = arith.index_cast %swap3A_1519 : i32 to index
    %swap3A_1521 = arith.constant 64 : index
    %swap3A_1522 = tpu.vector_load %arg8[%swap3A_1520, %swap3A_1521] {strides = array<i32>} : memref<25x128xf32, #tpu.memory_space<vmem>>, vector<1x16xf32>,
    %swap3A_1523 = vector.shape_cast %swap3A_1522 : vector<1x16xf32> to vector<16xf32>
    %swap3A_1524 = vector.shape_cast %broadcast_in_dim3A_1518 : vector<16xf32> to vector<1x16xf32>
    tpu.vector_store %arg8[%swap3A_1520, %swap3A_1521], %swap3A_1524 {strides = array<i32>} : memref<25x128xf32, #tpu.memory_space<vmem>>, vector<1x16xf32>,
    %broadcast_in_dim3A_1525 = arith.constant 1.000000e+00 : f32
    %broadcast_in_dim3A_1526 = vector.broadcast %broadcast_in_dim3A_1525 : f32 to vector<16xf32>
    %swap3A_1527 = arith.constant 23 : i32
    %swap3A_1528 = arith.index_cast %swap3A_1527 : i32 to index
    %swap3A_1529 = arith.constant 80 : index
    %swap3A_1530 = tpu.vector_load %arg8[%swap3A_1528, %swap3A_1529] {strides = array<i32>} : memref<25x128xf32, #tpu.memory_space<vmem>>, vector<1x16xf32>,
    %swap3A_1531 = vector.shape_cast %swap3A_1530 : vector<1x16xf32> to vector<16xf32>
    %swap3A_1532 = vector.shape_cast %broadcast_in_dim3A_1526 : vector<16xf32> to vector<1x16xf32>
    tpu.vector_store %arg8[%swap3A_1528, %swap3A_1529], %swap3A_1532 {strides = array<i32>} : memref<25x128xf32, #tpu.memory_space<vmem>>, vector<1x16xf32>,
    %broadcast_in_dim3A_1533 = arith.constant 1.000000e+00 : f32
    %broadcast_in_dim3A_1534 = vector.broadcast %broadcast_in_dim3A_1533 : f32 to vector<16xf32>
    %swap3A_1535 = arith.constant 23 : i32
    %swap3A_1536 = arith.index_cast %swap3A_1535 : i32 to index
    %swap3A_1537 = arith.constant 96 : index
    %swap3A_1538 = tpu.vector_load %arg8[%swap3A_1536, %swap3A_1537] {strides = array<i32>} : memref<25x128xf32, #tpu.memory_space<vmem>>, vector<1x16xf32>,
    %swap3A_1539 = vector.shape_cast %swap3A_1538 : vector<1x16xf32> to vector<16xf32>
    %swap3A_1540 = vector.shape_cast %broadcast_in_dim3A_1534 : vector<16xf32> to vector<1x16xf32>
    tpu.vector_store %arg8[%swap3A_1536, %swap3A_1537], %swap3A_1540 {strides = array<i32>} : memref<25x128xf32, #tpu.memory_space<vmem>>, vector<1x16xf32>,
    %broadcast_in_dim3A_1541 = arith.constant 1.000000e+00 : f32
    %broadcast_in_dim3A_1542 = vector.broadcast %broadcast_in_dim3A_1541 : f32 to vector<16xf32>
    %swap3A_1543 = arith.constant 23 : i32
    %swap3A_1544 = arith.index_cast %swap3A_1543 : i32 to index
    %swap3A_1545 = arith.constant 112 : index
    %swap3A_1546 = tpu.vector_load %arg8[%swap3A_1544, %swap3A_1545] {strides = array<i32>} : memref<25x128xf32, #tpu.memory_space<vmem>>, vector<1x16xf32>,
    %swap3A_1547 = vector.shape_cast %swap3A_1546 : vector<1x16xf32> to vector<16xf32>
    %swap3A_1548 = vector.shape_cast %broadcast_in_dim3A_1542 : vector<16xf32> to vector<1x16xf32>
    tpu.vector_store %arg8[%swap3A_1544, %swap3A_1545], %swap3A_1548 {strides = array<i32>} : memref<25x128xf32, #tpu.memory_space<vmem>>, vector<1x16xf32>,
    %broadcast_in_dim3A_1549 = arith.constant 1.000000e+00 : f32
    %broadcast_in_dim3A_1550 = vector.broadcast %broadcast_in_dim3A_1549 : f32 to vector<16xf32>
    %swap3A_1551 = arith.constant 24 : i32
    %swap3A_1552 = arith.index_cast %swap3A_1551 : i32 to index
    %swap3A_1553 = arith.constant 0 : index
    %swap3A_1554 = tpu.vector_load %arg8[%swap3A_1552, %swap3A_1553] {strides = array<i32>} : memref<25x128xf32, #tpu.memory_space<vmem>>, vector<1x16xf32>,
    %swap3A_1555 = vector.shape_cast %swap3A_1554 : vector<1x16xf32> to vector<16xf32>
    %swap3A_1556 = vector.shape_cast %broadcast_in_dim3A_1550 : vector<16xf32> to vector<1x16xf32>
    tpu.vector_store %arg8[%swap3A_1552, %swap3A_1553], %swap3A_1556 {strides = array<i32>} : memref<25x128xf32, #tpu.memory_space<vmem>>, vector<1x16xf32>,
    %broadcast_in_dim3A_1557 = arith.constant 1.000000e+00 : f32
    %broadcast_in_dim3A_1558 = vector.broadcast %broadcast_in_dim3A_1557 : f32 to vector<16xf32>
    %swap3A_1559 = arith.constant 24 : i32
    %swap3A_1560 = arith.index_cast %swap3A_1559 : i32 to index
    %swap3A_1561 = arith.constant 16 : index
    %swap3A_1562 = tpu.vector_load %arg8[%swap3A_1560, %swap3A_1561] {strides = array<i32>} : memref<25x128xf32, #tpu.memory_space<vmem>>, vector<1x16xf32>,
    %swap3A_1563 = vector.shape_cast %swap3A_1562 : vector<1x16xf32> to vector<16xf32>
    %swap3A_1564 = vector.shape_cast %broadcast_in_dim3A_1558 : vector<16xf32> to vector<1x16xf32>
    tpu.vector_store %arg8[%swap3A_1560, %swap3A_1561], %swap3A_1564 {strides = array<i32>} : memref<25x128xf32, #tpu.memory_space<vmem>>, vector<1x16xf32>,
    %broadcast_in_dim3A_1565 = arith.constant 1.000000e+00 : f32
    %broadcast_in_dim3A_1566 = vector.broadcast %broadcast_in_dim3A_1565 : f32 to vector<16xf32>
    %swap3A_1567 = arith.constant 24 : i32
    %swap3A_1568 = arith.index_cast %swap3A_1567 : i32 to index
    %swap3A_1569 = arith.constant 32 : index
    %swap3A_1570 = tpu.vector_load %arg8[%swap3A_1568, %swap3A_1569] {strides = array<i32>} : memref<25x128xf32, #tpu.memory_space<vmem>>, vector<1x16xf32>,
    %swap3A_1571 = vector.shape_cast %swap3A_1570 : vector<1x16xf32> to vector<16xf32>
    %swap3A_1572 = vector.shape_cast %broadcast_in_dim3A_1566 : vector<16xf32> to vector<1x16xf32>
    tpu.vector_store %arg8[%swap3A_1568, %swap3A_1569], %swap3A_1572 {strides = array<i32>} : memref<25x128xf32, #tpu.memory_space<vmem>>, vector<1x16xf32>,
    %broadcast_in_dim3A_1573 = arith.constant 1.000000e+00 : f32
    %broadcast_in_dim3A_1574 = vector.broadcast %broadcast_in_dim3A_1573 : f32 to vector<16xf32>
    %swap3A_1575 = arith.constant 24 : i32
    %swap3A_1576 = arith.index_cast %swap3A_1575 : i32 to index
    %swap3A_1577 = arith.constant 48 : index
    %swap3A_1578 = tpu.vector_load %arg8[%swap3A_1576, %swap3A_1577] {strides = array<i32>} : memref<25x128xf32, #tpu.memory_space<vmem>>, vector<1x16xf32>,
    %swap3A_1579 = vector.shape_cast %swap3A_1578 : vector<1x16xf32> to vector<16xf32>
    %swap3A_1580 = vector.shape_cast %broadcast_in_dim3A_1574 : vector<16xf32> to vector<1x16xf32>
    tpu.vector_store %arg8[%swap3A_1576, %swap3A_1577], %swap3A_1580 {strides = array<i32>} : memref<25x128xf32, #tpu.memory_space<vmem>>, vector<1x16xf32>,
    %broadcast_in_dim3A_1581 = arith.constant 1.000000e+00 : f32
    %broadcast_in_dim3A_1582 = vector.broadcast %broadcast_in_dim3A_1581 : f32 to vector<16xf32>
    %swap3A_1583 = arith.constant 24 : i32
    %swap3A_1584 = arith.index_cast %swap3A_1583 : i32 to index
    %swap3A_1585 = arith.constant 64 : index
    %swap3A_1586 = tpu.vector_load %arg8[%swap3A_1584, %swap3A_1585] {strides = array<i32>} : memref<25x128xf32, #tpu.memory_space<vmem>>, vector<1x16xf32>,
    %swap3A_1587 = vector.shape_cast %swap3A_1586 : vector<1x16xf32> to vector<16xf32>
    %swap3A_1588 = vector.shape_cast %broadcast_in_dim3A_1582 : vector<16xf32> to vector<1x16xf32>
    tpu.vector_store %arg8[%swap3A_1584, %swap3A_1585], %swap3A_1588 {strides = array<i32>} : memref<25x128xf32, #tpu.memory_space<vmem>>, vector<1x16xf32>,
    %broadcast_in_dim3A_1589 = arith.constant 1.000000e+00 : f32
    %broadcast_in_dim3A_1590 = vector.broadcast %broadcast_in_dim3A_1589 : f32 to vector<16xf32>
    %swap3A_1591 = arith.constant 24 : i32
    %swap3A_1592 = arith.index_cast %swap3A_1591 : i32 to index
    %swap3A_1593 = arith.constant 80 : index
    %swap3A_1594 = tpu.vector_load %arg8[%swap3A_1592, %swap3A_1593] {strides = array<i32>} : memref<25x128xf32, #tpu.memory_space<vmem>>, vector<1x16xf32>,
    %swap3A_1595 = vector.shape_cast %swap3A_1594 : vector<1x16xf32> to vector<16xf32>
    %swap3A_1596 = vector.shape_cast %broadcast_in_dim3A_1590 : vector<16xf32> to vector<1x16xf32>
    tpu.vector_store %arg8[%swap3A_1592, %swap3A_1593], %swap3A_1596 {strides = array<i32>} : memref<25x128xf32, #tpu.memory_space<vmem>>, vector<1x16xf32>,
    %broadcast_in_dim3A_1597 = arith.constant 1.000000e+00 : f32
    %broadcast_in_dim3A_1598 = vector.broadcast %broadcast_in_dim3A_1597 : f32 to vector<16xf32>
    %swap3A_1599 = arith.constant 24 : i32
    %swap3A_1600 = arith.index_cast %swap3A_1599 : i32 to index
    %swap3A_1601 = arith.constant 96 : index
    %swap3A_1602 = tpu.vector_load %arg8[%swap3A_1600, %swap3A_1601] {strides = array<i32>} : memref<25x128xf32, #tpu.memory_space<vmem>>, vector<1x16xf32>,
    %swap3A_1603 = vector.shape_cast %swap3A_1602 : vector<1x16xf32> to vector<16xf32>
    %swap3A_1604 = vector.shape_cast %broadcast_in_dim3A_1598 : vector<16xf32> to vector<1x16xf32>
    tpu.vector_store %arg8[%swap3A_1600, %swap3A_1601], %swap3A_1604 {strides = array<i32>} : memref<25x128xf32, #tpu.memory_space<vmem>>, vector<1x16xf32>,
    %broadcast_in_dim3A_1605 = arith.constant 1.000000e+00 : f32
    %broadcast_in_dim3A_1606 = vector.broadcast %broadcast_in_dim3A_1605 : f32 to vector<16xf32>
    %swap3A_1607 = arith.constant 24 : i32
    %swap3A_1608 = arith.index_cast %swap3A_1607 : i32 to index
    %swap3A_1609 = arith.constant 112 : index
    %swap3A_1610 = tpu.vector_load %arg8[%swap3A_1608, %swap3A_1609] {strides = array<i32>} : memref<25x128xf32, #tpu.memory_space<vmem>>, vector<1x16xf32>,
    %swap3A_1611 = vector.shape_cast %swap3A_1610 : vector<1x16xf32> to vector<16xf32>
    %swap3A_1612 = vector.shape_cast %broadcast_in_dim3A_1606 : vector<16xf32> to vector<1x16xf32>
    tpu.vector_store %arg8[%swap3A_1608, %swap3A_1609], %swap3A_1612 {strides = array<i32>} : memref<25x128xf32, #tpu.memory_space<vmem>>, vector<1x16xf32>,
    %broadcast_in_dim3A_1613 = arith.constant 0.000000e+00 : f32
    %broadcast_in_dim3A_1614 = vector.broadcast %broadcast_in_dim3A_1613 : f32 to vector<16xf32>
    %swap3A_1615 = arith.constant 0 : index
    %swap3A_1616 = tpu.vector_load %arg9[%swap3A_1615] {strides = array<i32>} : memref<1056xf32, #tpu.memory_space<vmem>>, vector<16xf32>,
    %swap3A_1617 = vector.shape_cast %swap3A_1616 : vector<16xf32> to vector<16xf32>
    %swap3A_1618 = vector.shape_cast %broadcast_in_dim3A_1614 : vector<16xf32> to vector<16xf32>
    tpu.vector_store %arg9[%swap3A_1615], %swap3A_1618 {strides = array<i32>} : memref<1056xf32, #tpu.memory_space<vmem>>, vector<16xf32>,
    %broadcast_in_dim3A_1619 = arith.constant 0.000000e+00 : f32
    %broadcast_in_dim3A_1620 = vector.broadcast %broadcast_in_dim3A_1619 : f32 to vector<16xf32>
    %swap3A_1621 = arith.constant 16 : index
    %swap3A_1622 = tpu.vector_load %arg9[%swap3A_1621] {strides = array<i32>} : memref<1056xf32, #tpu.memory_space<vmem>>, vector<16xf32>,
    %swap3A_1623 = vector.shape_cast %swap3A_1622 : vector<16xf32> to vector<16xf32>
    %swap3A_1624 = vector.shape_cast %broadcast_in_dim3A_1620 : vector<16xf32> to vector<16xf32>
    tpu.vector_store %arg9[%swap3A_1621], %swap3A_1624 {strides = array<i32>} : memref<1056xf32, #tpu.memory_space<vmem>>, vector<16xf32>,
    %broadcast_in_dim3A_1625 = arith.constant 0.000000e+00 : f32
    %broadcast_in_dim3A_1626 = vector.broadcast %broadcast_in_dim3A_1625 : f32 to vector<16xf32>
    %swap3A_1627 = arith.constant 32 : index
    %swap3A_1628 = tpu.vector_load %arg9[%swap3A_1627] {strides = array<i32>} : memref<1056xf32, #tpu.memory_space<vmem>>, vector<16xf32>,
    %swap3A_1629 = vector.shape_cast %swap3A_1628 : vector<16xf32> to vector<16xf32>
    %swap3A_1630 = vector.shape_cast %broadcast_in_dim3A_1626 : vector<16xf32> to vector<16xf32>
    tpu.vector_store %arg9[%swap3A_1627], %swap3A_1630 {strides = array<i32>} : memref<1056xf32, #tpu.memory_space<vmem>>, vector<16xf32>,
    %broadcast_in_dim3A_1631 = arith.constant 0.000000e+00 : f32
    %broadcast_in_dim3A_1632 = vector.broadcast %broadcast_in_dim3A_1631 : f32 to vector<16xf32>
    %swap3A_1633 = arith.constant 48 : index
    %swap3A_1634 = tpu.vector_load %arg9[%swap3A_1633] {strides = array<i32>} : memref<1056xf32, #tpu.memory_space<vmem>>, vector<16xf32>,
    %swap3A_1635 = vector.shape_cast %swap3A_1634 : vector<16xf32> to vector<16xf32>
    %swap3A_1636 = vector.shape_cast %broadcast_in_dim3A_1632 : vector<16xf32> to vector<16xf32>
    tpu.vector_store %arg9[%swap3A_1633], %swap3A_1636 {strides = array<i32>} : memref<1056xf32, #tpu.memory_space<vmem>>, vector<16xf32>,
    %broadcast_in_dim3A_1637 = arith.constant 0.000000e+00 : f32
    %broadcast_in_dim3A_1638 = vector.broadcast %broadcast_in_dim3A_1637 : f32 to vector<16xf32>
    %swap3A_1639 = arith.constant 64 : index
    %swap3A_1640 = tpu.vector_load %arg9[%swap3A_1639] {strides = array<i32>} : memref<1056xf32, #tpu.memory_space<vmem>>, vector<16xf32>,
    %swap3A_1641 = vector.shape_cast %swap3A_1640 : vector<16xf32> to vector<16xf32>
    %swap3A_1642 = vector.shape_cast %broadcast_in_dim3A_1638 : vector<16xf32> to vector<16xf32>
    tpu.vector_store %arg9[%swap3A_1639], %swap3A_1642 {strides = array<i32>} : memref<1056xf32, #tpu.memory_space<vmem>>, vector<16xf32>,
    %broadcast_in_dim3A_1643 = arith.constant 0.000000e+00 : f32
    %broadcast_in_dim3A_1644 = vector.broadcast %broadcast_in_dim3A_1643 : f32 to vector<16xf32>
    %swap3A_1645 = arith.constant 80 : index
    %swap3A_1646 = tpu.vector_load %arg9[%swap3A_1645] {strides = array<i32>} : memref<1056xf32, #tpu.memory_space<vmem>>, vector<16xf32>,
    %swap3A_1647 = vector.shape_cast %swap3A_1646 : vector<16xf32> to vector<16xf32>
    %swap3A_1648 = vector.shape_cast %broadcast_in_dim3A_1644 : vector<16xf32> to vector<16xf32>
    tpu.vector_store %arg9[%swap3A_1645], %swap3A_1648 {strides = array<i32>} : memref<1056xf32, #tpu.memory_space<vmem>>, vector<16xf32>,
    %broadcast_in_dim3A_1649 = arith.constant 0.000000e+00 : f32
    %broadcast_in_dim3A_1650 = vector.broadcast %broadcast_in_dim3A_1649 : f32 to vector<16xf32>
    %swap3A_1651 = arith.constant 96 : index
    %swap3A_1652 = tpu.vector_load %arg9[%swap3A_1651] {strides = array<i32>} : memref<1056xf32, #tpu.memory_space<vmem>>, vector<16xf32>,
    %swap3A_1653 = vector.shape_cast %swap3A_1652 : vector<16xf32> to vector<16xf32>
    %swap3A_1654 = vector.shape_cast %broadcast_in_dim3A_1650 : vector<16xf32> to vector<16xf32>
    tpu.vector_store %arg9[%swap3A_1651], %swap3A_1654 {strides = array<i32>} : memref<1056xf32, #tpu.memory_space<vmem>>, vector<16xf32>,
    %broadcast_in_dim3A_1655 = arith.constant 0.000000e+00 : f32
    %broadcast_in_dim3A_1656 = vector.broadcast %broadcast_in_dim3A_1655 : f32 to vector<16xf32>
    %swap3A_1657 = arith.constant 112 : index
    %swap3A_1658 = tpu.vector_load %arg9[%swap3A_1657] {strides = array<i32>} : memref<1056xf32, #tpu.memory_space<vmem>>, vector<16xf32>,
    %swap3A_1659 = vector.shape_cast %swap3A_1658 : vector<16xf32> to vector<16xf32>
    %swap3A_1660 = vector.shape_cast %broadcast_in_dim3A_1656 : vector<16xf32> to vector<16xf32>
    tpu.vector_store %arg9[%swap3A_1657], %swap3A_1660 {strides = array<i32>} : memref<1056xf32, #tpu.memory_space<vmem>>, vector<16xf32>,
    %broadcast_in_dim3A_1661 = arith.constant 0.000000e+00 : f32
    %broadcast_in_dim3A_1662 = vector.broadcast %broadcast_in_dim3A_1661 : f32 to vector<16xf32>
    %swap3A_1663 = arith.constant 128 : index
    %swap3A_1664 = tpu.vector_load %arg9[%swap3A_1663] {strides = array<i32>} : memref<1056xf32, #tpu.memory_space<vmem>>, vector<16xf32>,
    %swap3A_1665 = vector.shape_cast %swap3A_1664 : vector<16xf32> to vector<16xf32>
    %swap3A_1666 = vector.shape_cast %broadcast_in_dim3A_1662 : vector<16xf32> to vector<16xf32>
    tpu.vector_store %arg9[%swap3A_1663], %swap3A_1666 {strides = array<i32>} : memref<1056xf32, #tpu.memory_space<vmem>>, vector<16xf32>,
    %broadcast_in_dim3A_1667 = arith.constant 0.000000e+00 : f32
    %broadcast_in_dim3A_1668 = vector.broadcast %broadcast_in_dim3A_1667 : f32 to vector<16xf32>
    %swap3A_1669 = arith.constant 144 : index
    %swap3A_1670 = tpu.vector_load %arg9[%swap3A_1669] {strides = array<i32>} : memref<1056xf32, #tpu.memory_space<vmem>>, vector<16xf32>,
    %swap3A_1671 = vector.shape_cast %swap3A_1670 : vector<16xf32> to vector<16xf32>
    %swap3A_1672 = vector.shape_cast %broadcast_in_dim3A_1668 : vector<16xf32> to vector<16xf32>
    tpu.vector_store %arg9[%swap3A_1669], %swap3A_1672 {strides = array<i32>} : memref<1056xf32, #tpu.memory_space<vmem>>, vector<16xf32>,
    %broadcast_in_dim3A_1673 = arith.constant 0.000000e+00 : f32
    %broadcast_in_dim3A_1674 = vector.broadcast %broadcast_in_dim3A_1673 : f32 to vector<16xf32>
    %swap3A_1675 = arith.constant 160 : index
    %swap3A_1676 = tpu.vector_load %arg9[%swap3A_1675] {strides = array<i32>} : memref<1056xf32, #tpu.memory_space<vmem>>, vector<16xf32>,
    %swap3A_1677 = vector.shape_cast %swap3A_1676 : vector<16xf32> to vector<16xf32>
    %swap3A_1678 = vector.shape_cast %broadcast_in_dim3A_1674 : vector<16xf32> to vector<16xf32>
    tpu.vector_store %arg9[%swap3A_1675], %swap3A_1678 {strides = array<i32>} : memref<1056xf32, #tpu.memory_space<vmem>>, vector<16xf32>,
    %broadcast_in_dim3A_1679 = arith.constant 0.000000e+00 : f32
    %broadcast_in_dim3A_1680 = vector.broadcast %broadcast_in_dim3A_1679 : f32 to vector<16xf32>
    %swap3A_1681 = arith.constant 176 : index
    %swap3A_1682 = tpu.vector_load %arg9[%swap3A_1681] {strides = array<i32>} : memref<1056xf32, #tpu.memory_space<vmem>>, vector<16xf32>,
    %swap3A_1683 = vector.shape_cast %swap3A_1682 : vector<16xf32> to vector<16xf32>
    %swap3A_1684 = vector.shape_cast %broadcast_in_dim3A_1680 : vector<16xf32> to vector<16xf32>
    tpu.vector_store %arg9[%swap3A_1681], %swap3A_1684 {strides = array<i32>} : memref<1056xf32, #tpu.memory_space<vmem>>, vector<16xf32>,
    %broadcast_in_dim3A_1685 = arith.constant 0.000000e+00 : f32
    %broadcast_in_dim3A_1686 = vector.broadcast %broadcast_in_dim3A_1685 : f32 to vector<16xf32>
    %swap3A_1687 = arith.constant 192 : index
    %swap3A_1688 = tpu.vector_load %arg9[%swap3A_1687] {strides = array<i32>} : memref<1056xf32, #tpu.memory_space<vmem>>, vector<16xf32>,
    %swap3A_1689 = vector.shape_cast %swap3A_1688 : vector<16xf32> to vector<16xf32>
    %swap3A_1690 = vector.shape_cast %broadcast_in_dim3A_1686 : vector<16xf32> to vector<16xf32>
    tpu.vector_store %arg9[%swap3A_1687], %swap3A_1690 {strides = array<i32>} : memref<1056xf32, #tpu.memory_space<vmem>>, vector<16xf32>,
    %broadcast_in_dim3A_1691 = arith.constant 0.000000e+00 : f32
    %broadcast_in_dim3A_1692 = vector.broadcast %broadcast_in_dim3A_1691 : f32 to vector<16xf32>
    %swap3A_1693 = arith.constant 208 : index
    %swap3A_1694 = tpu.vector_load %arg9[%swap3A_1693] {strides = array<i32>} : memref<1056xf32, #tpu.memory_space<vmem>>, vector<16xf32>,
    %swap3A_1695 = vector.shape_cast %swap3A_1694 : vector<16xf32> to vector<16xf32>
    %swap3A_1696 = vector.shape_cast %broadcast_in_dim3A_1692 : vector<16xf32> to vector<16xf32>
    tpu.vector_store %arg9[%swap3A_1693], %swap3A_1696 {strides = array<i32>} : memref<1056xf32, #tpu.memory_space<vmem>>, vector<16xf32>,
    %broadcast_in_dim3A_1697 = arith.constant 0.000000e+00 : f32
    %broadcast_in_dim3A_1698 = vector.broadcast %broadcast_in_dim3A_1697 : f32 to vector<16xf32>
    %swap3A_1699 = arith.constant 224 : index
    %swap3A_1700 = tpu.vector_load %arg9[%swap3A_1699] {strides = array<i32>} : memref<1056xf32, #tpu.memory_space<vmem>>, vector<16xf32>,
    %swap3A_1701 = vector.shape_cast %swap3A_1700 : vector<16xf32> to vector<16xf32>
    %swap3A_1702 = vector.shape_cast %broadcast_in_dim3A_1698 : vector<16xf32> to vector<16xf32>
    tpu.vector_store %arg9[%swap3A_1699], %swap3A_1702 {strides = array<i32>} : memref<1056xf32, #tpu.memory_space<vmem>>, vector<16xf32>,
    %broadcast_in_dim3A_1703 = arith.constant 0.000000e+00 : f32
    %broadcast_in_dim3A_1704 = vector.broadcast %broadcast_in_dim3A_1703 : f32 to vector<16xf32>
    %swap3A_1705 = arith.constant 240 : index
    %swap3A_1706 = tpu.vector_load %arg9[%swap3A_1705] {strides = array<i32>} : memref<1056xf32, #tpu.memory_space<vmem>>, vector<16xf32>,
    %swap3A_1707 = vector.shape_cast %swap3A_1706 : vector<16xf32> to vector<16xf32>
    %swap3A_1708 = vector.shape_cast %broadcast_in_dim3A_1704 : vector<16xf32> to vector<16xf32>
    tpu.vector_store %arg9[%swap3A_1705], %swap3A_1708 {strides = array<i32>} : memref<1056xf32, #tpu.memory_space<vmem>>, vector<16xf32>,
    %broadcast_in_dim3A_1709 = arith.constant 0.000000e+00 : f32
    %broadcast_in_dim3A_1710 = vector.broadcast %broadcast_in_dim3A_1709 : f32 to vector<16xf32>
    %swap3A_1711 = arith.constant 256 : index
    %swap3A_1712 = tpu.vector_load %arg9[%swap3A_1711] {strides = array<i32>} : memref<1056xf32, #tpu.memory_space<vmem>>, vector<16xf32>,
    %swap3A_1713 = vector.shape_cast %swap3A_1712 : vector<16xf32> to vector<16xf32>
    %swap3A_1714 = vector.shape_cast %broadcast_in_dim3A_1710 : vector<16xf32> to vector<16xf32>
    tpu.vector_store %arg9[%swap3A_1711], %swap3A_1714 {strides = array<i32>} : memref<1056xf32, #tpu.memory_space<vmem>>, vector<16xf32>,
    %broadcast_in_dim3A_1715 = arith.constant 0.000000e+00 : f32
    %broadcast_in_dim3A_1716 = vector.broadcast %broadcast_in_dim3A_1715 : f32 to vector<16xf32>
    %swap3A_1717 = arith.constant 272 : index
    %swap3A_1718 = tpu.vector_load %arg9[%swap3A_1717] {strides = array<i32>} : memref<1056xf32, #tpu.memory_space<vmem>>, vector<16xf32>,
    %swap3A_1719 = vector.shape_cast %swap3A_1718 : vector<16xf32> to vector<16xf32>
    %swap3A_1720 = vector.shape_cast %broadcast_in_dim3A_1716 : vector<16xf32> to vector<16xf32>
    tpu.vector_store %arg9[%swap3A_1717], %swap3A_1720 {strides = array<i32>} : memref<1056xf32, #tpu.memory_space<vmem>>, vector<16xf32>,
    %broadcast_in_dim3A_1721 = arith.constant 0.000000e+00 : f32
    %broadcast_in_dim3A_1722 = vector.broadcast %broadcast_in_dim3A_1721 : f32 to vector<16xf32>
    %swap3A_1723 = arith.constant 288 : index
    %swap3A_1724 = tpu.vector_load %arg9[%swap3A_1723] {strides = array<i32>} : memref<1056xf32, #tpu.memory_space<vmem>>, vector<16xf32>,
    %swap3A_1725 = vector.shape_cast %swap3A_1724 : vector<16xf32> to vector<16xf32>
    %swap3A_1726 = vector.shape_cast %broadcast_in_dim3A_1722 : vector<16xf32> to vector<16xf32>
    tpu.vector_store %arg9[%swap3A_1723], %swap3A_1726 {strides = array<i32>} : memref<1056xf32, #tpu.memory_space<vmem>>, vector<16xf32>,
    %broadcast_in_dim3A_1727 = arith.constant 0.000000e+00 : f32
    %broadcast_in_dim3A_1728 = vector.broadcast %broadcast_in_dim3A_1727 : f32 to vector<16xf32>
    %swap3A_1729 = arith.constant 304 : index
    %swap3A_1730 = tpu.vector_load %arg9[%swap3A_1729] {strides = array<i32>} : memref<1056xf32, #tpu.memory_space<vmem>>, vector<16xf32>,
    %swap3A_1731 = vector.shape_cast %swap3A_1730 : vector<16xf32> to vector<16xf32>
    %swap3A_1732 = vector.shape_cast %broadcast_in_dim3A_1728 : vector<16xf32> to vector<16xf32>
    tpu.vector_store %arg9[%swap3A_1729], %swap3A_1732 {strides = array<i32>} : memref<1056xf32, #tpu.memory_space<vmem>>, vector<16xf32>,
    %broadcast_in_dim3A_1733 = arith.constant 0.000000e+00 : f32
    %broadcast_in_dim3A_1734 = vector.broadcast %broadcast_in_dim3A_1733 : f32 to vector<16xf32>
    %swap3A_1735 = arith.constant 320 : index
    %swap3A_1736 = tpu.vector_load %arg9[%swap3A_1735] {strides = array<i32>} : memref<1056xf32, #tpu.memory_space<vmem>>, vector<16xf32>,
    %swap3A_1737 = vector.shape_cast %swap3A_1736 : vector<16xf32> to vector<16xf32>
    %swap3A_1738 = vector.shape_cast %broadcast_in_dim3A_1734 : vector<16xf32> to vector<16xf32>
    tpu.vector_store %arg9[%swap3A_1735], %swap3A_1738 {strides = array<i32>} : memref<1056xf32, #tpu.memory_space<vmem>>, vector<16xf32>,
    %broadcast_in_dim3A_1739 = arith.constant 0.000000e+00 : f32
    %broadcast_in_dim3A_1740 = vector.broadcast %broadcast_in_dim3A_1739 : f32 to vector<16xf32>
    %swap3A_1741 = arith.constant 336 : index
    %swap3A_1742 = tpu.vector_load %arg9[%swap3A_1741] {strides = array<i32>} : memref<1056xf32, #tpu.memory_space<vmem>>, vector<16xf32>,
    %swap3A_1743 = vector.shape_cast %swap3A_1742 : vector<16xf32> to vector<16xf32>
    %swap3A_1744 = vector.shape_cast %broadcast_in_dim3A_1740 : vector<16xf32> to vector<16xf32>
    tpu.vector_store %arg9[%swap3A_1741], %swap3A_1744 {strides = array<i32>} : memref<1056xf32, #tpu.memory_space<vmem>>, vector<16xf32>,
    %broadcast_in_dim3A_1745 = arith.constant 0.000000e+00 : f32
    %broadcast_in_dim3A_1746 = vector.broadcast %broadcast_in_dim3A_1745 : f32 to vector<16xf32>
    %swap3A_1747 = arith.constant 352 : index
    %swap3A_1748 = tpu.vector_load %arg9[%swap3A_1747] {strides = array<i32>} : memref<1056xf32, #tpu.memory_space<vmem>>, vector<16xf32>,
    %swap3A_1749 = vector.shape_cast %swap3A_1748 : vector<16xf32> to vector<16xf32>
    %swap3A_1750 = vector.shape_cast %broadcast_in_dim3A_1746 : vector<16xf32> to vector<16xf32>
    tpu.vector_store %arg9[%swap3A_1747], %swap3A_1750 {strides = array<i32>} : memref<1056xf32, #tpu.memory_space<vmem>>, vector<16xf32>,
    %broadcast_in_dim3A_1751 = arith.constant 0.000000e+00 : f32
    %broadcast_in_dim3A_1752 = vector.broadcast %broadcast_in_dim3A_1751 : f32 to vector<16xf32>
    %swap3A_1753 = arith.constant 368 : index
    %swap3A_1754 = tpu.vector_load %arg9[%swap3A_1753] {strides = array<i32>} : memref<1056xf32, #tpu.memory_space<vmem>>, vector<16xf32>,
    %swap3A_1755 = vector.shape_cast %swap3A_1754 : vector<16xf32> to vector<16xf32>
    %swap3A_1756 = vector.shape_cast %broadcast_in_dim3A_1752 : vector<16xf32> to vector<16xf32>
    tpu.vector_store %arg9[%swap3A_1753], %swap3A_1756 {strides = array<i32>} : memref<1056xf32, #tpu.memory_space<vmem>>, vector<16xf32>,
    %broadcast_in_dim3A_1757 = arith.constant 0.000000e+00 : f32
    %broadcast_in_dim3A_1758 = vector.broadcast %broadcast_in_dim3A_1757 : f32 to vector<16xf32>
    %swap3A_1759 = arith.constant 384 : index
    %swap3A_1760 = tpu.vector_load %arg9[%swap3A_1759] {strides = array<i32>} : memref<1056xf32, #tpu.memory_space<vmem>>, vector<16xf32>,
    %swap3A_1761 = vector.shape_cast %swap3A_1760 : vector<16xf32> to vector<16xf32>
    %swap3A_1762 = vector.shape_cast %broadcast_in_dim3A_1758 : vector<16xf32> to vector<16xf32>
    tpu.vector_store %arg9[%swap3A_1759], %swap3A_1762 {strides = array<i32>} : memref<1056xf32, #tpu.memory_space<vmem>>, vector<16xf32>,
    %broadcast_in_dim3A_1763 = arith.constant 0.000000e+00 : f32
    %broadcast_in_dim3A_1764 = vector.broadcast %broadcast_in_dim3A_1763 : f32 to vector<16xf32>
    %swap3A_1765 = arith.constant 400 : index
    %swap3A_1766 = tpu.vector_load %arg9[%swap3A_1765] {strides = array<i32>} : memref<1056xf32, #tpu.memory_space<vmem>>, vector<16xf32>,
    %swap3A_1767 = vector.shape_cast %swap3A_1766 : vector<16xf32> to vector<16xf32>
    %swap3A_1768 = vector.shape_cast %broadcast_in_dim3A_1764 : vector<16xf32> to vector<16xf32>
    tpu.vector_store %arg9[%swap3A_1765], %swap3A_1768 {strides = array<i32>} : memref<1056xf32, #tpu.memory_space<vmem>>, vector<16xf32>,
    %broadcast_in_dim3A_1769 = arith.constant 0.000000e+00 : f32
    %broadcast_in_dim3A_1770 = vector.broadcast %broadcast_in_dim3A_1769 : f32 to vector<16xf32>
    %swap3A_1771 = arith.constant 416 : index
    %swap3A_1772 = tpu.vector_load %arg9[%swap3A_1771] {strides = array<i32>} : memref<1056xf32, #tpu.memory_space<vmem>>, vector<16xf32>,
    %swap3A_1773 = vector.shape_cast %swap3A_1772 : vector<16xf32> to vector<16xf32>
    %swap3A_1774 = vector.shape_cast %broadcast_in_dim3A_1770 : vector<16xf32> to vector<16xf32>
    tpu.vector_store %arg9[%swap3A_1771], %swap3A_1774 {strides = array<i32>} : memref<1056xf32, #tpu.memory_space<vmem>>, vector<16xf32>,
    %broadcast_in_dim3A_1775 = arith.constant 0.000000e+00 : f32
    %broadcast_in_dim3A_1776 = vector.broadcast %broadcast_in_dim3A_1775 : f32 to vector<16xf32>
    %swap3A_1777 = arith.constant 432 : index
    %swap3A_1778 = tpu.vector_load %arg9[%swap3A_1777] {strides = array<i32>} : memref<1056xf32, #tpu.memory_space<vmem>>, vector<16xf32>,
    %swap3A_1779 = vector.shape_cast %swap3A_1778 : vector<16xf32> to vector<16xf32>
    %swap3A_1780 = vector.shape_cast %broadcast_in_dim3A_1776 : vector<16xf32> to vector<16xf32>
    tpu.vector_store %arg9[%swap3A_1777], %swap3A_1780 {strides = array<i32>} : memref<1056xf32, #tpu.memory_space<vmem>>, vector<16xf32>,
    %broadcast_in_dim3A_1781 = arith.constant 0.000000e+00 : f32
    %broadcast_in_dim3A_1782 = vector.broadcast %broadcast_in_dim3A_1781 : f32 to vector<16xf32>
    %swap3A_1783 = arith.constant 448 : index
    %swap3A_1784 = tpu.vector_load %arg9[%swap3A_1783] {strides = array<i32>} : memref<1056xf32, #tpu.memory_space<vmem>>, vector<16xf32>,
    %swap3A_1785 = vector.shape_cast %swap3A_1784 : vector<16xf32> to vector<16xf32>
    %swap3A_1786 = vector.shape_cast %broadcast_in_dim3A_1782 : vector<16xf32> to vector<16xf32>
    tpu.vector_store %arg9[%swap3A_1783], %swap3A_1786 {strides = array<i32>} : memref<1056xf32, #tpu.memory_space<vmem>>, vector<16xf32>,
    %broadcast_in_dim3A_1787 = arith.constant 0.000000e+00 : f32
    %broadcast_in_dim3A_1788 = vector.broadcast %broadcast_in_dim3A_1787 : f32 to vector<16xf32>
    %swap3A_1789 = arith.constant 464 : index
    %swap3A_1790 = tpu.vector_load %arg9[%swap3A_1789] {strides = array<i32>} : memref<1056xf32, #tpu.memory_space<vmem>>, vector<16xf32>,
    %swap3A_1791 = vector.shape_cast %swap3A_1790 : vector<16xf32> to vector<16xf32>
    %swap3A_1792 = vector.shape_cast %broadcast_in_dim3A_1788 : vector<16xf32> to vector<16xf32>
    tpu.vector_store %arg9[%swap3A_1789], %swap3A_1792 {strides = array<i32>} : memref<1056xf32, #tpu.memory_space<vmem>>, vector<16xf32>,
    %broadcast_in_dim3A_1793 = arith.constant 0.000000e+00 : f32
    %broadcast_in_dim3A_1794 = vector.broadcast %broadcast_in_dim3A_1793 : f32 to vector<16xf32>
    %swap3A_1795 = arith.constant 480 : index
    %swap3A_1796 = tpu.vector_load %arg9[%swap3A_1795] {strides = array<i32>} : memref<1056xf32, #tpu.memory_space<vmem>>, vector<16xf32>,
    %swap3A_1797 = vector.shape_cast %swap3A_1796 : vector<16xf32> to vector<16xf32>
    %swap3A_1798 = vector.shape_cast %broadcast_in_dim3A_1794 : vector<16xf32> to vector<16xf32>
    tpu.vector_store %arg9[%swap3A_1795], %swap3A_1798 {strides = array<i32>} : memref<1056xf32, #tpu.memory_space<vmem>>, vector<16xf32>,
    %broadcast_in_dim3A_1799 = arith.constant 0.000000e+00 : f32
    %broadcast_in_dim3A_1800 = vector.broadcast %broadcast_in_dim3A_1799 : f32 to vector<16xf32>
    %swap3A_1801 = arith.constant 496 : index
    %swap3A_1802 = tpu.vector_load %arg9[%swap3A_1801] {strides = array<i32>} : memref<1056xf32, #tpu.memory_space<vmem>>, vector<16xf32>,
    %swap3A_1803 = vector.shape_cast %swap3A_1802 : vector<16xf32> to vector<16xf32>
    %swap3A_1804 = vector.shape_cast %broadcast_in_dim3A_1800 : vector<16xf32> to vector<16xf32>
    tpu.vector_store %arg9[%swap3A_1801], %swap3A_1804 {strides = array<i32>} : memref<1056xf32, #tpu.memory_space<vmem>>, vector<16xf32>,
    %broadcast_in_dim3A_1805 = arith.constant 0.000000e+00 : f32
    %broadcast_in_dim3A_1806 = vector.broadcast %broadcast_in_dim3A_1805 : f32 to vector<16xf32>
    %swap3A_1807 = arith.constant 512 : index
    %swap3A_1808 = tpu.vector_load %arg9[%swap3A_1807] {strides = array<i32>} : memref<1056xf32, #tpu.memory_space<vmem>>, vector<16xf32>,
    %swap3A_1809 = vector.shape_cast %swap3A_1808 : vector<16xf32> to vector<16xf32>
    %swap3A_1810 = vector.shape_cast %broadcast_in_dim3A_1806 : vector<16xf32> to vector<16xf32>
    tpu.vector_store %arg9[%swap3A_1807], %swap3A_1810 {strides = array<i32>} : memref<1056xf32, #tpu.memory_space<vmem>>, vector<16xf32>,
    %broadcast_in_dim3A_1811 = arith.constant 0.000000e+00 : f32
    %broadcast_in_dim3A_1812 = vector.broadcast %broadcast_in_dim3A_1811 : f32 to vector<16xf32>
    %swap3A_1813 = arith.constant 528 : index
    %swap3A_1814 = tpu.vector_load %arg9[%swap3A_1813] {strides = array<i32>} : memref<1056xf32, #tpu.memory_space<vmem>>, vector<16xf32>,
    %swap3A_1815 = vector.shape_cast %swap3A_1814 : vector<16xf32> to vector<16xf32>
    %swap3A_1816 = vector.shape_cast %broadcast_in_dim3A_1812 : vector<16xf32> to vector<16xf32>
    tpu.vector_store %arg9[%swap3A_1813], %swap3A_1816 {strides = array<i32>} : memref<1056xf32, #tpu.memory_space<vmem>>, vector<16xf32>,
    %broadcast_in_dim3A_1817 = arith.constant 0.000000e+00 : f32
    %broadcast_in_dim3A_1818 = vector.broadcast %broadcast_in_dim3A_1817 : f32 to vector<16xf32>
    %swap3A_1819 = arith.constant 544 : index
    %swap3A_1820 = tpu.vector_load %arg9[%swap3A_1819] {strides = array<i32>} : memref<1056xf32, #tpu.memory_space<vmem>>, vector<16xf32>,
    %swap3A_1821 = vector.shape_cast %swap3A_1820 : vector<16xf32> to vector<16xf32>
    %swap3A_1822 = vector.shape_cast %broadcast_in_dim3A_1818 : vector<16xf32> to vector<16xf32>
    tpu.vector_store %arg9[%swap3A_1819], %swap3A_1822 {strides = array<i32>} : memref<1056xf32, #tpu.memory_space<vmem>>, vector<16xf32>,
    %broadcast_in_dim3A_1823 = arith.constant 0.000000e+00 : f32
    %broadcast_in_dim3A_1824 = vector.broadcast %broadcast_in_dim3A_1823 : f32 to vector<16xf32>
    %swap3A_1825 = arith.constant 560 : index
    %swap3A_1826 = tpu.vector_load %arg9[%swap3A_1825] {strides = array<i32>} : memref<1056xf32, #tpu.memory_space<vmem>>, vector<16xf32>,
    %swap3A_1827 = vector.shape_cast %swap3A_1826 : vector<16xf32> to vector<16xf32>
    %swap3A_1828 = vector.shape_cast %broadcast_in_dim3A_1824 : vector<16xf32> to vector<16xf32>
    tpu.vector_store %arg9[%swap3A_1825], %swap3A_1828 {strides = array<i32>} : memref<1056xf32, #tpu.memory_space<vmem>>, vector<16xf32>,
    %broadcast_in_dim3A_1829 = arith.constant 0.000000e+00 : f32
    %broadcast_in_dim3A_1830 = vector.broadcast %broadcast_in_dim3A_1829 : f32 to vector<16xf32>
    %swap3A_1831 = arith.constant 576 : index
    %swap3A_1832 = tpu.vector_load %arg9[%swap3A_1831] {strides = array<i32>} : memref<1056xf32, #tpu.memory_space<vmem>>, vector<16xf32>,
    %swap3A_1833 = vector.shape_cast %swap3A_1832 : vector<16xf32> to vector<16xf32>
    %swap3A_1834 = vector.shape_cast %broadcast_in_dim3A_1830 : vector<16xf32> to vector<16xf32>
    tpu.vector_store %arg9[%swap3A_1831], %swap3A_1834 {strides = array<i32>} : memref<1056xf32, #tpu.memory_space<vmem>>, vector<16xf32>,
    %broadcast_in_dim3A_1835 = arith.constant 0.000000e+00 : f32
    %broadcast_in_dim3A_1836 = vector.broadcast %broadcast_in_dim3A_1835 : f32 to vector<16xf32>
    %swap3A_1837 = arith.constant 592 : index
    %swap3A_1838 = tpu.vector_load %arg9[%swap3A_1837] {strides = array<i32>} : memref<1056xf32, #tpu.memory_space<vmem>>, vector<16xf32>,
    %swap3A_1839 = vector.shape_cast %swap3A_1838 : vector<16xf32> to vector<16xf32>
    %swap3A_1840 = vector.shape_cast %broadcast_in_dim3A_1836 : vector<16xf32> to vector<16xf32>
    tpu.vector_store %arg9[%swap3A_1837], %swap3A_1840 {strides = array<i32>} : memref<1056xf32, #tpu.memory_space<vmem>>, vector<16xf32>,
    %broadcast_in_dim3A_1841 = arith.constant 0.000000e+00 : f32
    %broadcast_in_dim3A_1842 = vector.broadcast %broadcast_in_dim3A_1841 : f32 to vector<16xf32>
    %swap3A_1843 = arith.constant 608 : index
    %swap3A_1844 = tpu.vector_load %arg9[%swap3A_1843] {strides = array<i32>} : memref<1056xf32, #tpu.memory_space<vmem>>, vector<16xf32>,
    %swap3A_1845 = vector.shape_cast %swap3A_1844 : vector<16xf32> to vector<16xf32>
    %swap3A_1846 = vector.shape_cast %broadcast_in_dim3A_1842 : vector<16xf32> to vector<16xf32>
    tpu.vector_store %arg9[%swap3A_1843], %swap3A_1846 {strides = array<i32>} : memref<1056xf32, #tpu.memory_space<vmem>>, vector<16xf32>,
    %broadcast_in_dim3A_1847 = arith.constant 0.000000e+00 : f32
    %broadcast_in_dim3A_1848 = vector.broadcast %broadcast_in_dim3A_1847 : f32 to vector<16xf32>
    %swap3A_1849 = arith.constant 624 : index
    %swap3A_1850 = tpu.vector_load %arg9[%swap3A_1849] {strides = array<i32>} : memref<1056xf32, #tpu.memory_space<vmem>>, vector<16xf32>,
    %swap3A_1851 = vector.shape_cast %swap3A_1850 : vector<16xf32> to vector<16xf32>
    %swap3A_1852 = vector.shape_cast %broadcast_in_dim3A_1848 : vector<16xf32> to vector<16xf32>
    tpu.vector_store %arg9[%swap3A_1849], %swap3A_1852 {strides = array<i32>} : memref<1056xf32, #tpu.memory_space<vmem>>, vector<16xf32>,
    %broadcast_in_dim3A_1853 = arith.constant 0.000000e+00 : f32
    %broadcast_in_dim3A_1854 = vector.broadcast %broadcast_in_dim3A_1853 : f32 to vector<16xf32>
    %swap3A_1855 = arith.constant 640 : index
    %swap3A_1856 = tpu.vector_load %arg9[%swap3A_1855] {strides = array<i32>} : memref<1056xf32, #tpu.memory_space<vmem>>, vector<16xf32>,
    %swap3A_1857 = vector.shape_cast %swap3A_1856 : vector<16xf32> to vector<16xf32>
    %swap3A_1858 = vector.shape_cast %broadcast_in_dim3A_1854 : vector<16xf32> to vector<16xf32>
    tpu.vector_store %arg9[%swap3A_1855], %swap3A_1858 {strides = array<i32>} : memref<1056xf32, #tpu.memory_space<vmem>>, vector<16xf32>,
    %broadcast_in_dim3A_1859 = arith.constant 0.000000e+00 : f32
    %broadcast_in_dim3A_1860 = vector.broadcast %broadcast_in_dim3A_1859 : f32 to vector<16xf32>
    %swap3A_1861 = arith.constant 656 : index
    %swap3A_1862 = tpu.vector_load %arg9[%swap3A_1861] {strides = array<i32>} : memref<1056xf32, #tpu.memory_space<vmem>>, vector<16xf32>,
    %swap3A_1863 = vector.shape_cast %swap3A_1862 : vector<16xf32> to vector<16xf32>
    %swap3A_1864 = vector.shape_cast %broadcast_in_dim3A_1860 : vector<16xf32> to vector<16xf32>
    tpu.vector_store %arg9[%swap3A_1861], %swap3A_1864 {strides = array<i32>} : memref<1056xf32, #tpu.memory_space<vmem>>, vector<16xf32>,
    %broadcast_in_dim3A_1865 = arith.constant 0.000000e+00 : f32
    %broadcast_in_dim3A_1866 = vector.broadcast %broadcast_in_dim3A_1865 : f32 to vector<16xf32>
    %swap3A_1867 = arith.constant 672 : index
    %swap3A_1868 = tpu.vector_load %arg9[%swap3A_1867] {strides = array<i32>} : memref<1056xf32, #tpu.memory_space<vmem>>, vector<16xf32>,
    %swap3A_1869 = vector.shape_cast %swap3A_1868 : vector<16xf32> to vector<16xf32>
    %swap3A_1870 = vector.shape_cast %broadcast_in_dim3A_1866 : vector<16xf32> to vector<16xf32>
    tpu.vector_store %arg9[%swap3A_1867], %swap3A_1870 {strides = array<i32>} : memref<1056xf32, #tpu.memory_space<vmem>>, vector<16xf32>,
    %broadcast_in_dim3A_1871 = arith.constant 0.000000e+00 : f32
    %broadcast_in_dim3A_1872 = vector.broadcast %broadcast_in_dim3A_1871 : f32 to vector<16xf32>
    %swap3A_1873 = arith.constant 688 : index
    %swap3A_1874 = tpu.vector_load %arg9[%swap3A_1873] {strides = array<i32>} : memref<1056xf32, #tpu.memory_space<vmem>>, vector<16xf32>,
    %swap3A_1875 = vector.shape_cast %swap3A_1874 : vector<16xf32> to vector<16xf32>
    %swap3A_1876 = vector.shape_cast %broadcast_in_dim3A_1872 : vector<16xf32> to vector<16xf32>
    tpu.vector_store %arg9[%swap3A_1873], %swap3A_1876 {strides = array<i32>} : memref<1056xf32, #tpu.memory_space<vmem>>, vector<16xf32>,
    %broadcast_in_dim3A_1877 = arith.constant 0.000000e+00 : f32
    %broadcast_in_dim3A_1878 = vector.broadcast %broadcast_in_dim3A_1877 : f32 to vector<16xf32>
    %swap3A_1879 = arith.constant 704 : index
    %swap3A_1880 = tpu.vector_load %arg9[%swap3A_1879] {strides = array<i32>} : memref<1056xf32, #tpu.memory_space<vmem>>, vector<16xf32>,
    %swap3A_1881 = vector.shape_cast %swap3A_1880 : vector<16xf32> to vector<16xf32>
    %swap3A_1882 = vector.shape_cast %broadcast_in_dim3A_1878 : vector<16xf32> to vector<16xf32>
    tpu.vector_store %arg9[%swap3A_1879], %swap3A_1882 {strides = array<i32>} : memref<1056xf32, #tpu.memory_space<vmem>>, vector<16xf32>,
    %broadcast_in_dim3A_1883 = arith.constant 0.000000e+00 : f32
    %broadcast_in_dim3A_1884 = vector.broadcast %broadcast_in_dim3A_1883 : f32 to vector<16xf32>
    %swap3A_1885 = arith.constant 720 : index
    %swap3A_1886 = tpu.vector_load %arg9[%swap3A_1885] {strides = array<i32>} : memref<1056xf32, #tpu.memory_space<vmem>>, vector<16xf32>,
    %swap3A_1887 = vector.shape_cast %swap3A_1886 : vector<16xf32> to vector<16xf32>
    %swap3A_1888 = vector.shape_cast %broadcast_in_dim3A_1884 : vector<16xf32> to vector<16xf32>
    tpu.vector_store %arg9[%swap3A_1885], %swap3A_1888 {strides = array<i32>} : memref<1056xf32, #tpu.memory_space<vmem>>, vector<16xf32>,
    %broadcast_in_dim3A_1889 = arith.constant 0.000000e+00 : f32
    %broadcast_in_dim3A_1890 = vector.broadcast %broadcast_in_dim3A_1889 : f32 to vector<16xf32>
    %swap3A_1891 = arith.constant 736 : index
    %swap3A_1892 = tpu.vector_load %arg9[%swap3A_1891] {strides = array<i32>} : memref<1056xf32, #tpu.memory_space<vmem>>, vector<16xf32>,
    %swap3A_1893 = vector.shape_cast %swap3A_1892 : vector<16xf32> to vector<16xf32>
    %swap3A_1894 = vector.shape_cast %broadcast_in_dim3A_1890 : vector<16xf32> to vector<16xf32>
    tpu.vector_store %arg9[%swap3A_1891], %swap3A_1894 {strides = array<i32>} : memref<1056xf32, #tpu.memory_space<vmem>>, vector<16xf32>,
    %broadcast_in_dim3A_1895 = arith.constant 0.000000e+00 : f32
    %broadcast_in_dim3A_1896 = vector.broadcast %broadcast_in_dim3A_1895 : f32 to vector<16xf32>
    %swap3A_1897 = arith.constant 752 : index
    %swap3A_1898 = tpu.vector_load %arg9[%swap3A_1897] {strides = array<i32>} : memref<1056xf32, #tpu.memory_space<vmem>>, vector<16xf32>,
    %swap3A_1899 = vector.shape_cast %swap3A_1898 : vector<16xf32> to vector<16xf32>
    %swap3A_1900 = vector.shape_cast %broadcast_in_dim3A_1896 : vector<16xf32> to vector<16xf32>
    tpu.vector_store %arg9[%swap3A_1897], %swap3A_1900 {strides = array<i32>} : memref<1056xf32, #tpu.memory_space<vmem>>, vector<16xf32>,
    %broadcast_in_dim3A_1901 = arith.constant 0.000000e+00 : f32
    %broadcast_in_dim3A_1902 = vector.broadcast %broadcast_in_dim3A_1901 : f32 to vector<16xf32>
    %swap3A_1903 = arith.constant 768 : index
    %swap3A_1904 = tpu.vector_load %arg9[%swap3A_1903] {strides = array<i32>} : memref<1056xf32, #tpu.memory_space<vmem>>, vector<16xf32>,
    %swap3A_1905 = vector.shape_cast %swap3A_1904 : vector<16xf32> to vector<16xf32>
    %swap3A_1906 = vector.shape_cast %broadcast_in_dim3A_1902 : vector<16xf32> to vector<16xf32>
    tpu.vector_store %arg9[%swap3A_1903], %swap3A_1906 {strides = array<i32>} : memref<1056xf32, #tpu.memory_space<vmem>>, vector<16xf32>,
    %broadcast_in_dim3A_1907 = arith.constant 0.000000e+00 : f32
    %broadcast_in_dim3A_1908 = vector.broadcast %broadcast_in_dim3A_1907 : f32 to vector<16xf32>
    %swap3A_1909 = arith.constant 784 : index
    %swap3A_1910 = tpu.vector_load %arg9[%swap3A_1909] {strides = array<i32>} : memref<1056xf32, #tpu.memory_space<vmem>>, vector<16xf32>,
    %swap3A_1911 = vector.shape_cast %swap3A_1910 : vector<16xf32> to vector<16xf32>
    %swap3A_1912 = vector.shape_cast %broadcast_in_dim3A_1908 : vector<16xf32> to vector<16xf32>
    tpu.vector_store %arg9[%swap3A_1909], %swap3A_1912 {strides = array<i32>} : memref<1056xf32, #tpu.memory_space<vmem>>, vector<16xf32>,
    %broadcast_in_dim3A_1913 = arith.constant 0.000000e+00 : f32
    %broadcast_in_dim3A_1914 = vector.broadcast %broadcast_in_dim3A_1913 : f32 to vector<16xf32>
    %swap3A_1915 = arith.constant 800 : index
    %swap3A_1916 = tpu.vector_load %arg9[%swap3A_1915] {strides = array<i32>} : memref<1056xf32, #tpu.memory_space<vmem>>, vector<16xf32>,
    %swap3A_1917 = vector.shape_cast %swap3A_1916 : vector<16xf32> to vector<16xf32>
    %swap3A_1918 = vector.shape_cast %broadcast_in_dim3A_1914 : vector<16xf32> to vector<16xf32>
    tpu.vector_store %arg9[%swap3A_1915], %swap3A_1918 {strides = array<i32>} : memref<1056xf32, #tpu.memory_space<vmem>>, vector<16xf32>,
    %broadcast_in_dim3A_1919 = arith.constant 0.000000e+00 : f32
    %broadcast_in_dim3A_1920 = vector.broadcast %broadcast_in_dim3A_1919 : f32 to vector<16xf32>
    %swap3A_1921 = arith.constant 816 : index
    %swap3A_1922 = tpu.vector_load %arg9[%swap3A_1921] {strides = array<i32>} : memref<1056xf32, #tpu.memory_space<vmem>>, vector<16xf32>,
    %swap3A_1923 = vector.shape_cast %swap3A_1922 : vector<16xf32> to vector<16xf32>
    %swap3A_1924 = vector.shape_cast %broadcast_in_dim3A_1920 : vector<16xf32> to vector<16xf32>
    tpu.vector_store %arg9[%swap3A_1921], %swap3A_1924 {strides = array<i32>} : memref<1056xf32, #tpu.memory_space<vmem>>, vector<16xf32>,
    %broadcast_in_dim3A_1925 = arith.constant 0.000000e+00 : f32
    %broadcast_in_dim3A_1926 = vector.broadcast %broadcast_in_dim3A_1925 : f32 to vector<16xf32>
    %swap3A_1927 = arith.constant 832 : index
    %swap3A_1928 = tpu.vector_load %arg9[%swap3A_1927] {strides = array<i32>} : memref<1056xf32, #tpu.memory_space<vmem>>, vector<16xf32>,
    %swap3A_1929 = vector.shape_cast %swap3A_1928 : vector<16xf32> to vector<16xf32>
    %swap3A_1930 = vector.shape_cast %broadcast_in_dim3A_1926 : vector<16xf32> to vector<16xf32>
    tpu.vector_store %arg9[%swap3A_1927], %swap3A_1930 {strides = array<i32>} : memref<1056xf32, #tpu.memory_space<vmem>>, vector<16xf32>,
    %broadcast_in_dim3A_1931 = arith.constant 0.000000e+00 : f32
    %broadcast_in_dim3A_1932 = vector.broadcast %broadcast_in_dim3A_1931 : f32 to vector<16xf32>
    %swap3A_1933 = arith.constant 848 : index
    %swap3A_1934 = tpu.vector_load %arg9[%swap3A_1933] {strides = array<i32>} : memref<1056xf32, #tpu.memory_space<vmem>>, vector<16xf32>,
    %swap3A_1935 = vector.shape_cast %swap3A_1934 : vector<16xf32> to vector<16xf32>
    %swap3A_1936 = vector.shape_cast %broadcast_in_dim3A_1932 : vector<16xf32> to vector<16xf32>
    tpu.vector_store %arg9[%swap3A_1933], %swap3A_1936 {strides = array<i32>} : memref<1056xf32, #tpu.memory_space<vmem>>, vector<16xf32>,
    %broadcast_in_dim3A_1937 = arith.constant 0.000000e+00 : f32
    %broadcast_in_dim3A_1938 = vector.broadcast %broadcast_in_dim3A_1937 : f32 to vector<16xf32>
    %swap3A_1939 = arith.constant 864 : index
    %swap3A_1940 = tpu.vector_load %arg9[%swap3A_1939] {strides = array<i32>} : memref<1056xf32, #tpu.memory_space<vmem>>, vector<16xf32>,
    %swap3A_1941 = vector.shape_cast %swap3A_1940 : vector<16xf32> to vector<16xf32>
    %swap3A_1942 = vector.shape_cast %broadcast_in_dim3A_1938 : vector<16xf32> to vector<16xf32>
    tpu.vector_store %arg9[%swap3A_1939], %swap3A_1942 {strides = array<i32>} : memref<1056xf32, #tpu.memory_space<vmem>>, vector<16xf32>,
    %broadcast_in_dim3A_1943 = arith.constant 0.000000e+00 : f32
    %broadcast_in_dim3A_1944 = vector.broadcast %broadcast_in_dim3A_1943 : f32 to vector<16xf32>
    %swap3A_1945 = arith.constant 880 : index
    %swap3A_1946 = tpu.vector_load %arg9[%swap3A_1945] {strides = array<i32>} : memref<1056xf32, #tpu.memory_space<vmem>>, vector<16xf32>,
    %swap3A_1947 = vector.shape_cast %swap3A_1946 : vector<16xf32> to vector<16xf32>
    %swap3A_1948 = vector.shape_cast %broadcast_in_dim3A_1944 : vector<16xf32> to vector<16xf32>
    tpu.vector_store %arg9[%swap3A_1945], %swap3A_1948 {strides = array<i32>} : memref<1056xf32, #tpu.memory_space<vmem>>, vector<16xf32>,
    %broadcast_in_dim3A_1949 = arith.constant 0.000000e+00 : f32
    %broadcast_in_dim3A_1950 = vector.broadcast %broadcast_in_dim3A_1949 : f32 to vector<16xf32>
    %swap3A_1951 = arith.constant 896 : index
    %swap3A_1952 = tpu.vector_load %arg9[%swap3A_1951] {strides = array<i32>} : memref<1056xf32, #tpu.memory_space<vmem>>, vector<16xf32>,
    %swap3A_1953 = vector.shape_cast %swap3A_1952 : vector<16xf32> to vector<16xf32>
    %swap3A_1954 = vector.shape_cast %broadcast_in_dim3A_1950 : vector<16xf32> to vector<16xf32>
    tpu.vector_store %arg9[%swap3A_1951], %swap3A_1954 {strides = array<i32>} : memref<1056xf32, #tpu.memory_space<vmem>>, vector<16xf32>,
    %broadcast_in_dim3A_1955 = arith.constant 0.000000e+00 : f32
    %broadcast_in_dim3A_1956 = vector.broadcast %broadcast_in_dim3A_1955 : f32 to vector<16xf32>
    %swap3A_1957 = arith.constant 912 : index
    %swap3A_1958 = tpu.vector_load %arg9[%swap3A_1957] {strides = array<i32>} : memref<1056xf32, #tpu.memory_space<vmem>>, vector<16xf32>,
    %swap3A_1959 = vector.shape_cast %swap3A_1958 : vector<16xf32> to vector<16xf32>
    %swap3A_1960 = vector.shape_cast %broadcast_in_dim3A_1956 : vector<16xf32> to vector<16xf32>
    tpu.vector_store %arg9[%swap3A_1957], %swap3A_1960 {strides = array<i32>} : memref<1056xf32, #tpu.memory_space<vmem>>, vector<16xf32>,
    %broadcast_in_dim3A_1961 = arith.constant 0.000000e+00 : f32
    %broadcast_in_dim3A_1962 = vector.broadcast %broadcast_in_dim3A_1961 : f32 to vector<16xf32>
    %swap3A_1963 = arith.constant 928 : index
    %swap3A_1964 = tpu.vector_load %arg9[%swap3A_1963] {strides = array<i32>} : memref<1056xf32, #tpu.memory_space<vmem>>, vector<16xf32>,
    %swap3A_1965 = vector.shape_cast %swap3A_1964 : vector<16xf32> to vector<16xf32>
    %swap3A_1966 = vector.shape_cast %broadcast_in_dim3A_1962 : vector<16xf32> to vector<16xf32>
    tpu.vector_store %arg9[%swap3A_1963], %swap3A_1966 {strides = array<i32>} : memref<1056xf32, #tpu.memory_space<vmem>>, vector<16xf32>,
    %broadcast_in_dim3A_1967 = arith.constant 0.000000e+00 : f32
    %broadcast_in_dim3A_1968 = vector.broadcast %broadcast_in_dim3A_1967 : f32 to vector<16xf32>
    %swap3A_1969 = arith.constant 944 : index
    %swap3A_1970 = tpu.vector_load %arg9[%swap3A_1969] {strides = array<i32>} : memref<1056xf32, #tpu.memory_space<vmem>>, vector<16xf32>,
    %swap3A_1971 = vector.shape_cast %swap3A_1970 : vector<16xf32> to vector<16xf32>
    %swap3A_1972 = vector.shape_cast %broadcast_in_dim3A_1968 : vector<16xf32> to vector<16xf32>
    tpu.vector_store %arg9[%swap3A_1969], %swap3A_1972 {strides = array<i32>} : memref<1056xf32, #tpu.memory_space<vmem>>, vector<16xf32>,
    %broadcast_in_dim3A_1973 = arith.constant 0.000000e+00 : f32
    %broadcast_in_dim3A_1974 = vector.broadcast %broadcast_in_dim3A_1973 : f32 to vector<16xf32>
    %swap3A_1975 = arith.constant 960 : index
    %swap3A_1976 = tpu.vector_load %arg9[%swap3A_1975] {strides = array<i32>} : memref<1056xf32, #tpu.memory_space<vmem>>, vector<16xf32>,
    %swap3A_1977 = vector.shape_cast %swap3A_1976 : vector<16xf32> to vector<16xf32>
    %swap3A_1978 = vector.shape_cast %broadcast_in_dim3A_1974 : vector<16xf32> to vector<16xf32>
    tpu.vector_store %arg9[%swap3A_1975], %swap3A_1978 {strides = array<i32>} : memref<1056xf32, #tpu.memory_space<vmem>>, vector<16xf32>,
    %broadcast_in_dim3A_1979 = arith.constant 0.000000e+00 : f32
    %broadcast_in_dim3A_1980 = vector.broadcast %broadcast_in_dim3A_1979 : f32 to vector<16xf32>
    %swap3A_1981 = arith.constant 976 : index
    %swap3A_1982 = tpu.vector_load %arg9[%swap3A_1981] {strides = array<i32>} : memref<1056xf32, #tpu.memory_space<vmem>>, vector<16xf32>,
    %swap3A_1983 = vector.shape_cast %swap3A_1982 : vector<16xf32> to vector<16xf32>
    %swap3A_1984 = vector.shape_cast %broadcast_in_dim3A_1980 : vector<16xf32> to vector<16xf32>
    tpu.vector_store %arg9[%swap3A_1981], %swap3A_1984 {strides = array<i32>} : memref<1056xf32, #tpu.memory_space<vmem>>, vector<16xf32>,
    %broadcast_in_dim3A_1985 = arith.constant 0.000000e+00 : f32
    %broadcast_in_dim3A_1986 = vector.broadcast %broadcast_in_dim3A_1985 : f32 to vector<16xf32>
    %swap3A_1987 = arith.constant 992 : index
    %swap3A_1988 = tpu.vector_load %arg9[%swap3A_1987] {strides = array<i32>} : memref<1056xf32, #tpu.memory_space<vmem>>, vector<16xf32>,
    %swap3A_1989 = vector.shape_cast %swap3A_1988 : vector<16xf32> to vector<16xf32>
    %swap3A_1990 = vector.shape_cast %broadcast_in_dim3A_1986 : vector<16xf32> to vector<16xf32>
    tpu.vector_store %arg9[%swap3A_1987], %swap3A_1990 {strides = array<i32>} : memref<1056xf32, #tpu.memory_space<vmem>>, vector<16xf32>,
    %broadcast_in_dim3A_1991 = arith.constant 0.000000e+00 : f32
    %broadcast_in_dim3A_1992 = vector.broadcast %broadcast_in_dim3A_1991 : f32 to vector<16xf32>
    %swap3A_1993 = arith.constant 1008 : index
    %swap3A_1994 = tpu.vector_load %arg9[%swap3A_1993] {strides = array<i32>} : memref<1056xf32, #tpu.memory_space<vmem>>, vector<16xf32>,
    %swap3A_1995 = vector.shape_cast %swap3A_1994 : vector<16xf32> to vector<16xf32>
    %swap3A_1996 = vector.shape_cast %broadcast_in_dim3A_1992 : vector<16xf32> to vector<16xf32>
    tpu.vector_store %arg9[%swap3A_1993], %swap3A_1996 {strides = array<i32>} : memref<1056xf32, #tpu.memory_space<vmem>>, vector<16xf32>,
    %broadcast_in_dim3A_1997 = arith.constant 0.000000e+00 : f32
    %broadcast_in_dim3A_1998 = vector.broadcast %broadcast_in_dim3A_1997 : f32 to vector<16xf32>
    %swap3A_1999 = arith.constant 1024 : index
    %swap3A_2000 = tpu.vector_load %arg9[%swap3A_1999] {strides = array<i32>} : memref<1056xf32, #tpu.memory_space<vmem>>, vector<16xf32>,
    %swap3A_2001 = vector.shape_cast %swap3A_2000 : vector<16xf32> to vector<16xf32>
    %swap3A_2002 = vector.shape_cast %broadcast_in_dim3A_1998 : vector<16xf32> to vector<16xf32>
    tpu.vector_store %arg9[%swap3A_1999], %swap3A_2002 {strides = array<i32>} : memref<1056xf32, #tpu.memory_space<vmem>>, vector<16xf32>,
    %broadcast_in_dim3A_2003 = arith.constant 0.000000e+00 : f32
    %broadcast_in_dim3A_2004 = vector.broadcast %broadcast_in_dim3A_2003 : f32 to vector<16xf32>
    %swap3A_2005 = arith.constant 1040 : index
    %swap3A_2006 = tpu.vector_load %arg9[%swap3A_2005] {strides = array<i32>} : memref<1056xf32, #tpu.memory_space<vmem>>, vector<16xf32>,
    %swap3A_2007 = vector.shape_cast %swap3A_2006 : vector<16xf32> to vector<16xf32>
    %swap3A_2008 = vector.shape_cast %broadcast_in_dim3A_2004 : vector<16xf32> to vector<16xf32>
    tpu.vector_store %arg9[%swap3A_2005], %swap3A_2008 {strides = array<i32>} : memref<1056xf32, #tpu.memory_space<vmem>>, vector<16xf32>,
    %eq3A = arith.constant 0 : i32
    %eq3A_2009 = arith.cmpi eq, %arg1, %eq3A : i32
    %convert_element_type3A = arith.extui %eq3A_2009 : i1 to i32
    %cond3A = arith.constant 0 : i32
    %cond3A_2010 = arith.cmpi ne, %convert_element_type3A, %cond3A : i32
    scf.if %cond3A_2010 {
      "tpu.region"() ({
        %run_scoped3A = tpu.sem_alloc : memref<!tpu.dma_semaphore, #tpu.memory_space<semaphore_mem>>
        %dma_start3A_2091 = arith.constant 0 : i32
        %dma_start3A_2092 = tpu.memref_slice %arg9[%dma_start3A_2091] : memref<1056xf32, #tpu.memory_space<vmem>> -> memref<528xf32, #tpu.memory_space<vmem>>
        %dma_start3A_2093 = arith.constant 0 : i32
        %dma_start3A_2094 = tpu.memref_slice %arg9[%dma_start3A_2093] : memref<1056xf32, #tpu.memory_space<vmem>> -> memref<528xf32, #tpu.memory_space<vmem>>
        tpu.enqueue_dma source(%dma_start3A_2094 : memref<528xf32, #tpu.memory_space<vmem>>) target(%arg10 : memref<528xf32, #tpu.memory_space<vmem_shared>>) target_semaphore(%run_scoped3A : memref<!tpu.dma_semaphore, #tpu.memory_space<semaphore_mem>>)
        %dma_wait3A_2095 = arith.constant 0 : i32
        %dma_wait3A_2096 = tpu.memref_slice %arg9[%dma_wait3A_2095] : memref<1056xf32, #tpu.memory_space<vmem>> -> memref<528xf32, #tpu.memory_space<vmem>>
        %dma_wait3A_2097 = arith.constant 0 : i32
        %dma_wait3A_2098 = tpu.memref_slice %arg9[%dma_wait3A_2097] : memref<1056xf32, #tpu.memory_space<vmem>> -> memref<528xf32, #tpu.memory_space<vmem>>
        tpu.wait_dma2 semaphore(%run_scoped3A : memref<!tpu.dma_semaphore, #tpu.memory_space<semaphore_mem>>) src(%dma_wait3A_2098 : memref<528xf32, #tpu.memory_space<vmem>>) dst(%arg10 : memref<528xf32, #tpu.memory_space<vmem_shared>>)
        tpu.yield
      }) : () -> ()
    } else {
    }
    %eq3A_2011 = arith.constant 1 : i32
    %eq3A_2012 = arith.cmpi eq, %arg1, %eq3A_2011 : i32
    %convert_element_type3A_2013 = arith.extui %eq3A_2012 : i1 to i32
    %cond3A_2014 = arith.constant 0 : i32
    %cond3A_2015 = arith.cmpi ne, %convert_element_type3A_2013, %cond3A_2014 : i32
    scf.if %cond3A_2015 {
      "tpu.region"() ({
        %run_scoped3A = tpu.sem_alloc : memref<!tpu.dma_semaphore, #tpu.memory_space<semaphore_mem>>
        %dma_start3A_2091 = arith.constant 528 : i32
        %dma_start3A_2092 = tpu.memref_slice %arg9[%dma_start3A_2091] : memref<1056xf32, #tpu.memory_space<vmem>> -> memref<528xf32, #tpu.memory_space<vmem>>
        %dma_start3A_2093 = arith.constant 528 : i32
        %dma_start3A_2094 = tpu.memref_slice %arg9[%dma_start3A_2093] : memref<1056xf32, #tpu.memory_space<vmem>> -> memref<528xf32, #tpu.memory_space<vmem>>
        tpu.enqueue_dma source(%dma_start3A_2094 : memref<528xf32, #tpu.memory_space<vmem>>) target(%arg11 : memref<528xf32, #tpu.memory_space<vmem_shared>>) target_semaphore(%run_scoped3A : memref<!tpu.dma_semaphore, #tpu.memory_space<semaphore_mem>>)
        %dma_wait3A_2095 = arith.constant 528 : i32
        %dma_wait3A_2096 = tpu.memref_slice %arg9[%dma_wait3A_2095] : memref<1056xf32, #tpu.memory_space<vmem>> -> memref<528xf32, #tpu.memory_space<vmem>>
        %dma_wait3A_2097 = arith.constant 528 : i32
        %dma_wait3A_2098 = tpu.memref_slice %arg9[%dma_wait3A_2097] : memref<1056xf32, #tpu.memory_space<vmem>> -> memref<528xf32, #tpu.memory_space<vmem>>
        tpu.wait_dma2 semaphore(%run_scoped3A : memref<!tpu.dma_semaphore, #tpu.memory_space<semaphore_mem>>) src(%dma_wait3A_2098 : memref<528xf32, #tpu.memory_space<vmem>>) dst(%arg11 : memref<528xf32, #tpu.memory_space<vmem_shared>>)
        tpu.yield
      }) : () -> ()
    } else {
    }
    %dma_wait3A = arith.constant 0 : i32
    %dma_wait3A_2016 = arith.constant 0 : i32
    %dma_wait3A_2017 = tpu.memref_slice %arg3[%arg1, %dma_wait3A, %dma_wait3A_2016] : memref<16x25x128xi32, #tpu.memory_space<hbm>> -> memref<1x25x128xi32, #tpu.memory_space<hbm>>
    %dma_wait3A_2018 = tpu.memref_squeeze %dma_wait3A_2017 : memref<1x25x128xi32, #tpu.memory_space<hbm>> -> memref<25x128xi32, #tpu.memory_space<hbm>>
    %dma_wait3A_2019 = arith.constant 0 : i32
    %dma_wait3A_2020 = arith.constant 0 : i32
    %dma_wait3A_2021 = tpu.memref_slice %arg3[%arg1, %dma_wait3A_2019, %dma_wait3A_2020] : memref<16x25x128xi32, #tpu.memory_space<hbm>> -> memref<1x25x128xi32, #tpu.memory_space<hbm>>
    %dma_wait3A_2022 = tpu.memref_squeeze %dma_wait3A_2021 : memref<1x25x128xi32, #tpu.memory_space<hbm>> -> memref<25x128xi32, #tpu.memory_space<hbm>>
    tpu.wait_dma2 semaphore(%arg16 : memref<!tpu.dma_semaphore, #tpu.memory_space<semaphore_mem>>) src(%dma_wait3A_2022 : memref<25x128xi32, #tpu.memory_space<hbm>>) dst(%arg6 : memref<25x128xi32, #tpu.memory_space<vmem>>)
    %dma_wait3A_2023 = arith.constant 0 : i32
    %dma_wait3A_2024 = arith.constant 0 : i32
    %dma_wait3A_2025 = tpu.memref_slice %arg2[%arg1, %dma_wait3A_2023, %dma_wait3A_2024] : memref<16x25x128xf32, #tpu.memory_space<hbm>> -> memref<1x25x128xf32, #tpu.memory_space<hbm>>
    %dma_wait3A_2026 = tpu.memref_squeeze %dma_wait3A_2025 : memref<1x25x128xf32, #tpu.memory_space<hbm>> -> memref<25x128xf32, #tpu.memory_space<hbm>>
    %dma_wait3A_2027 = arith.constant 0 : i32
    %dma_wait3A_2028 = arith.constant 0 : i32
    %dma_wait3A_2029 = tpu.memref_slice %arg2[%arg1, %dma_wait3A_2027, %dma_wait3A_2028] : memref<16x25x128xf32, #tpu.memory_space<hbm>> -> memref<1x25x128xf32, #tpu.memory_space<hbm>>
    %dma_wait3A_2030 = tpu.memref_squeeze %dma_wait3A_2029 : memref<1x25x128xf32, #tpu.memory_space<hbm>> -> memref<25x128xf32, #tpu.memory_space<hbm>>
    tpu.wait_dma2 semaphore(%arg17 : memref<!tpu.dma_semaphore, #tpu.memory_space<semaphore_mem>>) src(%dma_wait3A_2030 : memref<25x128xf32, #tpu.memory_space<hbm>>) dst(%arg7 : memref<25x128xf32, #tpu.memory_space<vmem>>)
    tpu.wait_dma2 semaphore(%arg16 : memref<!tpu.dma_semaphore, #tpu.memory_space<semaphore_mem>>) src(%arg4 : memref<16xf32, #tpu.memory_space<hbm>>) dst(%arg15 : memref<16xf32, #tpu.memory_space<vmem>>)
    %barrier3A = arith.constant 0 : index
    tpu.barrier barrier_id(%barrier3A)
    %scan3A = arith.constant 0 : i32
    %scan3A_2031 = arith.constant 0 : i32
    %scan3A_2032 = arith.constant 25 : i32
    %scan3A_2033 = arith.addi %scan3A_2031, %scan3A_2032 : i32
    %scan3A_2034 = arith.constant 1 : i32
    scf.for %scan3A_2091 = %scan3A_2031 to %scan3A_2033 step %scan3A_2034  : i32 {
      %dma_start3A_2092 = arith.constant 0 : i32
      %dma_start3A_2093 = tpu.memref_slice %arg7[%scan3A_2091, %dma_start3A_2092] : memref<25x128xf32, #tpu.memory_space<vmem>> -> memref<1x128xf32, #tpu.memory_space<vmem>>
      %dma_start3A_2094 = tpu.memref_squeeze %dma_start3A_2093 : memref<1x128xf32, #tpu.memory_space<vmem>> -> memref<128xf32, #tpu.memory_space<vmem>>
      %dma_start3A_2095 = arith.constant 0 : i32
      %dma_start3A_2096 = tpu.memref_slice %arg6[%scan3A_2091, %dma_start3A_2095] : memref<25x128xi32, #tpu.memory_space<vmem>> -> memref<1x128xi32, #tpu.memory_space<vmem>>
      %dma_start3A_2097 = tpu.memref_squeeze %dma_start3A_2096 : memref<1x128xi32, #tpu.memory_space<vmem>> -> memref<128xi32, #tpu.memory_space<vmem>>
      %dma_start3A_2098 = arith.constant 0 : i32
      %dma_start3A_2099 = tpu.memref_slice %arg10[%dma_start3A_2098] : memref<528xf32, #tpu.memory_space<vmem_shared>> -> memref<528xf32, #tpu.memory_space<vmem_shared>>
      tpu.enqueue_indirect_dma source(%dma_start3A_2094 : memref<128xf32, #tpu.memory_space<vmem>>) target(%dma_start3A_2099 : memref<528xf32, #tpu.memory_space<vmem_shared>>) offsets(%dma_start3A_2097 : memref<128xi32, #tpu.memory_space<vmem>>) semaphore(%arg16 : memref<!tpu.dma_semaphore, #tpu.memory_space<semaphore_mem>>) {add = true}
      %dma_start3A_2100 = arith.constant 0 : i32
      %dma_start3A_2101 = tpu.memref_slice %arg8[%scan3A_2091, %dma_start3A_2100] : memref<25x128xf32, #tpu.memory_space<vmem>> -> memref<1x128xf32, #tpu.memory_space<vmem>>
      %dma_start3A_2102 = tpu.memref_squeeze %dma_start3A_2101 : memref<1x128xf32, #tpu.memory_space<vmem>> -> memref<128xf32, #tpu.memory_space<vmem>>
      %dma_start3A_2103 = arith.constant 0 : i32
      %dma_start3A_2104 = tpu.memref_slice %arg6[%scan3A_2091, %dma_start3A_2103] : memref<25x128xi32, #tpu.memory_space<vmem>> -> memref<1x128xi32, #tpu.memory_space<vmem>>
      %dma_start3A_2105 = tpu.memref_squeeze %dma_start3A_2104 : memref<1x128xi32, #tpu.memory_space<vmem>> -> memref<128xi32, #tpu.memory_space<vmem>>
      %dma_start3A_2106 = arith.constant 0 : i32
      %dma_start3A_2107 = tpu.memref_slice %arg11[%dma_start3A_2106] : memref<528xf32, #tpu.memory_space<vmem_shared>> -> memref<528xf32, #tpu.memory_space<vmem_shared>>
      tpu.enqueue_indirect_dma source(%dma_start3A_2102 : memref<128xf32, #tpu.memory_space<vmem>>) target(%dma_start3A_2107 : memref<528xf32, #tpu.memory_space<vmem_shared>>) offsets(%dma_start3A_2105 : memref<128xi32, #tpu.memory_space<vmem>>) semaphore(%arg17 : memref<!tpu.dma_semaphore, #tpu.memory_space<semaphore_mem>>) {add = true}
    }
    %scan3A_2035 = arith.constant 25 : i32
    %scan3A_2036 = arith.constant 0 : i32
    %scan3A_2037 = arith.constant 0 : i32
    %scan3A_2038 = arith.constant 25 : i32
    %scan3A_2039 = arith.addi %scan3A_2037, %scan3A_2038 : i32
    %scan3A_2040 = arith.constant 1 : i32
    scf.for %scan3A_2091 = %scan3A_2037 to %scan3A_2039 step %scan3A_2040  : i32 {
      %dma_wait3A_2092 = arith.constant 0 : i32
      %dma_wait3A_2093 = tpu.memref_slice %arg7[%scan3A_2091, %dma_wait3A_2092] : memref<25x128xf32, #tpu.memory_space<vmem>> -> memref<1x128xf32, #tpu.memory_space<vmem>>
      %dma_wait3A_2094 = tpu.memref_squeeze %dma_wait3A_2093 : memref<1x128xf32, #tpu.memory_space<vmem>> -> memref<128xf32, #tpu.memory_space<vmem>>
      %dma_wait3A_2095 = arith.constant 0 : i32
      %dma_wait3A_2096 = tpu.memref_slice %arg6[%scan3A_2091, %dma_wait3A_2095] : memref<25x128xi32, #tpu.memory_space<vmem>> -> memref<1x128xi32, #tpu.memory_space<vmem>>
      %dma_wait3A_2097 = tpu.memref_squeeze %dma_wait3A_2096 : memref<1x128xi32, #tpu.memory_space<vmem>> -> memref<128xi32, #tpu.memory_space<vmem>>
      %dma_wait3A_2098 = arith.constant 0 : i32
      %dma_wait3A_2099 = tpu.memref_slice %arg10[%dma_wait3A_2098] : memref<528xf32, #tpu.memory_space<vmem_shared>> -> memref<528xf32, #tpu.memory_space<vmem_shared>>
      tpu.wait_indirect_dma semaphore(%arg16 : memref<!tpu.dma_semaphore, #tpu.memory_space<semaphore_mem>>) src(%dma_wait3A_2094 : memref<128xf32, #tpu.memory_space<vmem>>) dst(%dma_wait3A_2099 : memref<528xf32, #tpu.memory_space<vmem_shared>>)
      %dma_wait3A_2100 = arith.constant 0 : i32
      %dma_wait3A_2101 = tpu.memref_slice %arg8[%scan3A_2091, %dma_wait3A_2100] : memref<25x128xf32, #tpu.memory_space<vmem>> -> memref<1x128xf32, #tpu.memory_space<vmem>>
      %dma_wait3A_2102 = tpu.memref_squeeze %dma_wait3A_2101 : memref<1x128xf32, #tpu.memory_space<vmem>> -> memref<128xf32, #tpu.memory_space<vmem>>
      %dma_wait3A_2103 = arith.constant 0 : i32
      %dma_wait3A_2104 = tpu.memref_slice %arg6[%scan3A_2091, %dma_wait3A_2103] : memref<25x128xi32, #tpu.memory_space<vmem>> -> memref<1x128xi32, #tpu.memory_space<vmem>>
      %dma_wait3A_2105 = tpu.memref_squeeze %dma_wait3A_2104 : memref<1x128xi32, #tpu.memory_space<vmem>> -> memref<128xi32, #tpu.memory_space<vmem>>
      %dma_wait3A_2106 = arith.constant 0 : i32
      %dma_wait3A_2107 = tpu.memref_slice %arg11[%dma_wait3A_2106] : memref<528xf32, #tpu.memory_space<vmem_shared>> -> memref<528xf32, #tpu.memory_space<vmem_shared>>
      tpu.wait_indirect_dma semaphore(%arg17 : memref<!tpu.dma_semaphore, #tpu.memory_space<semaphore_mem>>) src(%dma_wait3A_2102 : memref<128xf32, #tpu.memory_space<vmem>>) dst(%dma_wait3A_2107 : memref<528xf32, #tpu.memory_space<vmem_shared>>)
    }
    %scan3A_2041 = arith.constant 25 : i32
    %barrier3A_2042 = arith.constant 0 : index
    tpu.barrier barrier_id(%barrier3A_2042)
    %mul3A = arith.constant 32 : i32
    %mul3A_2043 = arith.muli %arg1, %mul3A : i32
    "tpu.region"() ({
      %run_scoped3A = tpu.sem_alloc : memref<!tpu.dma_semaphore, #tpu.memory_space<semaphore_mem>>
      %dma_start3A_2091 = tpu.memref_slice %arg10[%mul3A_2043] : memref<528xf32, #tpu.memory_space<vmem_shared>> -> memref<32xf32, #tpu.memory_space<vmem_shared>>
      %dma_start3A_2092 = tpu.memref_slice %arg10[%mul3A_2043] : memref<528xf32, #tpu.memory_space<vmem_shared>> -> memref<32xf32, #tpu.memory_space<vmem_shared>>
      tpu.enqueue_dma source(%dma_start3A_2092 : memref<32xf32, #tpu.memory_space<vmem_shared>>) target(%arg12 : memref<32xf32, #tpu.memory_space<vmem>>) target_semaphore(%run_scoped3A : memref<!tpu.dma_semaphore, #tpu.memory_space<semaphore_mem>>)
      %dma_wait3A_2093 = tpu.memref_slice %arg10[%mul3A_2043] : memref<528xf32, #tpu.memory_space<vmem_shared>> -> memref<32xf32, #tpu.memory_space<vmem_shared>>
      %dma_wait3A_2094 = tpu.memref_slice %arg10[%mul3A_2043] : memref<528xf32, #tpu.memory_space<vmem_shared>> -> memref<32xf32, #tpu.memory_space<vmem_shared>>
      tpu.wait_dma2 semaphore(%run_scoped3A : memref<!tpu.dma_semaphore, #tpu.memory_space<semaphore_mem>>) src(%dma_wait3A_2094 : memref<32xf32, #tpu.memory_space<vmem_shared>>) dst(%arg12 : memref<32xf32, #tpu.memory_space<vmem>>)
      tpu.yield
    }) : () -> ()
    "tpu.region"() ({
      %run_scoped3A = tpu.sem_alloc : memref<!tpu.dma_semaphore, #tpu.memory_space<semaphore_mem>>
      %dma_start3A_2091 = tpu.memref_slice %arg11[%mul3A_2043] : memref<528xf32, #tpu.memory_space<vmem_shared>> -> memref<32xf32, #tpu.memory_space<vmem_shared>>
      %dma_start3A_2092 = tpu.memref_slice %arg11[%mul3A_2043] : memref<528xf32, #tpu.memory_space<vmem_shared>> -> memref<32xf32, #tpu.memory_space<vmem_shared>>
      tpu.enqueue_dma source(%dma_start3A_2092 : memref<32xf32, #tpu.memory_space<vmem_shared>>) target(%arg13 : memref<32xf32, #tpu.memory_space<vmem>>) target_semaphore(%run_scoped3A : memref<!tpu.dma_semaphore, #tpu.memory_space<semaphore_mem>>)
      %dma_wait3A_2093 = tpu.memref_slice %arg11[%mul3A_2043] : memref<528xf32, #tpu.memory_space<vmem_shared>> -> memref<32xf32, #tpu.memory_space<vmem_shared>>
      %dma_wait3A_2094 = tpu.memref_slice %arg11[%mul3A_2043] : memref<528xf32, #tpu.memory_space<vmem_shared>> -> memref<32xf32, #tpu.memory_space<vmem_shared>>
      tpu.wait_dma2 semaphore(%run_scoped3A : memref<!tpu.dma_semaphore, #tpu.memory_space<semaphore_mem>>) src(%dma_wait3A_2094 : memref<32xf32, #tpu.memory_space<vmem_shared>>) dst(%arg13 : memref<32xf32, #tpu.memory_space<vmem>>)
      tpu.yield
    }) : () -> ()
    %get3A = arith.constant 0 : index
    %get3A_2044 = tpu.vector_load %arg15[%get3A] {strides = array<i32>} : memref<16xf32, #tpu.memory_space<vmem>>, vector<16xf32>,
    %get3A_2045 = vector.shape_cast %get3A_2044 : vector<16xf32> to vector<16xf32>
    %get3A_2046 = arith.constant 0 : index
    %get3A_2047 = tpu.vector_load %arg12[%get3A_2046] {strides = array<i32>} : memref<32xf32, #tpu.memory_space<vmem>>, vector<16xf32>,
    %get3A_2048 = vector.shape_cast %get3A_2047 : vector<16xf32> to vector<16xf32>
    %get3A_2049 = arith.constant 0 : index
    %get3A_2050 = tpu.vector_load %arg13[%get3A_2049] {strides = array<i32>} : memref<32xf32, #tpu.memory_space<vmem>>, vector<16xf32>,
    %get3A_2051 = vector.shape_cast %get3A_2050 : vector<16xf32> to vector<16xf32>
    %max3A = arith.constant 1.000000e+00 : f32
    %max3A_2052 = vector.broadcast %max3A : f32 to vector<16xf32>
    %max3A_2053 = arith.maximumf %get3A_2051, %max3A_2052 : vector<16xf32>
    %div3A = arith.divf %get3A_2048, %max3A_2053 : vector<16xf32>
    %add3A = arith.addf %div3A, %get3A_2045 : vector<16xf32>
    %neg3A = arith.constant 0.000000e+00 : f32
    %neg3A_2054 = vector.broadcast %neg3A : f32 to vector<16xf32>
    %neg3A_2055 = arith.subf %neg3A_2054, %add3A : vector<16xf32>
    %exp3A = math.exp %neg3A_2055 : vector<16xf32>
    %add3A_2056 = arith.constant 1.000000e+00 : f32
    %add3A_2057 = vector.broadcast %add3A_2056 : f32 to vector<16xf32>
    %add3A_2058 = arith.addf %add3A_2057, %exp3A : vector<16xf32>
    %div3A_2059 = arith.constant 1.000000e+00 : f32
    %div3A_2060 = vector.broadcast %div3A_2059 : f32 to vector<16xf32>
    %div3A_2061 = arith.divf %div3A_2060, %add3A_2058 : vector<16xf32>
    %swap3A_2062 = arith.constant 0 : index
    %swap3A_2063 = tpu.vector_load %arg14[%swap3A_2062] {strides = array<i32>} : memref<32xf32, #tpu.memory_space<vmem>>, vector<16xf32>,
    %swap3A_2064 = vector.shape_cast %swap3A_2063 : vector<16xf32> to vector<16xf32>
    %swap3A_2065 = vector.shape_cast %div3A_2061 : vector<16xf32> to vector<16xf32>
    tpu.vector_store %arg14[%swap3A_2062], %swap3A_2065 {strides = array<i32>} : memref<32xf32, #tpu.memory_space<vmem>>, vector<16xf32>,
    %get3A_2066 = arith.constant 16 : index
    %get3A_2067 = tpu.vector_load %arg12[%get3A_2066] {strides = array<i32>} : memref<32xf32, #tpu.memory_space<vmem>>, vector<16xf32>,
    %get3A_2068 = vector.shape_cast %get3A_2067 : vector<16xf32> to vector<16xf32>
    %get3A_2069 = arith.constant 16 : index
    %get3A_2070 = tpu.vector_load %arg13[%get3A_2069] {strides = array<i32>} : memref<32xf32, #tpu.memory_space<vmem>>, vector<16xf32>,
    %get3A_2071 = vector.shape_cast %get3A_2070 : vector<16xf32> to vector<16xf32>
    %max3A_2072 = arith.constant 1.000000e+00 : f32
    %max3A_2073 = vector.broadcast %max3A_2072 : f32 to vector<16xf32>
    %max3A_2074 = arith.maximumf %get3A_2071, %max3A_2073 : vector<16xf32>
    %div3A_2075 = arith.divf %get3A_2068, %max3A_2074 : vector<16xf32>
    %add3A_2076 = arith.addf %div3A_2075, %get3A_2045 : vector<16xf32>
    %neg3A_2077 = arith.constant 0.000000e+00 : f32
    %neg3A_2078 = vector.broadcast %neg3A_2077 : f32 to vector<16xf32>
    %neg3A_2079 = arith.subf %neg3A_2078, %add3A_2076 : vector<16xf32>
    %exp3A_2080 = math.exp %neg3A_2079 : vector<16xf32>
    %add3A_2081 = arith.constant 1.000000e+00 : f32
    %add3A_2082 = vector.broadcast %add3A_2081 : f32 to vector<16xf32>
    %add3A_2083 = arith.addf %add3A_2082, %exp3A_2080 : vector<16xf32>
    %div3A_2084 = arith.constant 1.000000e+00 : f32
    %div3A_2085 = vector.broadcast %div3A_2084 : f32 to vector<16xf32>
    %div3A_2086 = arith.divf %div3A_2085, %add3A_2083 : vector<16xf32>
    %swap3A_2087 = arith.constant 16 : index
    %swap3A_2088 = tpu.vector_load %arg14[%swap3A_2087] {strides = array<i32>} : memref<32xf32, #tpu.memory_space<vmem>>, vector<16xf32>,
    %swap3A_2089 = vector.shape_cast %swap3A_2088 : vector<16xf32> to vector<16xf32>
    %swap3A_2090 = vector.shape_cast %div3A_2086 : vector<16xf32> to vector<16xf32>
    tpu.vector_store %arg14[%swap3A_2087], %swap3A_2090 {strides = array<i32>} : memref<32xf32, #tpu.memory_space<vmem>>, vector<16xf32>,
    "tpu.region"() ({
      %run_scoped3A = tpu.sem_alloc : memref<!tpu.dma_semaphore, #tpu.memory_space<semaphore_mem>>
      %dma_start3A_2091 = tpu.memref_slice %arg5[%mul3A_2043] : memref<512xf32, #tpu.memory_space<hbm>> -> memref<32xf32, #tpu.memory_space<hbm>>
      %dma_start3A_2092 = tpu.memref_slice %arg5[%mul3A_2043] : memref<512xf32, #tpu.memory_space<hbm>> -> memref<32xf32, #tpu.memory_space<hbm>>
      tpu.enqueue_dma source(%arg14 : memref<32xf32, #tpu.memory_space<vmem>>) target(%dma_start3A_2092 : memref<32xf32, #tpu.memory_space<hbm>>) target_semaphore(%run_scoped3A : memref<!tpu.dma_semaphore, #tpu.memory_space<semaphore_mem>>)
      %dma_wait3A_2093 = tpu.memref_slice %arg5[%mul3A_2043] : memref<512xf32, #tpu.memory_space<hbm>> -> memref<32xf32, #tpu.memory_space<hbm>>
      %dma_wait3A_2094 = tpu.memref_slice %arg5[%mul3A_2043] : memref<512xf32, #tpu.memory_space<hbm>> -> memref<32xf32, #tpu.memory_space<hbm>>
      tpu.wait_dma2 semaphore(%run_scoped3A : memref<!tpu.dma_semaphore, #tpu.memory_space<semaphore_mem>>) src(%arg14 : memref<32xf32, #tpu.memory_space<vmem>>) dst(%dma_wait3A_2094 : memref<32xf32, #tpu.memory_space<hbm>>)
      tpu.yield
    }) : () -> ()
    return
  }
}

module attributes {stable_mosaic.version = 14 : i64} {
  func.func @_matvec_body(%arg0: i32, %arg1: memref<10240x256xf32, #tpu.memory_space<vmem>>, %arg2: memref<256x1xf32, #tpu.memory_space<vmem>>, %arg3: memref<80x128xf32, #tpu.memory_space<vmem>>) attributes {dimension_semantics = [#tpu.dimension_semantics<parallel>], iteration_bounds = array<i64: 5>, scalar_prefetch = 0 : i64, scratch_operands = 0 : i64, tpu.core_type = #tpu.core_type<tc>, window_params = [{transform_indices = @transform_0, window_bounds = array<i64: 10240, 256>}, {pipeline_mode = #tpu.pipeline_mode<synchronous>, transform_indices = @transform_1, window_bounds = array<i64: 256, 1>}, {transform_indices = @transform_2, window_bounds = array<i64: 80, 128>}]} {
    %get3A = arith.constant 0 : index
    %get3A_0 = arith.constant 0 : index
    %get3A_1 = vector.load %arg1[%get3A, %get3A_0] : memref<10240x256xf32, #tpu.memory_space<vmem>>, vector<10240x256xf32>
    %get3A_2 = arith.constant 0 : index
    %get3A_3 = arith.constant 0 : index
    %get3A_4 = vector.load %arg2[%get3A_2, %get3A_3] : memref<256x1xf32, #tpu.memory_space<vmem>>, vector<256x1xf32>
    %dot_general3A = arith.constant dense<0.000000e+00> : vector<10240x1xf32>
    %dot_general3A_5 = tpu.matmul %get3A_1, %get3A_4, %dot_general3A {dimension_numbers = #tpu.dot_dimension_numbers<[1], [0], [0], [1], [0, 0, 1, 1], [], []>, transpose_lhs_hint = false} : vector<10240x256xf32>, vector<256x1xf32>, vector<10240x1xf32> -> vector<10240x1xf32>
    %reshape3A = vector.shape_cast %dot_general3A_5 : vector<10240x1xf32> to vector<80x128xf32>
    %swap3A = arith.constant 0 : index
    %swap3A_6 = arith.constant 0 : index
    %swap3A_7 = vector.load %arg3[%swap3A, %swap3A_6] : memref<80x128xf32, #tpu.memory_space<vmem>>, vector<80x128xf32>
    tpu.vector_store %arg3[%swap3A, %swap3A_6], %reshape3A {strides = array<i32>} : memref<80x128xf32, #tpu.memory_space<vmem>>, vector<80x128xf32>,
    return
  }
  func.func @transform_0(%arg0: i32) -> (i32, i32) {
    %c0_i32 = arith.constant 0 : i32
    %c0_i32_0 = arith.constant 0 : i32
    return %arg0, %c0_i32 : i32, i32
  }
  func.func @transform_1(%arg0: i32) -> (i32, i32) {
    %c0_i32 = arith.constant 0 : i32
    %c0_i32_0 = arith.constant 0 : i32
    %c0_i32_1 = arith.constant 0 : i32
    return %c0_i32, %c0_i32_0 : i32, i32
  }
  func.func @transform_2(%arg0: i32) -> (i32, i32) {
    %c0_i32 = arith.constant 0 : i32
    %c0_i32_0 = arith.constant 0 : i32
    return %arg0, %c0_i32 : i32, i32
  }
}

</mosaic_0001>

<sc_bundles>
// kernel: kernel.4.cloned.1.call-start
scs
__scs_entry_jumppad:
0x0: {  	(pc) =	sbr.rel $0x88, $3  }
0x1: {  	(tag) =	ssettag $0x0;
	lr =	simm.s32 $0x1  }
0x2: {  	[smem:$0x3F9D] =	sst lr;
	_ =	strace $0xD0000000  }
0x3: {  	_ = 	snop  }
0x4: {  	_ = 	snop  }
0x5: {  	_ = 	snop  }
0x6: {  	_ = 	snop  }
0x7: {  	_ = 	snop  }
__scs_overlays_trampoline_lowered:
0x8: {  	[smem:$0x3FAC] =	sst s0  }
0x9: {  	[smem:$0x3FAD] =	sst s1  }
0xa: {  	[smem:$0x3FAE] =	sst s2  }
0xb: {  	[smem:$0x3FAF] =	sst s3  }
0xc: {  	[smem:$0x3FB0] =	sst s4  }
0xd: {  	[smem:$0x3FB1] =	sst s5  }
0xe: {  	[smem:$0x3FB2] =	sst s6  }
0xf: {  	[smem:$0x3FB3] =	sst s7  }
0x10: {  	[smem:$0x3FB4] =	sst s8  }
0x11: {  	[smem:$0x3FB5] =	sst s9;
	s0 =	simm.s32 @!p0 $0x0  }
0x12: {  	s1 =	sld [smem:$0x3F9B];
	s0 =	simm.s32 @p0 $0x1  }
0x13: {  	[smem:$0x3FB6] =	sst s0;
	s0 =	simm.s32 @!p1 $0x0  }
0x14: {  	s2 =	sld [smem:$0x3F9A];
	s0 =	simm.s32 @p1 $0x1  }
0x15: {  	[smem:$0x3FB7] =	sst s0;
	s0 =	simm.s32 @!p2 $0x0  }
0x16: {  	s3 =	sld [smem:$0x3FDB];
	s0 =	simm.s32 @p2 $0x1  }
0x17: {  	s4 =	simm.s32 $0x1BF5;
	[smem:$0x3FB9] =	sst s0  }
0x18: {  	s0 =	sld [smem:$0x3F9C];
	_ =	swait.ge [sflag:s4], $0x0  }
0x19: {  	s7 =	sld [smem:$0x3F9D]  }
0x1a: {  	s8 =	sadd.s32 $0xFFFFE003, lr  }
0x1b: {  	s9 =	sadd.s32 $0xFFFFFEF7, lr;
	s5 =	simm.s32 $0xFFFFFFFF;
	p2 =	slt.u32 s8, $0xFFFFF086  }
0x1c: {  	p1 =	slt.u32 s9, $0xF7A;
	s5 =	simm.s32 @!p2 $0x0  }
0x1d: {  	s5 =	simm.s32 @p1 $0x1;
	p0 =	seq.s32 s7, s2  }
0x1e: {  	s7 =	smul.u32 @!p0 $0xF7A, s2;
	p2 =	seq.s32 @!p0 s5, $0x0  }
0x1f: {  	s9 =	smul.u32 $0xF7A, s1;
	s8 =	simm.s32 @!p0 $0x1BF5;
	p2 =	por !p2, p0  }
0x20: {  	[sflag:s8] =	ssyncset.s32 @!p0 $0xFFFFF086;
	s6 =	sadd.s32 @!p0 s3, s7;
	s7 =	simm.s32 @!p0 $0x108  }
0x21: {  	s3 =	sadd.s32 s3, s9;
	s6 =	sadd.s32 @!p0 $0x88, s6;
	s7 =	simm.s32 @p2 $0x1082  }
0x22: {  	[simem:s7], [sflag:s8] =	dma.local @!p0 [hbm:s6], $0xF7A  }
0x23: {  	s9 =	sor.u32 $0xD0000000, s2;
	s6 =	simm.s32 $0x108;
	_ =	swait.ge @!p0 [sflag:s8], $0x0  }
0x24: {  	s3 =	sadd.s32 $0x88, s3;
	s6 =	simm.s32 @!p1 $0x1082;
	[sflag:s4] =	ssyncset.s32 $0xFFFFF086  }
0x25: {  	[simem:s6], [sflag:s4] =	dma.local [hbm:s3], $0xF7A  }
0x26: {  	[smem:$0x3F9D] =	sst s1;
	(tag) =	ssettag s2;
	_ =	strace s9  }
0x27: {  	s1 =	sld [smem:$0x3FAD]  }
0x28: {  	s2 =	sld [smem:$0x3FAE]  }
0x29: {  	s4 =	sld [smem:$0x3FB0]  }
0x2a: {  	p0 =	seq.s32 s5, $0x0;
	s5 =	sld [smem:$0x3FB1]  }
0x2b: {  	s6 =	sld [smem:$0x3FB2]  }
0x2c: {  	s7 =	sld [smem:$0x3FB3]  }
0x2d: {  	s3 =	simm.s32 $0x108;
	s8 =	sld [smem:$0x3FB4]  }
0x2e: {  	s3 =	simm.s32 @!p0 $0x1082;
	s9 =	sld [smem:$0x3FB5]  }
0x2f: {  	lr =	sadd.s32 s0, s3;
	s0 =	sld [smem:$0x3FAC]  }
0x30: {  	s3 =	sld [smem:$0x3FAF]  }
0x31: {  	[smem:$0x3FB8] =	sst s10  }
0x32: {  	s10 =	sld [smem:$0x3FB6];
	_ =	sdelay $0x3  }
0x33: {  	p0 =	seq.s32 s10, $0x1;
	s10 =	sld [smem:$0x3FB8];
	_ =	sdelay $0x3  }
0x34: {  	[smem:$0x3FB8] =	sst s10  }
0x35: {  	s10 =	sld [smem:$0x3FB7];
	_ =	sdelay $0x3  }
0x36: {  	p1 =	seq.s32 s10, $0x1;
	s10 =	sld [smem:$0x3FB8];
	_ =	sdelay $0x3  }
0x37: {  	[smem:$0x3FB8] =	sst s10  }
0x38: {  	s10 =	sld [smem:$0x3FB9]  }
0x39: {  	_ = 	snop;
	(pc) =	sbr.ind lr, $3  }
0x3a: {  	_ = 	snop  }
0x3b: {  	_ = 	snop  }
0x3c: {  	p2 =	seq.s32 s10, $0x1;
	s10 =	sld [smem:$0x3FB8]  }
0x3d: {  	_ =	shalt  }
0x3e: {  	_ =	shalt  }
0x3f: {  	_ =	shalt  }
0x40: {  	_ =	shalt  }
0x41: {  	_ =	shalt  }
0x42: {  	_ =	shalt  }
0x43: {  	_ =	shalt  }
0x44: {  	_ =	shalt  }
0x45: {  	_ =	shalt  }
0x46: {  	_ =	shalt  }
0x47: {  	_ =	shalt  }
0x48: {  	_ =	shalt  }
0x49: {  	_ =	shalt  }
0x4a: {  	_ =	shalt  }
0x4b: {  	_ =	shalt  }
0x4c: {  	_ =	shalt  }
0x4d: {  	_ =	shalt  }
0x4e: {  	_ =	shalt  }
0x4f: {  	_ =	shalt  }
0x50: {  	_ =	shalt  }
0x51: {  	_ =	shalt  }
0x52: {  	_ =	shalt  }
0x53: {  	_ =	shalt  }
0x54: {  	_ =	shalt  }
0x55: {  	_ =	shalt  }
0x56: {  	_ =	shalt  }
0x57: {  	_ =	shalt  }
0x58: {  	_ =	shalt  }
0x59: {  	_ =	shalt  }
0x5a: {  	_ =	shalt  }
0x5b: {  	_ =	shalt  }
0x5c: {  	_ =	shalt  }
0x5d: {  	_ =	shalt  }
0x5e: {  	_ =	shalt  }
0x5f: {  	_ =	shalt  }
0x60: {  	_ =	shalt  }
0x61: {  	_ =	shalt  }
0x62: {  	_ =	shalt  }
0x63: {  	_ =	shalt  }
0x64: {  	_ =	shalt  }
0x65: {  	_ =	shalt  }
0x66: {  	_ =	shalt  }
0x67: {  	_ =	shalt  }
0x68: {  	_ =	shalt  }
0x69: {  	_ =	shalt  }
0x6a: {  	_ =	shalt  }
0x6b: {  	_ =	shalt  }
0x6c: {  	_ =	shalt  }
0x6d: {  	_ =	shalt  }
0x6e: {  	_ =	shalt  }
0x6f: {  	_ =	shalt  }
0x70: {  	_ =	shalt  }
0x71: {  	_ =	shalt  }
0x72: {  	_ =	shalt  }
0x73: {  	_ =	shalt  }
0x74: {  	_ =	shalt  }
0x75: {  	_ =	shalt  }
0x76: {  	_ =	shalt  }
0x77: {  	_ =	shalt  }
0x78: {  	_ =	shalt  }
0x79: {  	_ =	shalt  }
0x7a: {  	_ =	shalt  }
0x7b: {  	_ =	shalt  }
0x7c: {  	_ =	shalt  }
0x7d: {  	_ =	shalt  }
0x7e: {  	_ =	shalt  }
0x7f: {  	_ =	shalt  }
0x80: {  	_ =	shalt  }
0x81: {  	_ =	shalt  }
0x82: {  	_ =	shalt  }
0x83: {  	_ =	shalt  }
0x84: {  	_ =	shalt  }
0x85: {  	_ =	shalt  }
0x86: {  	_ =	shalt  }
0x87: {  	_ =	shalt  }
.Lfunc_end0:
.L_simem_size_0:
called_computation_lowered:
.L_overlay_start_0:
0x88: {  	s0 =	sld [smem:$0x3FD9]  }
0x89: {  	s1 =	sld [smem:$0x3FFE];
	_ =	sdelay $0x3  }
0x8a: {  	s0 =	sadd.s32 s1, s0  }
0x8b: {  	[smem:$0x3FC4] =	sst s0  }
0x8c: {  	_ = 	snop  }
0x8d: {  	s0 =	sld [smem:$0x3FD0];
	(tm) =	ssettm $0x1  }
0x8e: {  	s16 =	sld [smem:$0x3FFB];
	_ =	sdelay $0x3  }
0x8f: {  	_ =	strace s16  }
0x90: {  	s1 =	sld [smem:$0x3FFC];
	_ =	sdelay $0x3  }
0x91: {  	_ =	strace s1  }
0x92: {  	s1 =	sld [smem:$0x3FFD];
	_ =	sdelay $0x3  }
0x93: {  	_ =	strace s1  }
0x94: {  	_ =	strace $0x8FFFFFFF  }
0x95: {  	s17 =	sld [smem:$0x3FDB];
	_ =	sdelay $0x1  }
0x96: {  	s2 =	simm.s32 $_scs_section_size  }
0x97: {  	s3 =	simm.s32 $_size__tile_overlayer_lowered;
	s4 =	simm.s32 $_tile_overlayer_lowered  }
0x98: {  	s20 =	simm.s32 $0x1BFF;
	s19 =	sshll.u32 s4, $0x1;
	s1 =	sadd.s32 s2, s17  }
0x99: {  	s5 =	simm.s32 $0x0;
	s18 =	sshll.u32 s3, $0x1;
	s3 =	sadd.s32 s19, s1  }
0x9a: {  	[timem:s5], [sflag:s20] =	dma.local [hbm:s3], s18  }
0x9b: {  	_ =	swait.ge [sflag:s20], s18  }
0x9c: {  	s2 =	ssub.s32 $0x0, s18;
	[sflag:s20] =	ssyncset.done $0x0  }
0x9d: {  	[sflag:s20] =	ssyncadd.s32 s2;
	_ =	sdelay $0x1  }
0x9e: {  	s21 =	simm.s32 $0x1B8B  }
0x9f: {  	_ =	swait.ge [sflag:s21], $0x1  }
0xa0: {  	[sflag:s21] =	ssyncset.done $0x0  }
0xa1: {  	s23 =	simm.s32 $0x1B8E;
	s22 =	sld [smem:$0x3FFE];
	[sflag:s21] =	ssyncadd.s32 $0xFFFFFFFF  }
0xa2: {  	s24 =	simm.s32 $execute0_lowered;
	[smem:$0x3FD2] =	sst s23  }
0xa3: {  	s3 =	sshll.u32 s24, $0x1;
	_ =	strace $0x80000046;
	[dreg:$0x1] =	wrdreg $0xFFFFFFFF  }
0xa4: {  	s25 =	simm.s32 $_size_execute0_lowered;
	s1 =	sadd.s32 s1, s3;
	[dreg:$0x0] =	wrdreg $0x0  }
0xa5: {  	s3 =	sshll.u32 s25, $0x1;
	[dreg:$0x2] =	wrdreg s1  }
0xa6: {  	[dreg:$0x3] =	wrdreg s3  }
0xa7: {  	[dreg:$0x4] =	wrdreg $0xC0  }
0xa8: {  	_ =	task [dreg:s5], $0x5FFFF  }
0xa9: {  	[dreg:$0x1] =	wrdreg $0xFFFFFFFF  }
0xaa: {  	[dreg:$0x0] =	wrdreg $0x60  }
0xab: {  	[dreg:$0x2] =	wrdreg s22  }
0xac: {  	[dreg:$0x3] =	wrdreg s0  }
0xad: {  	[dreg:$0x4] =	wrdreg $0x34800  }
0xae: {  	[dreg:$0x5] =	wrdreg $0x34A80  }
0xaf: {  	[dreg:$0x6] =	wrdreg $0x9  }
0xb0: {  	_ =	task.clear_ibuf [dreg:s5], $0x7FFFF;
	_ =	strace $0x90000046  }
0xb1: {  	s26 =	simm.s32 $0x9;
	_ =	strace $0x80000048  }
0xb2: {  	_ =	swait.ge [sflag:s26], $0x1  }
0xb3: {  	[sflag:s26] =	ssyncadd.s32 $0xFFFFFFFF  }
0xb4: {  	_ =	strace $0x90000048  }
0xb5: {  	_ =	sfence  }
0xb6: {  	s28 =	sld [smem:$0x0];
	_ =	sdelay $0x1  }
0xb7: {  	s29 =	srdreg.scid  }
0xb8: {  	s30 =	sshll.u32 s29, $0xD;
	s31 =	sshrl.u32 s29, $0x2  }
0xb9: {  	s2 =	sand.u32 $0x4000, s30;
	s1 =	sand.u32 $0x1, s29;
	s0 =	sadd.s32 s31, s28  }
0xba: {  	s1 =	sor.u32 s2, s1;
	s0 =	sshll.u32 s0, $0x11  }
0xbb: {  	s0 =	sor.u32 s0, s1  }
0xbc: {  	s0 =	sadd.s32 $0x8F2B, s0  }
0xbd: {  	[sflag:s0] =	ssyncadd.remote.s32 $0x1  }
0xbe: {  	_ =	sfence.sel $0xFFFF  }
0xbf: {  	[dreg:$0x0] =	wrdreg $0xFFFFFFFF;
	(pc) =	sbr.abs _section_cstart, $3  }
0xc0: {  	[dreg:$0x1] =	wrdreg $0xFFFFFFFF  }
0xc1: {  	_ =	task.clear_ibuf [dreg:s5], $0x2FFFF;
	_ =	strace $0x9FFFFFFF  }
0xc2: {  	(tm) =	ssettm $0x7FFFFFFF  }
0xc3: {  	_ =	shalt  }
tec
execute0_lowered:
.L_overlay_start_1:
0x0: {  	(tag) =	ssettag $0x1  }
0x1: {  	s5 =	rddreg [dreg:$0x0]  }
0x2: {  	s4 =	rddreg [dreg:$0x1]  }
0x3: {  	s3 =	rddreg [dreg:$0x2];
	s1 =	stileid.u32  }
0x4: {  	s2 =	rddreg [dreg:$0x3];
	s6 =	simm.s32 $0x0;
	s7 =	sshll.u32 s1, $0x9  }
0x5: {  	[smem:$0x7FF] =	sst s6;
	s7 =	sadd.s32 s7, s5  }
0x6: {  	s0 =	rddreg [dreg:$0x4];
	_ =	strace $0x80000047;
	s8 =	sadd.s32 $0x2600, s7  }
0x7: {  	[tilespmem:s6], [sflag:$0x1] =	stream.linear.gather [hbm4b:s8+s6], $0xC80, $0x38;
	[tilespmem:$0x36D0] =	vst v63  }
0x8: {  	s30 =	simm.s32 $0x1000;
	s7 =	sadd.s32 $0x600, s7  }
0x9: {  	[tilespmem:s30], [sflag:$0x2] =	stream.linear.gather [hbm4b:s7+s6], $0xC80, $0x38;
	[tilespmem:$0x36D0] =	vst v63  }
0xa: {  	s31 =	simm.s32 $0x3650;
	s5 =	sadd.s32 $0x4600, s5  }
0xb: {  	v0 =	vimm.f32 $1.000000000e+00;
	[tilespmem:s31], [sflag:$0x1] =	stream.linear.gather [hbm4b:s5+s6], $0x80, $0x38;
	[tilespmem:$0x36D0] =	vst v63  }
0xc: {  	[tilespmem:$0x2000] =	vst v0  }
0xd: {  	[tilespmem:$0x2010] =	vst v0  }
0xe: {  	[tilespmem:$0x2020] =	vst v0  }
0xf: {  	[tilespmem:$0x2030] =	vst v0  }
0x10: {  	[tilespmem:$0x2040] =	vst v0  }
0x11: {  	[tilespmem:$0x2050] =	vst v0  }
0x12: {  	[tilespmem:$0x2060] =	vst v0  }
0x13: {  	[tilespmem:$0x2070] =	vst v0  }
0x14: {  	[tilespmem:$0x2080] =	vst v0  }
0x15: {  	[tilespmem:$0x2090] =	vst v0  }
0x16: {  	[tilespmem:$0x20A0] =	vst v0  }
0x17: {  	[tilespmem:$0x20B0] =	vst v0  }
0x18: {  	[tilespmem:$0x20C0] =	vst v0  }
0x19: {  	[tilespmem:$0x20D0] =	vst v0  }
0x1a: {  	[tilespmem:$0x20E0] =	vst v0  }
0x1b: {  	[tilespmem:$0x20F0] =	vst v0  }
0x1c: {  	[tilespmem:$0x2100] =	vst v0  }
0x1d: {  	[tilespmem:$0x2110] =	vst v0  }
0x1e: {  	[tilespmem:$0x2120] =	vst v0  }
0x1f: {  	[tilespmem:$0x2130] =	vst v0  }
0x20: {  	[tilespmem:$0x2140] =	vst v0  }
0x21: {  	[tilespmem:$0x2150] =	vst v0  }
0x22: {  	[tilespmem:$0x2160] =	vst v0  }
0x23: {  	[tilespmem:$0x2170] =	vst v0  }
0x24: {  	[tilespmem:$0x2180] =	vst v0  }
0x25: {  	[tilespmem:$0x2190] =	vst v0  }
0x26: {  	[tilespmem:$0x21A0] =	vst v0  }
0x27: {  	[tilespmem:$0x21B0] =	vst v0  }
0x28: {  	[tilespmem:$0x21C0] =	vst v0  }
0x29: {  	[tilespmem:$0x21D0] =	vst v0  }
0x2a: {  	[tilespmem:$0x21E0] =	vst v0  }
0x2b: {  	[tilespmem:$0x21F0] =	vst v0  }
0x2c: {  	[tilespmem:$0x2200] =	vst v0  }
0x2d: {  	[tilespmem:$0x2210] =	vst v0  }
0x2e: {  	[tilespmem:$0x2220] =	vst v0  }
0x2f: {  	[tilespmem:$0x2230] =	vst v0  }
0x30: {  	[tilespmem:$0x2240] =	vst v0  }
0x31: {  	[tilespmem:$0x2250] =	vst v0  }
0x32: {  	[tilespmem:$0x2260] =	vst v0  }
0x33: {  	[tilespmem:$0x2270] =	vst v0  }
0x34: {  	[tilespmem:$0x2280] =	vst v0  }
0x35: {  	[tilespmem:$0x2290] =	vst v0  }
0x36: {  	[tilespmem:$0x22A0] =	vst v0  }
0x37: {  	[tilespmem:$0x22B0] =	vst v0  }
0x38: {  	[tilespmem:$0x22C0] =	vst v0  }
0x39: {  	[tilespmem:$0x22D0] =	vst v0  }
0x3a: {  	[tilespmem:$0x22E0] =	vst v0  }
0x3b: {  	[tilespmem:$0x22F0] =	vst v0  }
0x3c: {  	[tilespmem:$0x2300] =	vst v0  }
0x3d: {  	[tilespmem:$0x2310] =	vst v0  }
0x3e: {  	[tilespmem:$0x2320] =	vst v0  }
0x3f: {  	[tilespmem:$0x2330] =	vst v0  }
0x40: {  	[tilespmem:$0x2340] =	vst v0  }
0x41: {  	[tilespmem:$0x2350] =	vst v0  }
0x42: {  	[tilespmem:$0x2360] =	vst v0  }
0x43: {  	[tilespmem:$0x2370] =	vst v0  }
0x44: {  	[tilespmem:$0x2380] =	vst v0  }
0x45: {  	[tilespmem:$0x2390] =	vst v0  }
0x46: {  	[tilespmem:$0x23A0] =	vst v0  }
0x47: {  	[tilespmem:$0x23B0] =	vst v0  }
0x48: {  	[tilespmem:$0x23C0] =	vst v0  }
0x49: {  	[tilespmem:$0x23D0] =	vst v0  }
0x4a: {  	[tilespmem:$0x23E0] =	vst v0  }
0x4b: {  	[tilespmem:$0x23F0] =	vst v0  }
0x4c: {  	[tilespmem:$0x2400] =	vst v0  }
0x4d: {  	[tilespmem:$0x2410] =	vst v0  }
0x4e: {  	[tilespmem:$0x2420] =	vst v0  }
0x4f: {  	[tilespmem:$0x2430] =	vst v0  }
0x50: {  	[tilespmem:$0x2440] =	vst v0  }
0x51: {  	[tilespmem:$0x2450] =	vst v0  }
0x52: {  	[tilespmem:$0x2460] =	vst v0  }
0x53: {  	[tilespmem:$0x2470] =	vst v0  }
0x54: {  	[tilespmem:$0x2480] =	vst v0  }
0x55: {  	[tilespmem:$0x2490] =	vst v0  }
0x56: {  	[tilespmem:$0x24A0] =	vst v0  }
0x57: {  	[tilespmem:$0x24B0] =	vst v0  }
0x58: {  	[tilespmem:$0x24C0] =	vst v0  }
0x59: {  	[tilespmem:$0x24D0] =	vst v0  }
0x5a: {  	[tilespmem:$0x24E0] =	vst v0  }
0x5b: {  	[tilespmem:$0x24F0] =	vst v0  }
0x5c: {  	[tilespmem:$0x2500] =	vst v0  }
0x5d: {  	[tilespmem:$0x2510] =	vst v0  }
0x5e: {  	[tilespmem:$0x2520] =	vst v0  }
0x5f: {  	[tilespmem:$0x2530] =	vst v0  }
0x60: {  	[tilespmem:$0x2540] =	vst v0  }
0x61: {  	[tilespmem:$0x2550] =	vst v0  }
0x62: {  	[tilespmem:$0x2560] =	vst v0  }
0x63: {  	[tilespmem:$0x2570] =	vst v0  }
0x64: {  	[tilespmem:$0x2580] =	vst v0  }
0x65: {  	[tilespmem:$0x2590] =	vst v0  }
0x66: {  	[tilespmem:$0x25A0] =	vst v0  }
0x67: {  	[tilespmem:$0x25B0] =	vst v0  }
0x68: {  	[tilespmem:$0x25C0] =	vst v0  }
0x69: {  	[tilespmem:$0x25D0] =	vst v0  }
0x6a: {  	[tilespmem:$0x25E0] =	vst v0  }
0x6b: {  	[tilespmem:$0x25F0] =	vst v0  }
0x6c: {  	[tilespmem:$0x2600] =	vst v0  }
0x6d: {  	[tilespmem:$0x2610] =	vst v0  }
0x6e: {  	[tilespmem:$0x2620] =	vst v0  }
0x6f: {  	[tilespmem:$0x2630] =	vst v0  }
0x70: {  	[tilespmem:$0x2640] =	vst v0  }
0x71: {  	[tilespmem:$0x2650] =	vst v0  }
0x72: {  	[tilespmem:$0x2660] =	vst v0  }
0x73: {  	[tilespmem:$0x2670] =	vst v0  }
0x74: {  	[tilespmem:$0x2680] =	vst v0  }
0x75: {  	[tilespmem:$0x2690] =	vst v0  }
0x76: {  	[tilespmem:$0x26A0] =	vst v0  }
0x77: {  	[tilespmem:$0x26B0] =	vst v0  }
0x78: {  	[tilespmem:$0x26C0] =	vst v0  }
0x79: {  	[tilespmem:$0x26D0] =	vst v0  }
0x7a: {  	[tilespmem:$0x26E0] =	vst v0  }
0x7b: {  	[tilespmem:$0x26F0] =	vst v0  }
0x7c: {  	[tilespmem:$0x2700] =	vst v0  }
0x7d: {  	[tilespmem:$0x2710] =	vst v0  }
0x7e: {  	[tilespmem:$0x2720] =	vst v0  }
0x7f: {  	[tilespmem:$0x2730] =	vst v0  }
0x80: {  	[tilespmem:$0x2740] =	vst v0  }
0x81: {  	[tilespmem:$0x2750] =	vst v0  }
0x82: {  	[tilespmem:$0x2760] =	vst v0  }
0x83: {  	[tilespmem:$0x2770] =	vst v0  }
0x84: {  	[tilespmem:$0x2780] =	vst v0  }
0x85: {  	[tilespmem:$0x2790] =	vst v0  }
0x86: {  	[tilespmem:$0x27A0] =	vst v0  }
0x87: {  	[tilespmem:$0x27B0] =	vst v0  }
0x88: {  	[tilespmem:$0x27C0] =	vst v0  }
0x89: {  	[tilespmem:$0x27D0] =	vst v0  }
0x8a: {  	[tilespmem:$0x27E0] =	vst v0  }
0x8b: {  	[tilespmem:$0x27F0] =	vst v0  }
0x8c: {  	[tilespmem:$0x2800] =	vst v0  }
0x8d: {  	[tilespmem:$0x2810] =	vst v0  }
0x8e: {  	[tilespmem:$0x2820] =	vst v0  }
0x8f: {  	[tilespmem:$0x2830] =	vst v0  }
0x90: {  	[tilespmem:$0x2840] =	vst v0  }
0x91: {  	[tilespmem:$0x2850] =	vst v0  }
0x92: {  	[tilespmem:$0x2860] =	vst v0  }
0x93: {  	[tilespmem:$0x2870] =	vst v0  }
0x94: {  	[tilespmem:$0x2880] =	vst v0  }
0x95: {  	[tilespmem:$0x2890] =	vst v0  }
0x96: {  	[tilespmem:$0x28A0] =	vst v0  }
0x97: {  	[tilespmem:$0x28B0] =	vst v0  }
0x98: {  	[tilespmem:$0x28C0] =	vst v0  }
0x99: {  	[tilespmem:$0x28D0] =	vst v0  }
0x9a: {  	[tilespmem:$0x28E0] =	vst v0  }
0x9b: {  	[tilespmem:$0x28F0] =	vst v0  }
0x9c: {  	[tilespmem:$0x2900] =	vst v0  }
0x9d: {  	[tilespmem:$0x2910] =	vst v0  }
0x9e: {  	[tilespmem:$0x2920] =	vst v0  }
0x9f: {  	[tilespmem:$0x2930] =	vst v0  }
0xa0: {  	[tilespmem:$0x2940] =	vst v0  }
0xa1: {  	[tilespmem:$0x2950] =	vst v0  }
0xa2: {  	[tilespmem:$0x2960] =	vst v0  }
0xa3: {  	[tilespmem:$0x2970] =	vst v0  }
0xa4: {  	[tilespmem:$0x2980] =	vst v0  }
0xa5: {  	[tilespmem:$0x2990] =	vst v0  }
0xa6: {  	[tilespmem:$0x29A0] =	vst v0  }
0xa7: {  	[tilespmem:$0x29B0] =	vst v0  }
0xa8: {  	[tilespmem:$0x29C0] =	vst v0  }
0xa9: {  	[tilespmem:$0x29D0] =	vst v0  }
0xaa: {  	[tilespmem:$0x29E0] =	vst v0  }
0xab: {  	[tilespmem:$0x29F0] =	vst v0  }
0xac: {  	[tilespmem:$0x2A00] =	vst v0  }
0xad: {  	[tilespmem:$0x2A10] =	vst v0  }
0xae: {  	[tilespmem:$0x2A20] =	vst v0  }
0xaf: {  	[tilespmem:$0x2A30] =	vst v0  }
0xb0: {  	[tilespmem:$0x2A40] =	vst v0  }
0xb1: {  	[tilespmem:$0x2A50] =	vst v0  }
0xb2: {  	[tilespmem:$0x2A60] =	vst v0  }
0xb3: {  	[tilespmem:$0x2A70] =	vst v0  }
0xb4: {  	[tilespmem:$0x2A80] =	vst v0  }
0xb5: {  	[tilespmem:$0x2A90] =	vst v0  }
0xb6: {  	[tilespmem:$0x2AA0] =	vst v0  }
0xb7: {  	[tilespmem:$0x2AB0] =	vst v0  }
0xb8: {  	[tilespmem:$0x2AC0] =	vst v0  }
0xb9: {  	[tilespmem:$0x2AD0] =	vst v0  }
0xba: {  	[tilespmem:$0x2AE0] =	vst v0  }
0xbb: {  	[tilespmem:$0x2AF0] =	vst v0  }
0xbc: {  	[tilespmem:$0x2B00] =	vst v0  }
0xbd: {  	[tilespmem:$0x2B10] =	vst v0  }
0xbe: {  	[tilespmem:$0x2B20] =	vst v0  }
0xbf: {  	[tilespmem:$0x2B30] =	vst v0  }
0xc0: {  	[tilespmem:$0x2B40] =	vst v0  }
0xc1: {  	[tilespmem:$0x2B50] =	vst v0  }
0xc2: {  	[tilespmem:$0x2B60] =	vst v0  }
0xc3: {  	[tilespmem:$0x2B70] =	vst v0  }
0xc4: {  	[tilespmem:$0x2B80] =	vst v0  }
0xc5: {  	[tilespmem:$0x2B90] =	vst v0  }
0xc6: {  	[tilespmem:$0x2BA0] =	vst v0  }
0xc7: {  	[tilespmem:$0x2BB0] =	vst v0  }
0xc8: {  	[tilespmem:$0x2BC0] =	vst v0  }
0xc9: {  	[tilespmem:$0x2BD0] =	vst v0  }
0xca: {  	[tilespmem:$0x2BE0] =	vst v0  }
0xcb: {  	[tilespmem:$0x2BF0] =	vst v0  }
0xcc: {  	[tilespmem:$0x2C00] =	vst v0  }
0xcd: {  	[tilespmem:$0x2C10] =	vst v0  }
0xce: {  	[tilespmem:$0x2C20] =	vst v0  }
0xcf: {  	[tilespmem:$0x2C30] =	vst v0  }
0xd0: {  	[tilespmem:$0x2C40] =	vst v0  }
0xd1: {  	[tilespmem:$0x2C50] =	vst v0  }
0xd2: {  	[tilespmem:$0x2C60] =	vst v0  }
0xd3: {  	v63 =	vimm.f32 $0.0e+00;
	[tilespmem:$0x2C70] =	vst v0  }
0xd4: {  	[tilespmem:$0x3000] =	vst v63  }
0xd5: {  	[tilespmem:$0x3010] =	vst v63  }
0xd6: {  	[tilespmem:$0x3020] =	vst v63  }
0xd7: {  	[tilespmem:$0x3030] =	vst v63  }
0xd8: {  	[tilespmem:$0x3040] =	vst v63  }
0xd9: {  	[tilespmem:$0x3050] =	vst v63  }
0xda: {  	[tilespmem:$0x3060] =	vst v63  }
0xdb: {  	[tilespmem:$0x3070] =	vst v63  }
0xdc: {  	[tilespmem:$0x3080] =	vst v63  }
0xdd: {  	[tilespmem:$0x3090] =	vst v63  }
0xde: {  	[tilespmem:$0x30A0] =	vst v63  }
0xdf: {  	[tilespmem:$0x30B0] =	vst v63  }
0xe0: {  	[tilespmem:$0x30C0] =	vst v63  }
0xe1: {  	[tilespmem:$0x30D0] =	vst v63  }
0xe2: {  	[tilespmem:$0x30E0] =	vst v63  }
0xe3: {  	[tilespmem:$0x30F0] =	vst v63  }
0xe4: {  	[tilespmem:$0x3100] =	vst v63  }
0xe5: {  	[tilespmem:$0x3110] =	vst v63  }
0xe6: {  	[tilespmem:$0x3120] =	vst v63  }
0xe7: {  	[tilespmem:$0x3130] =	vst v63  }
0xe8: {  	[tilespmem:$0x3140] =	vst v63  }
0xe9: {  	[tilespmem:$0x3150] =	vst v63  }
0xea: {  	[tilespmem:$0x3160] =	vst v63  }
0xeb: {  	[tilespmem:$0x3170] =	vst v63  }
0xec: {  	[tilespmem:$0x3180] =	vst v63  }
0xed: {  	[tilespmem:$0x3190] =	vst v63  }
0xee: {  	[tilespmem:$0x31A0] =	vst v63  }
0xef: {  	[tilespmem:$0x31B0] =	vst v63  }
0xf0: {  	[tilespmem:$0x31C0] =	vst v63  }
0xf1: {  	[tilespmem:$0x31D0] =	vst v63  }
0xf2: {  	[tilespmem:$0x31E0] =	vst v63  }
0xf3: {  	[tilespmem:$0x31F0] =	vst v63  }
0xf4: {  	[tilespmem:$0x3200] =	vst v63  }
0xf5: {  	[tilespmem:$0x3210] =	vst v63  }
0xf6: {  	[tilespmem:$0x3220] =	vst v63  }
0xf7: {  	[tilespmem:$0x3230] =	vst v63  }
0xf8: {  	[tilespmem:$0x3240] =	vst v63  }
0xf9: {  	[tilespmem:$0x3250] =	vst v63  }
0xfa: {  	[tilespmem:$0x3260] =	vst v63  }
0xfb: {  	[tilespmem:$0x3270] =	vst v63  }
0xfc: {  	[tilespmem:$0x3280] =	vst v63  }
0xfd: {  	[tilespmem:$0x3290] =	vst v63  }
0xfe: {  	[tilespmem:$0x32A0] =	vst v63  }
0xff: {  	[tilespmem:$0x32B0] =	vst v63  }
0x100: {  	[tilespmem:$0x32C0] =	vst v63  }
0x101: {  	[tilespmem:$0x32D0] =	vst v63  }
0x102: {  	[tilespmem:$0x32E0] =	vst v63  }
0x103: {  	[tilespmem:$0x32F0] =	vst v63  }
0x104: {  	[tilespmem:$0x3300] =	vst v63  }
0x105: {  	[tilespmem:$0x3310] =	vst v63  }
0x106: {  	[tilespmem:$0x3320] =	vst v63  }
0x107: {  	[tilespmem:$0x3330] =	vst v63  }
0x108: {  	[tilespmem:$0x3340] =	vst v63  }
0x109: {  	[tilespmem:$0x3350] =	vst v63  }
0x10a: {  	[tilespmem:$0x33A0] =	vst v63  }
0x10b: {  	[tilespmem:$0x33F0] =	vst v63  }
0x10c: {  	[tilespmem:$0x33B0] =	vst v63  }
0x10d: {  	[tilespmem:$0x33C0] =	vst v63  }
0x10e: {  	[tilespmem:$0x33D0] =	vst v63  }
0x10f: {  	[tilespmem:$0x33E0] =	vst v63  }
0x110: {  	p0 =	seq.s32 s1, $0x1;
	[tilespmem:$0x3360] =	vst v63  }
.Ltmp0:
0x111: {  	[tilespmem:$0x3390] =	vst v63;
	(pc) =	sbr.rel @p0 .LBB2_3-.Ltmp0, $4  }
0x112: {  	[tilespmem:$0x3400] =	vst v63  }
0x113: {  	[tilespmem:$0x3410] =	vst v63  }
0x114: {  	[tilespmem:$0x3380] =	vst v63  }
0x115: {  	s7 =	sshll.u32 s1, $0x2;
	s5 =	sshll.u32 s1, $0x5;
	[tilespmem:$0x3370] =	vst v63  }
0x116: {  	p0 =	sne.s32 s1, $0x0  }
.Ltmp1:
0x117: {  	_ = 	snop;
	(pc) =	sbr.rel @p0 .LBB2_5-.Ltmp1, $1  }
0x118: {  	_ =	sdelay $0x3  }
.Ltmp2:
0x119: {  	(pc) =	sbr.rel .LBB2_4-.Ltmp2, $3  }
0x11a: {  	_ =	sdelay $0x1  }
0x11b: {  	s6 =	simm.s32 $0x3000  }
0x11c: {  	[spmem:s3] =	stream.linear.scatter [tilespmem:s6], [sflag:$0x3], $0x210, $0x38;
	[tilespmem:$0x36D0] =	vst v63  }
.LBB2_3:
0x11d: {  	s6 =	simm.s32 $0x3210  }
0x11e: {  	[spmem:s2] =	stream.linear.scatter [tilespmem:s6], [sflag:$0x3], $0x210, $0x38;
	[tilespmem:$0x36D0] =	vst v63  }
.LBB2_4:
0x11f: {  	s6 =	simm.s32 $0x3  }
0x120: {  	_ =	swait.ge [sflag:s6], $0x210  }
0x121: {  	[sflag:s6] =	ssyncset.done $0x0  }
0x122: {  	[sflag:s6] =	ssyncadd.s32 $0xFFFFFDF0  }
.LBB2_5:
0x123: {  	s6 =	simm.s32 $0x1  }
0x124: {  	_ =	swait.ge [sflag:s6], $0xC80  }
0x125: {  	[sflag:s6] =	ssyncset.done $0x0  }
0x126: {  	s8 =	simm.s32 $0x2;
	[sflag:s6] =	ssyncadd.s32 $0xFFFFF380  }
0x127: {  	_ =	swait.ge [sflag:s8], $0xC80  }
0x128: {  	[sflag:s8] =	ssyncset.done $0x0  }
0x129: {  	[sflag:s8] =	ssyncadd.s32 $0xFFFFF380  }
0x12a: {  	s9 =	simm.s32 $0x0;
	s31 =	simm.s32 $0x1000;
	_ =	swait.ge [sflag:s6], $0x80  }
0x12b: {  	s4 =	sadd.s32 s4, s7;
	s7 =	simm.s32 $0x200;
	[sflag:s6] =	ssyncset.done $0x0  }
0x12c: {  	s10 =	simm.s32 $0x2000;
	s8 =	simm.s32 $0x80;
	[sflag:s6] =	ssyncadd.s32 $0xFFFFFF80  }
0x12d: {  	s6 =	sadd.s32 s5, s3;
	s5 =	sadd.s32 s5, s2;
	[bflag:$0x0] =	sbarrier.arrive $0xFFFF  }
0x12e: {  	[spmem:s3] =	stream.indirect.scatter.add.f32 [tilespmem:s31], [sflag:$0x1], $0x1, s9, s8, $0xb8;
	[tilespmem:$0x36D0] =	vst v63  }
.LBB2_6:
0x12f: {  	[spmem:s2] =	stream.indirect.scatter.add.f32 [tilespmem:s10], [sflag:$0x2], $0x1, s9, s8, $0xb8;
	[tilespmem:$0x36D0] =	vst v63  }
0x130: {  	s9 =	smov.u32 s7;
	p0 =	sne.s32 s7, $0x3000  }
.Ltmp3:
0x131: {  	s7 =	sadd.s32 $0x200, s7;
	(pc) =	sbr.rel @p0 .LBB2_6-.Ltmp3, $4  }
0x132: {  	s9 =	sshra.s32 s9, $0x2  }
0x133: {  	s10 =	sadd.s32 $0x1000, s9  }
0x134: {  	[spmem:s3] =	stream.indirect.scatter.add.f32 [tilespmem:s10], [sflag:$0x1], $0x1, s9, s8, $0xb8;
	[tilespmem:$0x36D0] =	vst v63  }
0x135: {  	s10 =	sadd.s32 $0x2000, s9  }
0x136: {  	[spmem:s2] =	stream.indirect.scatter.add.f32 [tilespmem:s10], [sflag:$0x2], $0x1, s9, s8, $0xb8;
	[tilespmem:$0x36D0] =	vst v63  }
0x137: {  	s2 =	simm.s32 $0x1  }
0x138: {  	_ =	swait.ge [sflag:s2], $0x80  }
0x139: {  	[sflag:s2] =	ssyncset.done $0x0  }
0x13a: {  	s3 =	simm.s32 $0x2;
	[sflag:s2] =	ssyncadd.s32 $0xFFFFFF80  }
0x13b: {  	_ =	swait.ge [sflag:s3], $0x80  }
0x13c: {  	s7 =	simm.s32 $0x18;
	[sflag:s3] =	ssyncset.done $0x0  }
.LBB2_8:
0x13d: {  	p0 =	sne.s32 s7, $0x1;
	s7 =	sadd.s32 $0xFFFFFFFF, s7;
	[sflag:s3] =	ssyncadd.s32 $0xFFFFFF80  }
.Ltmp4:
0x13e: {  	_ =	swait.ge [sflag:s2], $0x80;
	(pc) =	sbr.rel @p0 .LBB2_8-.Ltmp4, $4  }
0x13f: {  	[sflag:s2] =	ssyncset.done $0x0  }
0x140: {  	[sflag:s2] =	ssyncadd.s32 $0xFFFFFF80  }
0x141: {  	_ =	swait.ge [sflag:s3], $0x80  }
0x142: {  	[sflag:s3] =	ssyncset.done $0x0  }
0x143: {  	[sflag:s3] =	ssyncadd.s32 $0xFFFFFF80  }
0x144: {  	s2 =	simm.s32 $0x34D0;
	s28 =	simm.s32 $0x3;
	[bflag:$0x0] =	sbarrier.arrive $0xFFFF  }
0x145: {  	[tilespmem:s2], [sflag:$0x3] =	stream.linear.gather [spmem:s6], $0x20, $0x38;
	[tilespmem:$0x36D0] =	vst v63  }
0x146: {  	_ =	swait.ge [sflag:s28], $0x20  }
0x147: {  	[sflag:s28] =	ssyncset.done $0x0  }
0x148: {  	s29 =	simm.s32 $0x3550;
	[sflag:s28] =	ssyncadd.s32 $0xFFFFFFE0  }
0x149: {  	[tilespmem:s29], [sflag:$0x3] =	stream.linear.gather [spmem:s5], $0x20, $0x38;
	[tilespmem:$0x36D0] =	vst v63  }
0x14a: {  	_ =	swait.ge [sflag:s28], $0x20  }
0x14b: {  	[sflag:s28] =	ssyncset.done $0x0  }
0x14c: {  	[sflag:s28] =	ssyncadd.s32 $0xFFFFFFE0  }
0x14d: {  	v0 =	vld [tilespmem:$0x3550];
	_ =	sdelay $0x4  }
0x14e: {  	v0 =	vmax.f32 v0, $1.000000000e+00  }
0x14f: {  	(erf) = vrcp.f32 v0;
	_ =	sdelay $0x4  }
0x150: {  	v60 =	vld [tilespmem:$0x34D0];
	_ =	sdelay $0x1  }
0x151: {  	v1 =	vld [tilespmem:$0x3650];
	_ =	sdelay $0x1  }
0x152: {  	v2 =	vpop (erf)  }
0x153: {  	v0 =	vmul.f32 v2, v60;
	_ =	sdelay $0x1  }
0x154: {  	v0 =	vadd.f32 v0, v1;
	_ =	sdelay $0x1  }
0x155: {  	v0 =	vsub.f32 $0.0e+00, v0;
	_ =	sdelay $0x1  }
0x156: {  	v0 =	vmul.f32 $1.442695020e+00, v0;
	_ =	sdelay $0x1  }
0x157: {  	(erf) = vpow2.f32 v0;
	_ =	sdelay $0x6  }
0x158: {  	v61 =	vld [tilespmem:$0x3560];
	_ =	sdelay $0x1  }
0x159: {  	v62 =	vpop (erf)  }
0x15a: {  	v2 =	vadd.f32 $1.000000000e+00, v62;
	_ =	sdelay $0x1  }
0x15b: {  	v0 =	vmax.f32 v61, $1.000000000e+00;
	(erf) = vrcp.f32 v2  }
0x15c: {  	(erf) = vrcp.f32 v0;
	_ =	sdelay $0x4  }
0x15d: {  	v63 =	vld [tilespmem:$0x34E0];
	_ =	sdelay $0x2  }
0x15e: {  	v2 =	vpop (erf)  }
0x15f: {  	v3 =	vpop (erf)  }
0x160: {  	v0 =	vmul.f32 v3, v63;
	_ =	sdelay $0x1  }
0x161: {  	v0 =	vadd.f32 v0, v1;
	_ =	sdelay $0x1  }
0x162: {  	v0 =	vsub.f32 $0.0e+00, v0;
	_ =	sdelay $0x1  }
0x163: {  	v0 =	vmul.f32 $1.442695020e+00, v0;
	_ =	sdelay $0x1  }
0x164: {  	(erf) = vpow2.f32 v0;
	_ =	sdelay $0x8  }
0x165: {  	v0 =	vpop (erf)  }
0x166: {  	v0 =	vadd.f32 $1.000000000e+00, v0;
	_ =	sdelay $0x1  }
0x167: {  	(erf) = vrcp.f32 v0;
	_ =	sdelay $0x8  }
0x168: {  	[tilespmem:$0x35D0] =	vst v2;
	v0 =	vpop (erf)  }
0x169: {  	s30 =	simm.s32 $0x0;
	s31 =	simm.s32 $0x35D0;
	[tilespmem:$0x35E0] =	vst v0  }
0x16a: {  	[hbm4b:s4+s30] =	stream.linear.scatter [tilespmem:s31], [sflag:$0x3], $0x20, $0x38;
	[tilespmem:$0x36D0] =	vst v63  }
0x16b: {  	_ =	swait.ge [sflag:s28], $0x20  }
0x16c: {  	[sflag:s28] =	ssyncset.done $0x0  }
0x16d: {  	[sflag:s28] =	ssyncadd.s32 $0xFFFFFFE0  }
0x16e: {  	_ =	sfence.sel $0x180000  }
0x16f: {  	[bflag:$0x0] =	sbarrier.arrive $0xFFFF  }
0x170: {  	p0 =	sne.s32 s1, $0x0;
	_ =	strace $0x90000047  }
0x171: {  	s0 =	sadd.s32 @!p0 $0x100000, s0;
	[bflag:$0x2] =	sbarrier.arrive $0xFFFF  }
0x172: {  	[sflag:s0] =	ssyncadd.tile.s32 @!p0 $0x1;
	_ =	shalt  }
.Lfunc_end2:
_tile_overlayer_lowered:
.L_overlay_start_2:
0x173: {  	(tag) =	ssettag $0x2  }
0x174: {  	s0 =	rddreg [dreg:$0x0];
	s2 =	stileid.u32  }
0x175: {  	s1 =	rddreg [dreg:$0x1];
	p0 =	sne.s32 s2, $0x0  }
0x176: {  	s3 =	rddreg [dreg:$0x2];
	[bflag:$0x3] =	sbarrier.arrive $0xFFFF;
	s2 =	simm.s32 @!p0 $0x1C03  }
0x177: {  	[timem:s3], [sflag:s2] =	dma.local @!p0 [hbm:s0], s1  }
0x178: {  	s0 =	simm.s32 @!p0 $0x3  }
0x179: {  	_ =	swait.ge @!p0 [sflag:s0], s1  }
0x17a: {  	s1 =	ssub.s32 @!p0 $0x0, s1;
	[sflag:s0] =	ssyncset.done @!p0 $0x0  }
0x17b: {  	[sflag:s0] =	ssyncadd.s32 @!p0 s1  }
0x17c: {  	[bflag:$0x3] =	sbarrier.arrive $0xFFFF  }
0x17d: {  	_ =	shalt  }

</sc_bundles>
